<compile_context>
chip_gen: v7x
topology: tpu7x:2x2x1
jax: 0.10.2.dev20260603
libtpu: 0.0.44.dev20260713+nightly
codegen_flags: <defaults>
</compile_context>

<pallas_src>
import functools

import jax
import jax.numpy as jnp
from jax import lax
from jax.experimental import pallas as pl
from jax.experimental.pallas import tpu as pltpu
from jax.experimental.pallas import tpu_sc as plsc

N_NODES = 10000
N_EDGES = 160000
NC = 2
NS = 16
N_PAD = 10240
RPT = N_PAD // NS

_mesh = lambda: plsc.VectorSubcoreMesh(
    core_axis_name="c", subcore_axis_name="s", num_cores=NC, num_subcores=NS)


DEG_STEPS = N_EDGES // NS // 16
HROWS = 128
HRPT = HROWS // NS


def _deg_body(ei_ref, deg_ref, idx_v, acc2d, tmp2d, fin2d, sh):
    c = lax.axis_index("c")
    s = lax.axis_index("s")
    ones = jnp.ones((16,), jnp.float32)
    zeros = jnp.zeros((16,), jnp.float32)

    def zero_row(k, carry):
        for j in range(8):
            acc2d[k, pl.ds(j * 16, 16)] = zeros
        return carry

    lax.fori_loop(0, HROWS, zero_row, 0)
    pltpu.sync_copy(ei_ref.at[c, s], idx_v)

    def step(k, carry):
        iv = idx_v[k, :]
        plsc.addupdate_scatter(
            acc2d, [lax.shift_right_logical(iv, 7),
                    lax.bitwise_and(iv, 127)], ones)
        return carry

    lax.fori_loop(0, DEG_STEPS, step, 0)
    pltpu.sync_copy(acc2d, sh.at[s])
    plsc.subcore_barrier()

    for r in range(HRPT):
        for j in range(8):
            fin2d[r, pl.ds(j * 16, 16)] = zeros

    def red(j, carry):
        pltpu.sync_copy(sh.at[j, pl.ds(s * HRPT, HRPT), :], tmp2d)
        for r in range(HRPT):
            for q in range(8):
                sl = pl.ds(q * 16, 16)
                fin2d[r, sl] = fin2d[r, sl] + tmp2d[r, sl]
        return carry

    lax.fori_loop(0, NS, red, 0)
    pltpu.sync_copy(fin2d, deg_ref.at[c, pl.ds(s * HRPT, HRPT), :])


_deg_call = functools.partial(
    pl.kernel,
    out_type=jax.ShapeDtypeStruct((NC, HROWS, 128), jnp.float32),
    mesh=_mesh(),
    scratch_types=[
        pltpu.VMEM((DEG_STEPS, 16), jnp.int32),
        pltpu.VMEM((HROWS, 128), jnp.float32),
        pltpu.VMEM((HRPT, 128), jnp.float32),
        pltpu.VMEM((HRPT, 128), jnp.float32),
        pltpu.VMEM_SHARED((NS, HROWS, 128), jnp.float32),
    ],
    compiler_params=pltpu.CompilerParams(needs_layout_passes=False),
)(_deg_body)


CHUNK = 80
NCHUNK = 125
E_CHUNK2 = 40
NCHUNK2 = 125


def _seg_body(h_ref, ei_ref, zeros_hbm, agg_ref, idx_s, idx_d, rows, acc, sem):
    c = lax.axis_index("c")
    s = lax.axis_index("s")
    r0 = s * RPT
    pltpu.sync_copy(zeros_hbm, acc.at[pl.ds(r0, RPT), :])
    pltpu.sync_copy(ei_ref.at[0, s], idx_s)
    pltpu.sync_copy(ei_ref.at[1, s], idx_d)
    off = c * N_NODES

    def add_off(r, carry):
        for i in range(CHUNK // 16):
            sl = pl.ds(i * 16, 16)
            idx_s[r, sl] = idx_s[r, sl] + off
        return carry

    lax.fori_loop(0, NCHUNK, add_off, 0)
    plsc.subcore_barrier()

    def step(k, carry):
        pltpu.async_copy(h_ref.at[idx_s.at[k]], rows, sem).wait()
        pltpu.sync_copy(rows, acc.at[idx_d.at[k]], add=True)
        return carry

    lax.fori_loop(0, NCHUNK, step, 0)
    plsc.subcore_barrier()
    pltpu.sync_copy(acc.at[pl.ds(r0, RPT), :],
                    agg_ref.at[c, pl.ds(r0, RPT), :])


_seg128 = functools.partial(
    pl.kernel,
    out_type=jax.ShapeDtypeStruct((NC, N_PAD, 128), jnp.float32),
    mesh=_mesh(),
    scratch_types=[
        pltpu.VMEM((NCHUNK, CHUNK), jnp.int32),
        pltpu.VMEM((NCHUNK, CHUNK), jnp.int32),
        pltpu.VMEM((CHUNK, 128), jnp.float32),
        pltpu.VMEM_SHARED((N_PAD, 128), jnp.float32),
        pltpu.SemaphoreType.DMA,
    ],
)(_seg_body)


def _seg2_body(h_ref, ei_ref, zeros_hbm, agg_ref, idx_s, idx_d, rows, acc, sem):
    c = lax.axis_index("c")
    s = lax.axis_index("s")
    w = c * NS + s
    r0 = s * RPT
    pltpu.sync_copy(zeros_hbm, acc.at[pl.ds(r0, RPT), :])
    pltpu.sync_copy(ei_ref.at[0, w], idx_s)
    pltpu.sync_copy(ei_ref.at[1, w], idx_d)
    plsc.subcore_barrier()

    def step(k, carry):
        pltpu.async_copy(h_ref.at[idx_s.at[k]], rows, sem).wait()
        pltpu.sync_copy(rows, acc.at[idx_d.at[k]], add=True)
        return carry

    lax.fori_loop(0, NCHUNK2, step, 0)
    plsc.subcore_barrier()
    pltpu.sync_copy(acc.at[pl.ds(r0, RPT), :],
                    agg_ref.at[c, pl.ds(r0, RPT), :])


_seg2 = functools.partial(
    pl.kernel,
    out_type=jax.ShapeDtypeStruct((NC, N_PAD, 128), jnp.float32),
    mesh=_mesh(),
    scratch_types=[
        pltpu.VMEM((NCHUNK2, E_CHUNK2), jnp.int32),
        pltpu.VMEM((NCHUNK2, E_CHUNK2), jnp.int32),
        pltpu.VMEM((E_CHUNK2, 128), jnp.float32),
        pltpu.VMEM_SHARED((N_PAD, 128), jnp.float32),
        pltpu.SemaphoreType.DMA,
    ],
)(_seg2_body)


_RB = 400


def _norm(deg_blk):
    return lax.rsqrt(jnp.maximum(deg_blk[:, 0:1], 1.0))


def _mm1_body(x_ref, w_ref, deg_ref, out_ref):
    out_ref[0] = jnp.dot(x_ref[...], w_ref[...],
                         preferred_element_type=jnp.float32) * _norm(deg_ref)


def _mm1(x, w1, deg_out):
    f = x.shape[1]
    return pl.pallas_call(
        _mm1_body,
        grid=(N_NODES // _RB, 2),
        in_specs=[
            pl.BlockSpec((_RB, f), lambda i, j: (i, 0)),
            pl.BlockSpec((f, 128), lambda i, j: (0, j)),
            pl.BlockSpec((_RB, 16), lambda i, j: (i, 0)),
        ],
        out_specs=pl.BlockSpec((1, _RB, 128), lambda i, j: (j, i, 0)),
        out_shape=jax.ShapeDtypeStruct((2, N_NODES, 128), jnp.float32),
    )(x, w1, deg_out)


def _mm2_body(a_ref, w_ref, din_ref, dout_ref, b1_ref, out_ref):
    nd = _norm(din_ref)
    x0 = jnp.maximum(a_ref[0] * nd + b1_ref[0], 0.0)
    x1 = jnp.maximum(a_ref[1] * nd + b1_ref[1], 0.0)
    w = w_ref[...]
    h = (jnp.dot(x0, w[:128], preferred_element_type=jnp.float32)
         + jnp.dot(x1, w[128:], preferred_element_type=jnp.float32))
    out_ref[...] = h * _norm(dout_ref)


def _mm2(agg1, w2, deg_in, deg_out, b1):
    return pl.pallas_call(
        _mm2_body,
        grid=(N_NODES // _RB,),
        in_specs=[
            pl.BlockSpec((2, _RB, 128), lambda i: (0, i, 0)),
            pl.BlockSpec((256, 128), lambda i: (0, 0)),
            pl.BlockSpec((_RB, 16), lambda i: (i, 0)),
            pl.BlockSpec((_RB, 16), lambda i: (i, 0)),
            pl.BlockSpec((2, 128), lambda i: (0, 0)),
        ],
        out_specs=pl.BlockSpec((_RB, 128), lambda i: (i, 0)),
        out_shape=jax.ShapeDtypeStruct((N_NODES, 128), jnp.float32),
    )(agg1, w2, deg_in, deg_out, b1)


def _epi_body(a_ref, din_ref, b2_ref, out_ref):
    nd = _norm(din_ref)
    out_ref[...] = (a_ref[0] + a_ref[1]) * nd + b2_ref[...]


def _epi(agg2, deg_in, b2):
    return pl.pallas_call(
        _epi_body,
        grid=(N_NODES // _RB,),
        in_specs=[
            pl.BlockSpec((2, _RB, 128), lambda i: (0, i, 0)),
            pl.BlockSpec((_RB, 16), lambda i: (i, 0)),
            pl.BlockSpec((1, 128), lambda i: (0, 0)),
        ],
        out_specs=pl.BlockSpec((_RB, 128), lambda i: (i, 0)),
        out_shape=jax.ShapeDtypeStruct((N_NODES, 128), jnp.float32),
    )(agg2, deg_in, b2)


def kernel(in_feat, edge_index, W1, b1, W2, b2):
    ei4 = edge_index.reshape(2, NS, NCHUNK, CHUNK)
    ei32 = edge_index.reshape(2, NC * NS, NCHUNK2, E_CHUNK2)
    ei16 = edge_index.reshape(2, NS, DEG_STEPS, 16)
    zer128 = jnp.zeros((RPT, 128), jnp.float32)

    degs = _deg_call(ei16).reshape(2, HROWS * 128)[:, :N_PAD]
    deg_out = jnp.broadcast_to(degs[0][:, None], (N_PAD, 16))
    deg_in = jnp.broadcast_to(degs[1][:, None], (N_PAD, 16))

    h1 = _mm1(in_feat, W1, deg_out)
    agg1 = _seg128(h1.reshape(2 * N_NODES, 128), ei4, zer128)
    h2 = _mm2(agg1, W2, deg_in, deg_out, b1.reshape(2, 128))
    agg2 = _seg2(h2, ei32, zer128)
    return _epi(agg2, deg_in, b2.reshape(1, 128))

# --- scband reference (transcript-rebuilt; emitter-appended) ---
"""Pipeline reference for scband-gcn-66657892434294 (READ-ONLY COPY).

The authoritative reference and input builder live on the scoring server;
editing this copy changes nothing except your own understanding.
"""

import jax, jax.numpy as jnp
import numpy as np

N_NODES = 10000
N_EDGES = 160000
IN_FEATS = 256
H_FEATS = 256
D_EMBED = 128


def setup_inputs(seed: int = 0) -> dict:
    key = jax.random.key(seed)
    k1, k2, k3, k4, k5, k6 = jax.random.split(key, 6)
    in_feat = jax.random.normal(k1, (N_NODES, IN_FEATS), dtype=jnp.float32)
    edge_index = jax.random.randint(k2, (2, N_EDGES), 0, N_NODES, dtype=jnp.int32)
    # GraphConv layer 1 params (glorot-ish init)
    W1 = jax.random.normal(k3, (IN_FEATS, H_FEATS), dtype=jnp.float32) * (1.0 / np.sqrt(IN_FEATS))
    b1 = jnp.zeros((H_FEATS,), dtype=jnp.float32)
    # GraphConv layer 2 params
    W2 = jax.random.normal(k4, (H_FEATS, D_EMBED), dtype=jnp.float32) * (1.0 / np.sqrt(H_FEATS))
    b2 = jnp.zeros((D_EMBED,), dtype=jnp.float32)
    return {"in_feat": in_feat, "edge_index": edge_index, "W1": W1, "b1": b1, "W2": W2, "b2": b2}


def _graph_conv(x, edge_index, W, b):
    # DGL GraphConv with norm='both': out = D_dst^{-1/2} A (D_src^{-1/2} (x W)) + b
    src = edge_index[0]
    dst = edge_index[1]
    ones = jnp.ones((edge_index.shape[1],), dtype=jnp.float32)
    deg_out = jax.ops.segment_sum(ones, src, num_segments=N_NODES)
    deg_in = jax.ops.segment_sum(ones, dst, num_segments=N_NODES)
    norm_src = jax.lax.rsqrt(jnp.maximum(deg_out, 1.0))
    norm_dst = jax.lax.rsqrt(jnp.maximum(deg_in, 1.0))
    h = x @ W                                  # dense matmul (weight first: in >= out)
    msg = h[src] * norm_src[src][:, None]      # gather over edges
    agg = jax.ops.segment_sum(msg, dst, num_segments=N_NODES)  # scatter-add
    return agg * norm_dst[:, None] + b


def reference(in_feat, edge_index, W1, b1, W2, b2):
    h = _graph_conv(in_feat, edge_index, W1, b1)
    h = jax.nn.relu(h)
    # dropout is identity in eval mode
    h = _graph_conv(h, edge_index, W2, b2)
    return h

if __name__ == "__main__":
    import jax
    _d = setup_inputs()
    print(jax.jit(kernel)(*tuple(_d.values())))

</pallas_src>

<mosaic_0001>
#map = affine_map<(d0, d1) -> (0, 0, 0, 0)>
#map1 = affine_map<(d0, d1) -> (0, 0, 0)>
module attributes {stable_mosaic.version = 14 : i64} {
  func.func @_deg_body(%arg0: i32, %arg1: i32, %arg2: memref<2x16x625x16xi32, #tpu.memory_space<hbm>>, %arg3: memref<2x128x128xf32, #tpu.memory_space<hbm>>, %arg4: memref<625x16xi32, #tpu.memory_space<vmem>>, %arg5: memref<128x128xf32, #tpu.memory_space<vmem>>, %arg6: memref<8x128xf32, #tpu.memory_space<vmem>>, %arg7: memref<8x128xf32, #tpu.memory_space<vmem>>, %arg8: memref<16x128x128xf32, #tpu.memory_space<vmem_shared>>) attributes {dimension_semantics = [#tpu.dimension_semantics<core_parallel>, #tpu.dimension_semantics<subcore_parallel>], iteration_bounds = array<i64: 2, 16>, scalar_prefetch = 0 : i64, scratch_operands = 5 : i64, tpu.core_type = #tpu.core_type<sc_vector_subcore>, window_params = [{transform_indices = #map}, {transform_indices = #map1}]} {
    %broadcast_in_dim3A = arith.constant 1.000000e+00 : f32
    %broadcast_in_dim3A_0 = vector.broadcast %broadcast_in_dim3A : f32 to vector<16xf32>
    %broadcast_in_dim3A_1 = arith.constant 0.000000e+00 : f32
    %broadcast_in_dim3A_2 = vector.broadcast %broadcast_in_dim3A_1 : f32 to vector<16xf32>
    %scan3A = arith.constant 0 : i32
    %scan3A_3 = arith.constant 0 : i32
    %scan3A_4 = arith.constant 128 : i32
    %scan3A_5 = arith.addi %scan3A_3, %scan3A_4 : i32
    %scan3A_6 = arith.constant 1 : i32
    scf.for %scan3A_276 = %scan3A_3 to %scan3A_5 step %scan3A_6  : i32 {
      %swap3A_277 = arith.index_cast %scan3A_276 : i32 to index
      %swap3A_278 = arith.constant 0 : index
      %swap3A_279 = tpu.vector_load %arg5[%swap3A_277, %swap3A_278] {strides = array<i32>} : memref<128x128xf32, #tpu.memory_space<vmem>>, vector<16xf32>,
      tpu.vector_store %arg5[%swap3A_277, %swap3A_278], %broadcast_in_dim3A_2 {strides = array<i32>} : memref<128x128xf32, #tpu.memory_space<vmem>>, vector<16xf32>,
      %swap3A_280 = arith.index_cast %scan3A_276 : i32 to index
      %swap3A_281 = arith.constant 16 : index
      %swap3A_282 = tpu.vector_load %arg5[%swap3A_280, %swap3A_281] {strides = array<i32>} : memref<128x128xf32, #tpu.memory_space<vmem>>, vector<16xf32>,
      tpu.vector_store %arg5[%swap3A_280, %swap3A_281], %broadcast_in_dim3A_2 {strides = array<i32>} : memref<128x128xf32, #tpu.memory_space<vmem>>, vector<16xf32>,
      %swap3A_283 = arith.index_cast %scan3A_276 : i32 to index
      %swap3A_284 = arith.constant 32 : index
      %swap3A_285 = tpu.vector_load %arg5[%swap3A_283, %swap3A_284] {strides = array<i32>} : memref<128x128xf32, #tpu.memory_space<vmem>>, vector<16xf32>,
      tpu.vector_store %arg5[%swap3A_283, %swap3A_284], %broadcast_in_dim3A_2 {strides = array<i32>} : memref<128x128xf32, #tpu.memory_space<vmem>>, vector<16xf32>,
      %swap3A_286 = arith.index_cast %scan3A_276 : i32 to index
      %swap3A_287 = arith.constant 48 : index
      %swap3A_288 = tpu.vector_load %arg5[%swap3A_286, %swap3A_287] {strides = array<i32>} : memref<128x128xf32, #tpu.memory_space<vmem>>, vector<16xf32>,
      tpu.vector_store %arg5[%swap3A_286, %swap3A_287], %broadcast_in_dim3A_2 {strides = array<i32>} : memref<128x128xf32, #tpu.memory_space<vmem>>, vector<16xf32>,
      %swap3A_289 = arith.index_cast %scan3A_276 : i32 to index
      %swap3A_290 = arith.constant 64 : index
      %swap3A_291 = tpu.vector_load %arg5[%swap3A_289, %swap3A_290] {strides = array<i32>} : memref<128x128xf32, #tpu.memory_space<vmem>>, vector<16xf32>,
      tpu.vector_store %arg5[%swap3A_289, %swap3A_290], %broadcast_in_dim3A_2 {strides = array<i32>} : memref<128x128xf32, #tpu.memory_space<vmem>>, vector<16xf32>,
      %swap3A_292 = arith.index_cast %scan3A_276 : i32 to index
      %swap3A_293 = arith.constant 80 : index
      %swap3A_294 = tpu.vector_load %arg5[%swap3A_292, %swap3A_293] {strides = array<i32>} : memref<128x128xf32, #tpu.memory_space<vmem>>, vector<16xf32>,
      tpu.vector_store %arg5[%swap3A_292, %swap3A_293], %broadcast_in_dim3A_2 {strides = array<i32>} : memref<128x128xf32, #tpu.memory_space<vmem>>, vector<16xf32>,
      %swap3A_295 = arith.index_cast %scan3A_276 : i32 to index
      %swap3A_296 = arith.constant 96 : index
      %swap3A_297 = tpu.vector_load %arg5[%swap3A_295, %swap3A_296] {strides = array<i32>} : memref<128x128xf32, #tpu.memory_space<vmem>>, vector<16xf32>,
      tpu.vector_store %arg5[%swap3A_295, %swap3A_296], %broadcast_in_dim3A_2 {strides = array<i32>} : memref<128x128xf32, #tpu.memory_space<vmem>>, vector<16xf32>,
      %swap3A_298 = arith.index_cast %scan3A_276 : i32 to index
      %swap3A_299 = arith.constant 112 : index
      %swap3A_300 = tpu.vector_load %arg5[%swap3A_298, %swap3A_299] {strides = array<i32>} : memref<128x128xf32, #tpu.memory_space<vmem>>, vector<16xf32>,
      tpu.vector_store %arg5[%swap3A_298, %swap3A_299], %broadcast_in_dim3A_2 {strides = array<i32>} : memref<128x128xf32, #tpu.memory_space<vmem>>, vector<16xf32>,
    }
    %scan3A_7 = arith.constant 128 : i32
    "tpu.region"() ({
      %run_scoped3A = tpu.sem_alloc : memref<!tpu.dma_semaphore, #tpu.memory_space<semaphore_mem>>
      %dma_start3A = arith.constant 0 : i32
      %dma_start3A_276 = arith.constant 0 : i32
      %dma_start3A_277 = tpu.memref_slice %arg2[%arg0, %arg1, %dma_start3A, %dma_start3A_276] : memref<2x16x625x16xi32, #tpu.memory_space<hbm>> -> memref<1x1x625x16xi32, #tpu.memory_space<hbm>>
      %dma_start3A_278 = tpu.memref_squeeze %dma_start3A_277 : memref<1x1x625x16xi32, #tpu.memory_space<hbm>> -> memref<625x16xi32, #tpu.memory_space<hbm>>
      %dma_start3A_279 = arith.constant 0 : i32
      %dma_start3A_280 = arith.constant 0 : i32
      %dma_start3A_281 = tpu.memref_slice %arg2[%arg0, %arg1, %dma_start3A_279, %dma_start3A_280] : memref<2x16x625x16xi32, #tpu.memory_space<hbm>> -> memref<1x1x625x16xi32, #tpu.memory_space<hbm>>
      %dma_start3A_282 = tpu.memref_squeeze %dma_start3A_281 : memref<1x1x625x16xi32, #tpu.memory_space<hbm>> -> memref<625x16xi32, #tpu.memory_space<hbm>>
      tpu.enqueue_dma source(%dma_start3A_282 : memref<625x16xi32, #tpu.memory_space<hbm>>) target(%arg4 : memref<625x16xi32, #tpu.memory_space<vmem>>) target_semaphore(%run_scoped3A : memref<!tpu.dma_semaphore, #tpu.memory_space<semaphore_mem>>)
      %dma_wait3A = arith.constant 0 : i32
      %dma_wait3A_283 = arith.constant 0 : i32
      %dma_wait3A_284 = tpu.memref_slice %arg2[%arg0, %arg1, %dma_wait3A, %dma_wait3A_283] : memref<2x16x625x16xi32, #tpu.memory_space<hbm>> -> memref<1x1x625x16xi32, #tpu.memory_space<hbm>>
      %dma_wait3A_285 = tpu.memref_squeeze %dma_wait3A_284 : memref<1x1x625x16xi32, #tpu.memory_space<hbm>> -> memref<625x16xi32, #tpu.memory_space<hbm>>
      %dma_wait3A_286 = arith.constant 0 : i32
      %dma_wait3A_287 = arith.constant 0 : i32
      %dma_wait3A_288 = tpu.memref_slice %arg2[%arg0, %arg1, %dma_wait3A_286, %dma_wait3A_287] : memref<2x16x625x16xi32, #tpu.memory_space<hbm>> -> memref<1x1x625x16xi32, #tpu.memory_space<hbm>>
      %dma_wait3A_289 = tpu.memref_squeeze %dma_wait3A_288 : memref<1x1x625x16xi32, #tpu.memory_space<hbm>> -> memref<625x16xi32, #tpu.memory_space<hbm>>
      tpu.wait_dma2 semaphore(%run_scoped3A : memref<!tpu.dma_semaphore, #tpu.memory_space<semaphore_mem>>) src(%dma_wait3A_289 : memref<625x16xi32, #tpu.memory_space<hbm>>) dst(%arg4 : memref<625x16xi32, #tpu.memory_space<vmem>>)
      tpu.yield
    }) : () -> ()
    %scan3A_8 = arith.constant 0 : i32
    %scan3A_9 = arith.constant 0 : i32
    %scan3A_10 = arith.constant 625 : i32
    %scan3A_11 = arith.addi %scan3A_9, %scan3A_10 : i32
    %scan3A_12 = arith.constant 1 : i32
    scf.for %scan3A_276 = %scan3A_9 to %scan3A_11 step %scan3A_12  : i32 {
      %get3A = arith.index_cast %scan3A_276 : i32 to index
      %get3A_277 = arith.constant 0 : index
      %get3A_278 = tpu.vector_load %arg4[%get3A, %get3A_277] {strides = array<i32>} : memref<625x16xi32, #tpu.memory_space<vmem>>, vector<16xi32>,
      %shift_right_logical3A = arith.constant 7 : i32
      %shift_right_logical3A_279 = vector.broadcast %shift_right_logical3A : i32 to vector<16xi32>
      %shift_right_logical3A_280 = arith.shrui %get3A_278, %shift_right_logical3A_279 : vector<16xi32>
      %and3A = arith.constant 127 : i32
      %and3A_281 = vector.broadcast %and3A : i32 to vector<16xi32>
      %and3A_282 = arith.andi %get3A_278, %and3A_281 : vector<16xi32>
      tpu.vector_store_idx %arg5[%shift_right_logical3A_280, %and3A_282], %broadcast_in_dim3A_0 {add = true} : memref<128x128xf32, #tpu.memory_space<vmem>>[vector<16xi32>, vector<16xi32>], vector<16xf32>,
    }
    %scan3A_13 = arith.constant 625 : i32
    "tpu.region"() ({
      %run_scoped3A = tpu.sem_alloc : memref<!tpu.dma_semaphore, #tpu.memory_space<semaphore_mem>>
      %dma_start3A = arith.constant 0 : i32
      %dma_start3A_276 = arith.constant 0 : i32
      %dma_start3A_277 = tpu.memref_slice %arg8[%arg1, %dma_start3A, %dma_start3A_276] : memref<16x128x128xf32, #tpu.memory_space<vmem_shared>> -> memref<1x128x128xf32, #tpu.memory_space<vmem_shared>>
      %dma_start3A_278 = tpu.memref_squeeze %dma_start3A_277 : memref<1x128x128xf32, #tpu.memory_space<vmem_shared>> -> memref<128x128xf32, #tpu.memory_space<vmem_shared>>
      %dma_start3A_279 = arith.constant 0 : i32
      %dma_start3A_280 = arith.constant 0 : i32
      %dma_start3A_281 = tpu.memref_slice %arg8[%arg1, %dma_start3A_279, %dma_start3A_280] : memref<16x128x128xf32, #tpu.memory_space<vmem_shared>> -> memref<1x128x128xf32, #tpu.memory_space<vmem_shared>>
      %dma_start3A_282 = tpu.memref_squeeze %dma_start3A_281 : memref<1x128x128xf32, #tpu.memory_space<vmem_shared>> -> memref<128x128xf32, #tpu.memory_space<vmem_shared>>
      tpu.enqueue_dma source(%arg5 : memref<128x128xf32, #tpu.memory_space<vmem>>) target(%dma_start3A_282 : memref<128x128xf32, #tpu.memory_space<vmem_shared>>) target_semaphore(%run_scoped3A : memref<!tpu.dma_semaphore, #tpu.memory_space<semaphore_mem>>)
      %dma_wait3A = arith.constant 0 : i32
      %dma_wait3A_283 = arith.constant 0 : i32
      %dma_wait3A_284 = tpu.memref_slice %arg8[%arg1, %dma_wait3A, %dma_wait3A_283] : memref<16x128x128xf32, #tpu.memory_space<vmem_shared>> -> memref<1x128x128xf32, #tpu.memory_space<vmem_shared>>
      %dma_wait3A_285 = tpu.memref_squeeze %dma_wait3A_284 : memref<1x128x128xf32, #tpu.memory_space<vmem_shared>> -> memref<128x128xf32, #tpu.memory_space<vmem_shared>>
      %dma_wait3A_286 = arith.constant 0 : i32
      %dma_wait3A_287 = arith.constant 0 : i32
      %dma_wait3A_288 = tpu.memref_slice %arg8[%arg1, %dma_wait3A_286, %dma_wait3A_287] : memref<16x128x128xf32, #tpu.memory_space<vmem_shared>> -> memref<1x128x128xf32, #tpu.memory_space<vmem_shared>>
      %dma_wait3A_289 = tpu.memref_squeeze %dma_wait3A_288 : memref<1x128x128xf32, #tpu.memory_space<vmem_shared>> -> memref<128x128xf32, #tpu.memory_space<vmem_shared>>
      tpu.wait_dma2 semaphore(%run_scoped3A : memref<!tpu.dma_semaphore, #tpu.memory_space<semaphore_mem>>) src(%arg5 : memref<128x128xf32, #tpu.memory_space<vmem>>) dst(%dma_wait3A_289 : memref<128x128xf32, #tpu.memory_space<vmem_shared>>)
      tpu.yield
    }) : () -> ()
    %barrier3A = arith.constant 0 : index
    tpu.barrier barrier_id(%barrier3A)
    %swap3A = arith.constant 0 : i32
    %swap3A_14 = arith.index_cast %swap3A : i32 to index
    %swap3A_15 = arith.constant 0 : index
    %swap3A_16 = tpu.vector_load %arg7[%swap3A_14, %swap3A_15] {strides = array<i32>} : memref<8x128xf32, #tpu.memory_space<vmem>>, vector<16xf32>,
    tpu.vector_store %arg7[%swap3A_14, %swap3A_15], %broadcast_in_dim3A_2 {strides = array<i32>} : memref<8x128xf32, #tpu.memory_space<vmem>>, vector<16xf32>,
    %swap3A_17 = arith.constant 0 : i32
    %swap3A_18 = arith.index_cast %swap3A_17 : i32 to index
    %swap3A_19 = arith.constant 16 : index
    %swap3A_20 = tpu.vector_load %arg7[%swap3A_18, %swap3A_19] {strides = array<i32>} : memref<8x128xf32, #tpu.memory_space<vmem>>, vector<16xf32>,
    tpu.vector_store %arg7[%swap3A_18, %swap3A_19], %broadcast_in_dim3A_2 {strides = array<i32>} : memref<8x128xf32, #tpu.memory_space<vmem>>, vector<16xf32>,
    %swap3A_21 = arith.constant 0 : i32
    %swap3A_22 = arith.index_cast %swap3A_21 : i32 to index
    %swap3A_23 = arith.constant 32 : index
    %swap3A_24 = tpu.vector_load %arg7[%swap3A_22, %swap3A_23] {strides = array<i32>} : memref<8x128xf32, #tpu.memory_space<vmem>>, vector<16xf32>,
    tpu.vector_store %arg7[%swap3A_22, %swap3A_23], %broadcast_in_dim3A_2 {strides = array<i32>} : memref<8x128xf32, #tpu.memory_space<vmem>>, vector<16xf32>,
    %swap3A_25 = arith.constant 0 : i32
    %swap3A_26 = arith.index_cast %swap3A_25 : i32 to index
    %swap3A_27 = arith.constant 48 : index
    %swap3A_28 = tpu.vector_load %arg7[%swap3A_26, %swap3A_27] {strides = array<i32>} : memref<8x128xf32, #tpu.memory_space<vmem>>, vector<16xf32>,
    tpu.vector_store %arg7[%swap3A_26, %swap3A_27], %broadcast_in_dim3A_2 {strides = array<i32>} : memref<8x128xf32, #tpu.memory_space<vmem>>, vector<16xf32>,
    %swap3A_29 = arith.constant 0 : i32
    %swap3A_30 = arith.index_cast %swap3A_29 : i32 to index
    %swap3A_31 = arith.constant 64 : index
    %swap3A_32 = tpu.vector_load %arg7[%swap3A_30, %swap3A_31] {strides = array<i32>} : memref<8x128xf32, #tpu.memory_space<vmem>>, vector<16xf32>,
    tpu.vector_store %arg7[%swap3A_30, %swap3A_31], %broadcast_in_dim3A_2 {strides = array<i32>} : memref<8x128xf32, #tpu.memory_space<vmem>>, vector<16xf32>,
    %swap3A_33 = arith.constant 0 : i32
    %swap3A_34 = arith.index_cast %swap3A_33 : i32 to index
    %swap3A_35 = arith.constant 80 : index
    %swap3A_36 = tpu.vector_load %arg7[%swap3A_34, %swap3A_35] {strides = array<i32>} : memref<8x128xf32, #tpu.memory_space<vmem>>, vector<16xf32>,
    tpu.vector_store %arg7[%swap3A_34, %swap3A_35], %broadcast_in_dim3A_2 {strides = array<i32>} : memref<8x128xf32, #tpu.memory_space<vmem>>, vector<16xf32>,
    %swap3A_37 = arith.constant 0 : i32
    %swap3A_38 = arith.index_cast %swap3A_37 : i32 to index
    %swap3A_39 = arith.constant 96 : index
    %swap3A_40 = tpu.vector_load %arg7[%swap3A_38, %swap3A_39] {strides = array<i32>} : memref<8x128xf32, #tpu.memory_space<vmem>>, vector<16xf32>,
    tpu.vector_store %arg7[%swap3A_38, %swap3A_39], %broadcast_in_dim3A_2 {strides = array<i32>} : memref<8x128xf32, #tpu.memory_space<vmem>>, vector<16xf32>,
    %swap3A_41 = arith.constant 0 : i32
    %swap3A_42 = arith.index_cast %swap3A_41 : i32 to index
    %swap3A_43 = arith.constant 112 : index
    %swap3A_44 = tpu.vector_load %arg7[%swap3A_42, %swap3A_43] {strides = array<i32>} : memref<8x128xf32, #tpu.memory_space<vmem>>, vector<16xf32>,
    tpu.vector_store %arg7[%swap3A_42, %swap3A_43], %broadcast_in_dim3A_2 {strides = array<i32>} : memref<8x128xf32, #tpu.memory_space<vmem>>, vector<16xf32>,
    %swap3A_45 = arith.constant 1 : i32
    %swap3A_46 = arith.index_cast %swap3A_45 : i32 to index
    %swap3A_47 = arith.constant 0 : index
    %swap3A_48 = tpu.vector_load %arg7[%swap3A_46, %swap3A_47] {strides = array<i32>} : memref<8x128xf32, #tpu.memory_space<vmem>>, vector<16xf32>,
    tpu.vector_store %arg7[%swap3A_46, %swap3A_47], %broadcast_in_dim3A_2 {strides = array<i32>} : memref<8x128xf32, #tpu.memory_space<vmem>>, vector<16xf32>,
    %swap3A_49 = arith.constant 1 : i32
    %swap3A_50 = arith.index_cast %swap3A_49 : i32 to index
    %swap3A_51 = arith.constant 16 : index
    %swap3A_52 = tpu.vector_load %arg7[%swap3A_50, %swap3A_51] {strides = array<i32>} : memref<8x128xf32, #tpu.memory_space<vmem>>, vector<16xf32>,
    tpu.vector_store %arg7[%swap3A_50, %swap3A_51], %broadcast_in_dim3A_2 {strides = array<i32>} : memref<8x128xf32, #tpu.memory_space<vmem>>, vector<16xf32>,
    %swap3A_53 = arith.constant 1 : i32
    %swap3A_54 = arith.index_cast %swap3A_53 : i32 to index
    %swap3A_55 = arith.constant 32 : index
    %swap3A_56 = tpu.vector_load %arg7[%swap3A_54, %swap3A_55] {strides = array<i32>} : memref<8x128xf32, #tpu.memory_space<vmem>>, vector<16xf32>,
    tpu.vector_store %arg7[%swap3A_54, %swap3A_55], %broadcast_in_dim3A_2 {strides = array<i32>} : memref<8x128xf32, #tpu.memory_space<vmem>>, vector<16xf32>,
    %swap3A_57 = arith.constant 1 : i32
    %swap3A_58 = arith.index_cast %swap3A_57 : i32 to index
    %swap3A_59 = arith.constant 48 : index
    %swap3A_60 = tpu.vector_load %arg7[%swap3A_58, %swap3A_59] {strides = array<i32>} : memref<8x128xf32, #tpu.memory_space<vmem>>, vector<16xf32>,
    tpu.vector_store %arg7[%swap3A_58, %swap3A_59], %broadcast_in_dim3A_2 {strides = array<i32>} : memref<8x128xf32, #tpu.memory_space<vmem>>, vector<16xf32>,
    %swap3A_61 = arith.constant 1 : i32
    %swap3A_62 = arith.index_cast %swap3A_61 : i32 to index
    %swap3A_63 = arith.constant 64 : index
    %swap3A_64 = tpu.vector_load %arg7[%swap3A_62, %swap3A_63] {strides = array<i32>} : memref<8x128xf32, #tpu.memory_space<vmem>>, vector<16xf32>,
    tpu.vector_store %arg7[%swap3A_62, %swap3A_63], %broadcast_in_dim3A_2 {strides = array<i32>} : memref<8x128xf32, #tpu.memory_space<vmem>>, vector<16xf32>,
    %swap3A_65 = arith.constant 1 : i32
    %swap3A_66 = arith.index_cast %swap3A_65 : i32 to index
    %swap3A_67 = arith.constant 80 : index
    %swap3A_68 = tpu.vector_load %arg7[%swap3A_66, %swap3A_67] {strides = array<i32>} : memref<8x128xf32, #tpu.memory_space<vmem>>, vector<16xf32>,
    tpu.vector_store %arg7[%swap3A_66, %swap3A_67], %broadcast_in_dim3A_2 {strides = array<i32>} : memref<8x128xf32, #tpu.memory_space<vmem>>, vector<16xf32>,
    %swap3A_69 = arith.constant 1 : i32
    %swap3A_70 = arith.index_cast %swap3A_69 : i32 to index
    %swap3A_71 = arith.constant 96 : index
    %swap3A_72 = tpu.vector_load %arg7[%swap3A_70, %swap3A_71] {strides = array<i32>} : memref<8x128xf32, #tpu.memory_space<vmem>>, vector<16xf32>,
    tpu.vector_store %arg7[%swap3A_70, %swap3A_71], %broadcast_in_dim3A_2 {strides = array<i32>} : memref<8x128xf32, #tpu.memory_space<vmem>>, vector<16xf32>,
    %swap3A_73 = arith.constant 1 : i32
    %swap3A_74 = arith.index_cast %swap3A_73 : i32 to index
    %swap3A_75 = arith.constant 112 : index
    %swap3A_76 = tpu.vector_load %arg7[%swap3A_74, %swap3A_75] {strides = array<i32>} : memref<8x128xf32, #tpu.memory_space<vmem>>, vector<16xf32>,
    tpu.vector_store %arg7[%swap3A_74, %swap3A_75], %broadcast_in_dim3A_2 {strides = array<i32>} : memref<8x128xf32, #tpu.memory_space<vmem>>, vector<16xf32>,
    %swap3A_77 = arith.constant 2 : i32
    %swap3A_78 = arith.index_cast %swap3A_77 : i32 to index
    %swap3A_79 = arith.constant 0 : index
    %swap3A_80 = tpu.vector_load %arg7[%swap3A_78, %swap3A_79] {strides = array<i32>} : memref<8x128xf32, #tpu.memory_space<vmem>>, vector<16xf32>,
    tpu.vector_store %arg7[%swap3A_78, %swap3A_79], %broadcast_in_dim3A_2 {strides = array<i32>} : memref<8x128xf32, #tpu.memory_space<vmem>>, vector<16xf32>,
    %swap3A_81 = arith.constant 2 : i32
    %swap3A_82 = arith.index_cast %swap3A_81 : i32 to index
    %swap3A_83 = arith.constant 16 : index
    %swap3A_84 = tpu.vector_load %arg7[%swap3A_82, %swap3A_83] {strides = array<i32>} : memref<8x128xf32, #tpu.memory_space<vmem>>, vector<16xf32>,
    tpu.vector_store %arg7[%swap3A_82, %swap3A_83], %broadcast_in_dim3A_2 {strides = array<i32>} : memref<8x128xf32, #tpu.memory_space<vmem>>, vector<16xf32>,
    %swap3A_85 = arith.constant 2 : i32
    %swap3A_86 = arith.index_cast %swap3A_85 : i32 to index
    %swap3A_87 = arith.constant 32 : index
    %swap3A_88 = tpu.vector_load %arg7[%swap3A_86, %swap3A_87] {strides = array<i32>} : memref<8x128xf32, #tpu.memory_space<vmem>>, vector<16xf32>,
    tpu.vector_store %arg7[%swap3A_86, %swap3A_87], %broadcast_in_dim3A_2 {strides = array<i32>} : memref<8x128xf32, #tpu.memory_space<vmem>>, vector<16xf32>,
    %swap3A_89 = arith.constant 2 : i32
    %swap3A_90 = arith.index_cast %swap3A_89 : i32 to index
    %swap3A_91 = arith.constant 48 : index
    %swap3A_92 = tpu.vector_load %arg7[%swap3A_90, %swap3A_91] {strides = array<i32>} : memref<8x128xf32, #tpu.memory_space<vmem>>, vector<16xf32>,
    tpu.vector_store %arg7[%swap3A_90, %swap3A_91], %broadcast_in_dim3A_2 {strides = array<i32>} : memref<8x128xf32, #tpu.memory_space<vmem>>, vector<16xf32>,
    %swap3A_93 = arith.constant 2 : i32
    %swap3A_94 = arith.index_cast %swap3A_93 : i32 to index
    %swap3A_95 = arith.constant 64 : index
    %swap3A_96 = tpu.vector_load %arg7[%swap3A_94, %swap3A_95] {strides = array<i32>} : memref<8x128xf32, #tpu.memory_space<vmem>>, vector<16xf32>,
    tpu.vector_store %arg7[%swap3A_94, %swap3A_95], %broadcast_in_dim3A_2 {strides = array<i32>} : memref<8x128xf32, #tpu.memory_space<vmem>>, vector<16xf32>,
    %swap3A_97 = arith.constant 2 : i32
    %swap3A_98 = arith.index_cast %swap3A_97 : i32 to index
    %swap3A_99 = arith.constant 80 : index
    %swap3A_100 = tpu.vector_load %arg7[%swap3A_98, %swap3A_99] {strides = array<i32>} : memref<8x128xf32, #tpu.memory_space<vmem>>, vector<16xf32>,
    tpu.vector_store %arg7[%swap3A_98, %swap3A_99], %broadcast_in_dim3A_2 {strides = array<i32>} : memref<8x128xf32, #tpu.memory_space<vmem>>, vector<16xf32>,
    %swap3A_101 = arith.constant 2 : i32
    %swap3A_102 = arith.index_cast %swap3A_101 : i32 to index
    %swap3A_103 = arith.constant 96 : index
    %swap3A_104 = tpu.vector_load %arg7[%swap3A_102, %swap3A_103] {strides = array<i32>} : memref<8x128xf32, #tpu.memory_space<vmem>>, vector<16xf32>,
    tpu.vector_store %arg7[%swap3A_102, %swap3A_103], %broadcast_in_dim3A_2 {strides = array<i32>} : memref<8x128xf32, #tpu.memory_space<vmem>>, vector<16xf32>,
    %swap3A_105 = arith.constant 2 : i32
    %swap3A_106 = arith.index_cast %swap3A_105 : i32 to index
    %swap3A_107 = arith.constant 112 : index
    %swap3A_108 = tpu.vector_load %arg7[%swap3A_106, %swap3A_107] {strides = array<i32>} : memref<8x128xf32, #tpu.memory_space<vmem>>, vector<16xf32>,
    tpu.vector_store %arg7[%swap3A_106, %swap3A_107], %broadcast_in_dim3A_2 {strides = array<i32>} : memref<8x128xf32, #tpu.memory_space<vmem>>, vector<16xf32>,
    %swap3A_109 = arith.constant 3 : i32
    %swap3A_110 = arith.index_cast %swap3A_109 : i32 to index
    %swap3A_111 = arith.constant 0 : index
    %swap3A_112 = tpu.vector_load %arg7[%swap3A_110, %swap3A_111] {strides = array<i32>} : memref<8x128xf32, #tpu.memory_space<vmem>>, vector<16xf32>,
    tpu.vector_store %arg7[%swap3A_110, %swap3A_111], %broadcast_in_dim3A_2 {strides = array<i32>} : memref<8x128xf32, #tpu.memory_space<vmem>>, vector<16xf32>,
    %swap3A_113 = arith.constant 3 : i32
    %swap3A_114 = arith.index_cast %swap3A_113 : i32 to index
    %swap3A_115 = arith.constant 16 : index
    %swap3A_116 = tpu.vector_load %arg7[%swap3A_114, %swap3A_115] {strides = array<i32>} : memref<8x128xf32, #tpu.memory_space<vmem>>, vector<16xf32>,
    tpu.vector_store %arg7[%swap3A_114, %swap3A_115], %broadcast_in_dim3A_2 {strides = array<i32>} : memref<8x128xf32, #tpu.memory_space<vmem>>, vector<16xf32>,
    %swap3A_117 = arith.constant 3 : i32
    %swap3A_118 = arith.index_cast %swap3A_117 : i32 to index
    %swap3A_119 = arith.constant 32 : index
    %swap3A_120 = tpu.vector_load %arg7[%swap3A_118, %swap3A_119] {strides = array<i32>} : memref<8x128xf32, #tpu.memory_space<vmem>>, vector<16xf32>,
    tpu.vector_store %arg7[%swap3A_118, %swap3A_119], %broadcast_in_dim3A_2 {strides = array<i32>} : memref<8x128xf32, #tpu.memory_space<vmem>>, vector<16xf32>,
    %swap3A_121 = arith.constant 3 : i32
    %swap3A_122 = arith.index_cast %swap3A_121 : i32 to index
    %swap3A_123 = arith.constant 48 : index
    %swap3A_124 = tpu.vector_load %arg7[%swap3A_122, %swap3A_123] {strides = array<i32>} : memref<8x128xf32, #tpu.memory_space<vmem>>, vector<16xf32>,
    tpu.vector_store %arg7[%swap3A_122, %swap3A_123], %broadcast_in_dim3A_2 {strides = array<i32>} : memref<8x128xf32, #tpu.memory_space<vmem>>, vector<16xf32>,
    %swap3A_125 = arith.constant 3 : i32
    %swap3A_126 = arith.index_cast %swap3A_125 : i32 to index
    %swap3A_127 = arith.constant 64 : index
    %swap3A_128 = tpu.vector_load %arg7[%swap3A_126, %swap3A_127] {strides = array<i32>} : memref<8x128xf32, #tpu.memory_space<vmem>>, vector<16xf32>,
    tpu.vector_store %arg7[%swap3A_126, %swap3A_127], %broadcast_in_dim3A_2 {strides = array<i32>} : memref<8x128xf32, #tpu.memory_space<vmem>>, vector<16xf32>,
    %swap3A_129 = arith.constant 3 : i32
    %swap3A_130 = arith.index_cast %swap3A_129 : i32 to index
    %swap3A_131 = arith.constant 80 : index
    %swap3A_132 = tpu.vector_load %arg7[%swap3A_130, %swap3A_131] {strides = array<i32>} : memref<8x128xf32, #tpu.memory_space<vmem>>, vector<16xf32>,
    tpu.vector_store %arg7[%swap3A_130, %swap3A_131], %broadcast_in_dim3A_2 {strides = array<i32>} : memref<8x128xf32, #tpu.memory_space<vmem>>, vector<16xf32>,
    %swap3A_133 = arith.constant 3 : i32
    %swap3A_134 = arith.index_cast %swap3A_133 : i32 to index
    %swap3A_135 = arith.constant 96 : index
    %swap3A_136 = tpu.vector_load %arg7[%swap3A_134, %swap3A_135] {strides = array<i32>} : memref<8x128xf32, #tpu.memory_space<vmem>>, vector<16xf32>,
    tpu.vector_store %arg7[%swap3A_134, %swap3A_135], %broadcast_in_dim3A_2 {strides = array<i32>} : memref<8x128xf32, #tpu.memory_space<vmem>>, vector<16xf32>,
    %swap3A_137 = arith.constant 3 : i32
    %swap3A_138 = arith.index_cast %swap3A_137 : i32 to index
    %swap3A_139 = arith.constant 112 : index
    %swap3A_140 = tpu.vector_load %arg7[%swap3A_138, %swap3A_139] {strides = array<i32>} : memref<8x128xf32, #tpu.memory_space<vmem>>, vector<16xf32>,
    tpu.vector_store %arg7[%swap3A_138, %swap3A_139], %broadcast_in_dim3A_2 {strides = array<i32>} : memref<8x128xf32, #tpu.memory_space<vmem>>, vector<16xf32>,
    %swap3A_141 = arith.constant 4 : i32
    %swap3A_142 = arith.index_cast %swap3A_141 : i32 to index
    %swap3A_143 = arith.constant 0 : index
    %swap3A_144 = tpu.vector_load %arg7[%swap3A_142, %swap3A_143] {strides = array<i32>} : memref<8x128xf32, #tpu.memory_space<vmem>>, vector<16xf32>,
    tpu.vector_store %arg7[%swap3A_142, %swap3A_143], %broadcast_in_dim3A_2 {strides = array<i32>} : memref<8x128xf32, #tpu.memory_space<vmem>>, vector<16xf32>,
    %swap3A_145 = arith.constant 4 : i32
    %swap3A_146 = arith.index_cast %swap3A_145 : i32 to index
    %swap3A_147 = arith.constant 16 : index
    %swap3A_148 = tpu.vector_load %arg7[%swap3A_146, %swap3A_147] {strides = array<i32>} : memref<8x128xf32, #tpu.memory_space<vmem>>, vector<16xf32>,
    tpu.vector_store %arg7[%swap3A_146, %swap3A_147], %broadcast_in_dim3A_2 {strides = array<i32>} : memref<8x128xf32, #tpu.memory_space<vmem>>, vector<16xf32>,
    %swap3A_149 = arith.constant 4 : i32
    %swap3A_150 = arith.index_cast %swap3A_149 : i32 to index
    %swap3A_151 = arith.constant 32 : index
    %swap3A_152 = tpu.vector_load %arg7[%swap3A_150, %swap3A_151] {strides = array<i32>} : memref<8x128xf32, #tpu.memory_space<vmem>>, vector<16xf32>,
    tpu.vector_store %arg7[%swap3A_150, %swap3A_151], %broadcast_in_dim3A_2 {strides = array<i32>} : memref<8x128xf32, #tpu.memory_space<vmem>>, vector<16xf32>,
    %swap3A_153 = arith.constant 4 : i32
    %swap3A_154 = arith.index_cast %swap3A_153 : i32 to index
    %swap3A_155 = arith.constant 48 : index
    %swap3A_156 = tpu.vector_load %arg7[%swap3A_154, %swap3A_155] {strides = array<i32>} : memref<8x128xf32, #tpu.memory_space<vmem>>, vector<16xf32>,
    tpu.vector_store %arg7[%swap3A_154, %swap3A_155], %broadcast_in_dim3A_2 {strides = array<i32>} : memref<8x128xf32, #tpu.memory_space<vmem>>, vector<16xf32>,
    %swap3A_157 = arith.constant 4 : i32
    %swap3A_158 = arith.index_cast %swap3A_157 : i32 to index
    %swap3A_159 = arith.constant 64 : index
    %swap3A_160 = tpu.vector_load %arg7[%swap3A_158, %swap3A_159] {strides = array<i32>} : memref<8x128xf32, #tpu.memory_space<vmem>>, vector<16xf32>,
    tpu.vector_store %arg7[%swap3A_158, %swap3A_159], %broadcast_in_dim3A_2 {strides = array<i32>} : memref<8x128xf32, #tpu.memory_space<vmem>>, vector<16xf32>,
    %swap3A_161 = arith.constant 4 : i32
    %swap3A_162 = arith.index_cast %swap3A_161 : i32 to index
    %swap3A_163 = arith.constant 80 : index
    %swap3A_164 = tpu.vector_load %arg7[%swap3A_162, %swap3A_163] {strides = array<i32>} : memref<8x128xf32, #tpu.memory_space<vmem>>, vector<16xf32>,
    tpu.vector_store %arg7[%swap3A_162, %swap3A_163], %broadcast_in_dim3A_2 {strides = array<i32>} : memref<8x128xf32, #tpu.memory_space<vmem>>, vector<16xf32>,
    %swap3A_165 = arith.constant 4 : i32
    %swap3A_166 = arith.index_cast %swap3A_165 : i32 to index
    %swap3A_167 = arith.constant 96 : index
    %swap3A_168 = tpu.vector_load %arg7[%swap3A_166, %swap3A_167] {strides = array<i32>} : memref<8x128xf32, #tpu.memory_space<vmem>>, vector<16xf32>,
    tpu.vector_store %arg7[%swap3A_166, %swap3A_167], %broadcast_in_dim3A_2 {strides = array<i32>} : memref<8x128xf32, #tpu.memory_space<vmem>>, vector<16xf32>,
    %swap3A_169 = arith.constant 4 : i32
    %swap3A_170 = arith.index_cast %swap3A_169 : i32 to index
    %swap3A_171 = arith.constant 112 : index
    %swap3A_172 = tpu.vector_load %arg7[%swap3A_170, %swap3A_171] {strides = array<i32>} : memref<8x128xf32, #tpu.memory_space<vmem>>, vector<16xf32>,
    tpu.vector_store %arg7[%swap3A_170, %swap3A_171], %broadcast_in_dim3A_2 {strides = array<i32>} : memref<8x128xf32, #tpu.memory_space<vmem>>, vector<16xf32>,
    %swap3A_173 = arith.constant 5 : i32
    %swap3A_174 = arith.index_cast %swap3A_173 : i32 to index
    %swap3A_175 = arith.constant 0 : index
    %swap3A_176 = tpu.vector_load %arg7[%swap3A_174, %swap3A_175] {strides = array<i32>} : memref<8x128xf32, #tpu.memory_space<vmem>>, vector<16xf32>,
    tpu.vector_store %arg7[%swap3A_174, %swap3A_175], %broadcast_in_dim3A_2 {strides = array<i32>} : memref<8x128xf32, #tpu.memory_space<vmem>>, vector<16xf32>,
    %swap3A_177 = arith.constant 5 : i32
    %swap3A_178 = arith.index_cast %swap3A_177 : i32 to index
    %swap3A_179 = arith.constant 16 : index
    %swap3A_180 = tpu.vector_load %arg7[%swap3A_178, %swap3A_179] {strides = array<i32>} : memref<8x128xf32, #tpu.memory_space<vmem>>, vector<16xf32>,
    tpu.vector_store %arg7[%swap3A_178, %swap3A_179], %broadcast_in_dim3A_2 {strides = array<i32>} : memref<8x128xf32, #tpu.memory_space<vmem>>, vector<16xf32>,
    %swap3A_181 = arith.constant 5 : i32
    %swap3A_182 = arith.index_cast %swap3A_181 : i32 to index
    %swap3A_183 = arith.constant 32 : index
    %swap3A_184 = tpu.vector_load %arg7[%swap3A_182, %swap3A_183] {strides = array<i32>} : memref<8x128xf32, #tpu.memory_space<vmem>>, vector<16xf32>,
    tpu.vector_store %arg7[%swap3A_182, %swap3A_183], %broadcast_in_dim3A_2 {strides = array<i32>} : memref<8x128xf32, #tpu.memory_space<vmem>>, vector<16xf32>,
    %swap3A_185 = arith.constant 5 : i32
    %swap3A_186 = arith.index_cast %swap3A_185 : i32 to index
    %swap3A_187 = arith.constant 48 : index
    %swap3A_188 = tpu.vector_load %arg7[%swap3A_186, %swap3A_187] {strides = array<i32>} : memref<8x128xf32, #tpu.memory_space<vmem>>, vector<16xf32>,
    tpu.vector_store %arg7[%swap3A_186, %swap3A_187], %broadcast_in_dim3A_2 {strides = array<i32>} : memref<8x128xf32, #tpu.memory_space<vmem>>, vector<16xf32>,
    %swap3A_189 = arith.constant 5 : i32
    %swap3A_190 = arith.index_cast %swap3A_189 : i32 to index
    %swap3A_191 = arith.constant 64 : index
    %swap3A_192 = tpu.vector_load %arg7[%swap3A_190, %swap3A_191] {strides = array<i32>} : memref<8x128xf32, #tpu.memory_space<vmem>>, vector<16xf32>,
    tpu.vector_store %arg7[%swap3A_190, %swap3A_191], %broadcast_in_dim3A_2 {strides = array<i32>} : memref<8x128xf32, #tpu.memory_space<vmem>>, vector<16xf32>,
    %swap3A_193 = arith.constant 5 : i32
    %swap3A_194 = arith.index_cast %swap3A_193 : i32 to index
    %swap3A_195 = arith.constant 80 : index
    %swap3A_196 = tpu.vector_load %arg7[%swap3A_194, %swap3A_195] {strides = array<i32>} : memref<8x128xf32, #tpu.memory_space<vmem>>, vector<16xf32>,
    tpu.vector_store %arg7[%swap3A_194, %swap3A_195], %broadcast_in_dim3A_2 {strides = array<i32>} : memref<8x128xf32, #tpu.memory_space<vmem>>, vector<16xf32>,
    %swap3A_197 = arith.constant 5 : i32
    %swap3A_198 = arith.index_cast %swap3A_197 : i32 to index
    %swap3A_199 = arith.constant 96 : index
    %swap3A_200 = tpu.vector_load %arg7[%swap3A_198, %swap3A_199] {strides = array<i32>} : memref<8x128xf32, #tpu.memory_space<vmem>>, vector<16xf32>,
    tpu.vector_store %arg7[%swap3A_198, %swap3A_199], %broadcast_in_dim3A_2 {strides = array<i32>} : memref<8x128xf32, #tpu.memory_space<vmem>>, vector<16xf32>,
    %swap3A_201 = arith.constant 5 : i32
    %swap3A_202 = arith.index_cast %swap3A_201 : i32 to index
    %swap3A_203 = arith.constant 112 : index
    %swap3A_204 = tpu.vector_load %arg7[%swap3A_202, %swap3A_203] {strides = array<i32>} : memref<8x128xf32, #tpu.memory_space<vmem>>, vector<16xf32>,
    tpu.vector_store %arg7[%swap3A_202, %swap3A_203], %broadcast_in_dim3A_2 {strides = array<i32>} : memref<8x128xf32, #tpu.memory_space<vmem>>, vector<16xf32>,
    %swap3A_205 = arith.constant 6 : i32
    %swap3A_206 = arith.index_cast %swap3A_205 : i32 to index
    %swap3A_207 = arith.constant 0 : index
    %swap3A_208 = tpu.vector_load %arg7[%swap3A_206, %swap3A_207] {strides = array<i32>} : memref<8x128xf32, #tpu.memory_space<vmem>>, vector<16xf32>,
    tpu.vector_store %arg7[%swap3A_206, %swap3A_207], %broadcast_in_dim3A_2 {strides = array<i32>} : memref<8x128xf32, #tpu.memory_space<vmem>>, vector<16xf32>,
    %swap3A_209 = arith.constant 6 : i32
    %swap3A_210 = arith.index_cast %swap3A_209 : i32 to index
    %swap3A_211 = arith.constant 16 : index
    %swap3A_212 = tpu.vector_load %arg7[%swap3A_210, %swap3A_211] {strides = array<i32>} : memref<8x128xf32, #tpu.memory_space<vmem>>, vector<16xf32>,
    tpu.vector_store %arg7[%swap3A_210, %swap3A_211], %broadcast_in_dim3A_2 {strides = array<i32>} : memref<8x128xf32, #tpu.memory_space<vmem>>, vector<16xf32>,
    %swap3A_213 = arith.constant 6 : i32
    %swap3A_214 = arith.index_cast %swap3A_213 : i32 to index
    %swap3A_215 = arith.constant 32 : index
    %swap3A_216 = tpu.vector_load %arg7[%swap3A_214, %swap3A_215] {strides = array<i32>} : memref<8x128xf32, #tpu.memory_space<vmem>>, vector<16xf32>,
    tpu.vector_store %arg7[%swap3A_214, %swap3A_215], %broadcast_in_dim3A_2 {strides = array<i32>} : memref<8x128xf32, #tpu.memory_space<vmem>>, vector<16xf32>,
    %swap3A_217 = arith.constant 6 : i32
    %swap3A_218 = arith.index_cast %swap3A_217 : i32 to index
    %swap3A_219 = arith.constant 48 : index
    %swap3A_220 = tpu.vector_load %arg7[%swap3A_218, %swap3A_219] {strides = array<i32>} : memref<8x128xf32, #tpu.memory_space<vmem>>, vector<16xf32>,
    tpu.vector_store %arg7[%swap3A_218, %swap3A_219], %broadcast_in_dim3A_2 {strides = array<i32>} : memref<8x128xf32, #tpu.memory_space<vmem>>, vector<16xf32>,
    %swap3A_221 = arith.constant 6 : i32
    %swap3A_222 = arith.index_cast %swap3A_221 : i32 to index
    %swap3A_223 = arith.constant 64 : index
    %swap3A_224 = tpu.vector_load %arg7[%swap3A_222, %swap3A_223] {strides = array<i32>} : memref<8x128xf32, #tpu.memory_space<vmem>>, vector<16xf32>,
    tpu.vector_store %arg7[%swap3A_222, %swap3A_223], %broadcast_in_dim3A_2 {strides = array<i32>} : memref<8x128xf32, #tpu.memory_space<vmem>>, vector<16xf32>,
    %swap3A_225 = arith.constant 6 : i32
    %swap3A_226 = arith.index_cast %swap3A_225 : i32 to index
    %swap3A_227 = arith.constant 80 : index
    %swap3A_228 = tpu.vector_load %arg7[%swap3A_226, %swap3A_227] {strides = array<i32>} : memref<8x128xf32, #tpu.memory_space<vmem>>, vector<16xf32>,
    tpu.vector_store %arg7[%swap3A_226, %swap3A_227], %broadcast_in_dim3A_2 {strides = array<i32>} : memref<8x128xf32, #tpu.memory_space<vmem>>, vector<16xf32>,
    %swap3A_229 = arith.constant 6 : i32
    %swap3A_230 = arith.index_cast %swap3A_229 : i32 to index
    %swap3A_231 = arith.constant 96 : index
    %swap3A_232 = tpu.vector_load %arg7[%swap3A_230, %swap3A_231] {strides = array<i32>} : memref<8x128xf32, #tpu.memory_space<vmem>>, vector<16xf32>,
    tpu.vector_store %arg7[%swap3A_230, %swap3A_231], %broadcast_in_dim3A_2 {strides = array<i32>} : memref<8x128xf32, #tpu.memory_space<vmem>>, vector<16xf32>,
    %swap3A_233 = arith.constant 6 : i32
    %swap3A_234 = arith.index_cast %swap3A_233 : i32 to index
    %swap3A_235 = arith.constant 112 : index
    %swap3A_236 = tpu.vector_load %arg7[%swap3A_234, %swap3A_235] {strides = array<i32>} : memref<8x128xf32, #tpu.memory_space<vmem>>, vector<16xf32>,
    tpu.vector_store %arg7[%swap3A_234, %swap3A_235], %broadcast_in_dim3A_2 {strides = array<i32>} : memref<8x128xf32, #tpu.memory_space<vmem>>, vector<16xf32>,
    %swap3A_237 = arith.constant 7 : i32
    %swap3A_238 = arith.index_cast %swap3A_237 : i32 to index
    %swap3A_239 = arith.constant 0 : index
    %swap3A_240 = tpu.vector_load %arg7[%swap3A_238, %swap3A_239] {strides = array<i32>} : memref<8x128xf32, #tpu.memory_space<vmem>>, vector<16xf32>,
    tpu.vector_store %arg7[%swap3A_238, %swap3A_239], %broadcast_in_dim3A_2 {strides = array<i32>} : memref<8x128xf32, #tpu.memory_space<vmem>>, vector<16xf32>,
    %swap3A_241 = arith.constant 7 : i32
    %swap3A_242 = arith.index_cast %swap3A_241 : i32 to index
    %swap3A_243 = arith.constant 16 : index
    %swap3A_244 = tpu.vector_load %arg7[%swap3A_242, %swap3A_243] {strides = array<i32>} : memref<8x128xf32, #tpu.memory_space<vmem>>, vector<16xf32>,
    tpu.vector_store %arg7[%swap3A_242, %swap3A_243], %broadcast_in_dim3A_2 {strides = array<i32>} : memref<8x128xf32, #tpu.memory_space<vmem>>, vector<16xf32>,
    %swap3A_245 = arith.constant 7 : i32
    %swap3A_246 = arith.index_cast %swap3A_245 : i32 to index
    %swap3A_247 = arith.constant 32 : index
    %swap3A_248 = tpu.vector_load %arg7[%swap3A_246, %swap3A_247] {strides = array<i32>} : memref<8x128xf32, #tpu.memory_space<vmem>>, vector<16xf32>,
    tpu.vector_store %arg7[%swap3A_246, %swap3A_247], %broadcast_in_dim3A_2 {strides = array<i32>} : memref<8x128xf32, #tpu.memory_space<vmem>>, vector<16xf32>,
    %swap3A_249 = arith.constant 7 : i32
    %swap3A_250 = arith.index_cast %swap3A_249 : i32 to index
    %swap3A_251 = arith.constant 48 : index
    %swap3A_252 = tpu.vector_load %arg7[%swap3A_250, %swap3A_251] {strides = array<i32>} : memref<8x128xf32, #tpu.memory_space<vmem>>, vector<16xf32>,
    tpu.vector_store %arg7[%swap3A_250, %swap3A_251], %broadcast_in_dim3A_2 {strides = array<i32>} : memref<8x128xf32, #tpu.memory_space<vmem>>, vector<16xf32>,
    %swap3A_253 = arith.constant 7 : i32
    %swap3A_254 = arith.index_cast %swap3A_253 : i32 to index
    %swap3A_255 = arith.constant 64 : index
    %swap3A_256 = tpu.vector_load %arg7[%swap3A_254, %swap3A_255] {strides = array<i32>} : memref<8x128xf32, #tpu.memory_space<vmem>>, vector<16xf32>,
    tpu.vector_store %arg7[%swap3A_254, %swap3A_255], %broadcast_in_dim3A_2 {strides = array<i32>} : memref<8x128xf32, #tpu.memory_space<vmem>>, vector<16xf32>,
    %swap3A_257 = arith.constant 7 : i32
    %swap3A_258 = arith.index_cast %swap3A_257 : i32 to index
    %swap3A_259 = arith.constant 80 : index
    %swap3A_260 = tpu.vector_load %arg7[%swap3A_258, %swap3A_259] {strides = array<i32>} : memref<8x128xf32, #tpu.memory_space<vmem>>, vector<16xf32>,
    tpu.vector_store %arg7[%swap3A_258, %swap3A_259], %broadcast_in_dim3A_2 {strides = array<i32>} : memref<8x128xf32, #tpu.memory_space<vmem>>, vector<16xf32>,
    %swap3A_261 = arith.constant 7 : i32
    %swap3A_262 = arith.index_cast %swap3A_261 : i32 to index
    %swap3A_263 = arith.constant 96 : index
    %swap3A_264 = tpu.vector_load %arg7[%swap3A_262, %swap3A_263] {strides = array<i32>} : memref<8x128xf32, #tpu.memory_space<vmem>>, vector<16xf32>,
    tpu.vector_store %arg7[%swap3A_262, %swap3A_263], %broadcast_in_dim3A_2 {strides = array<i32>} : memref<8x128xf32, #tpu.memory_space<vmem>>, vector<16xf32>,
    %swap3A_265 = arith.constant 7 : i32
    %swap3A_266 = arith.index_cast %swap3A_265 : i32 to index
    %swap3A_267 = arith.constant 112 : index
    %swap3A_268 = tpu.vector_load %arg7[%swap3A_266, %swap3A_267] {strides = array<i32>} : memref<8x128xf32, #tpu.memory_space<vmem>>, vector<16xf32>,
    tpu.vector_store %arg7[%swap3A_266, %swap3A_267], %broadcast_in_dim3A_2 {strides = array<i32>} : memref<8x128xf32, #tpu.memory_space<vmem>>, vector<16xf32>,
    %scan3A_269 = arith.constant 0 : i32
    %scan3A_270 = arith.constant 0 : i32
    %scan3A_271 = arith.constant 16 : i32
    %scan3A_272 = arith.addi %scan3A_270, %scan3A_271 : i32
    %scan3A_273 = arith.constant 1 : i32
    scf.for %scan3A_276 = %scan3A_270 to %scan3A_272 step %scan3A_273  : i32 {
      %mul3A_277 = arith.constant 8 : i32
      %mul3A_278 = arith.muli %arg1, %mul3A_277 : i32
      "tpu.region"() ({
        %run_scoped3A = tpu.sem_alloc : memref<!tpu.dma_semaphore, #tpu.memory_space<semaphore_mem>>
        %dma_start3A = arith.constant 0 : i32
        %dma_start3A_1109 = tpu.memref_slice %arg8[%scan3A_276, %mul3A_278, %dma_start3A] : memref<16x128x128xf32, #tpu.memory_space<vmem_shared>> -> memref<1x8x128xf32, #tpu.memory_space<vmem_shared>>
        %dma_start3A_1110 = tpu.memref_squeeze %dma_start3A_1109 : memref<1x8x128xf32, #tpu.memory_space<vmem_shared>> -> memref<8x128xf32, #tpu.memory_space<vmem_shared>>
        %dma_start3A_1111 = arith.constant 0 : i32
        %dma_start3A_1112 = tpu.memref_slice %arg8[%scan3A_276, %mul3A_278, %dma_start3A_1111] : memref<16x128x128xf32, #tpu.memory_space<vmem_shared>> -> memref<1x8x128xf32, #tpu.memory_space<vmem_shared>>
        %dma_start3A_1113 = tpu.memref_squeeze %dma_start3A_1112 : memref<1x8x128xf32, #tpu.memory_space<vmem_shared>> -> memref<8x128xf32, #tpu.memory_space<vmem_shared>>
        tpu.enqueue_dma source(%dma_start3A_1113 : memref<8x128xf32, #tpu.memory_space<vmem_shared>>) target(%arg6 : memref<8x128xf32, #tpu.memory_space<vmem>>) target_semaphore(%run_scoped3A : memref<!tpu.dma_semaphore, #tpu.memory_space<semaphore_mem>>)
        %dma_wait3A = arith.constant 0 : i32
        %dma_wait3A_1114 = tpu.memref_slice %arg8[%scan3A_276, %mul3A_278, %dma_wait3A] : memref<16x128x128xf32, #tpu.memory_space<vmem_shared>> -> memref<1x8x128xf32, #tpu.memory_space<vmem_shared>>
        %dma_wait3A_1115 = tpu.memref_squeeze %dma_wait3A_1114 : memref<1x8x128xf32, #tpu.memory_space<vmem_shared>> -> memref<8x128xf32, #tpu.memory_space<vmem_shared>>
        %dma_wait3A_1116 = arith.constant 0 : i32
        %dma_wait3A_1117 = tpu.memref_slice %arg8[%scan3A_276, %mul3A_278, %dma_wait3A_1116] : memref<16x128x128xf32, #tpu.memory_space<vmem_shared>> -> memref<1x8x128xf32, #tpu.memory_space<vmem_shared>>
        %dma_wait3A_1118 = tpu.memref_squeeze %dma_wait3A_1117 : memref<1x8x128xf32, #tpu.memory_space<vmem_shared>> -> memref<8x128xf32, #tpu.memory_space<vmem_shared>>
        tpu.wait_dma2 semaphore(%run_scoped3A : memref<!tpu.dma_semaphore, #tpu.memory_space<semaphore_mem>>) src(%dma_wait3A_1118 : memref<8x128xf32, #tpu.memory_space<vmem_shared>>) dst(%arg6 : memref<8x128xf32, #tpu.memory_space<vmem>>)
        tpu.yield
      }) : () -> ()
      %get3A = arith.constant 0 : i32
      %get3A_279 = arith.index_cast %get3A : i32 to index
      %get3A_280 = arith.constant 0 : index
      %get3A_281 = tpu.vector_load %arg7[%get3A_279, %get3A_280] {strides = array<i32>} : memref<8x128xf32, #tpu.memory_space<vmem>>, vector<16xf32>,
      %get3A_282 = arith.constant 0 : i32
      %get3A_283 = arith.index_cast %get3A_282 : i32 to index
      %get3A_284 = arith.constant 0 : index
      %get3A_285 = tpu.vector_load %arg6[%get3A_283, %get3A_284] {strides = array<i32>} : memref<8x128xf32, #tpu.memory_space<vmem>>, vector<16xf32>,
      %add3A = arith.addf %get3A_281, %get3A_285 : vector<16xf32>
      %swap3A_286 = arith.constant 0 : i32
      %swap3A_287 = arith.index_cast %swap3A_286 : i32 to index
      %swap3A_288 = arith.constant 0 : index
      %swap3A_289 = tpu.vector_load %arg7[%swap3A_287, %swap3A_288] {strides = array<i32>} : memref<8x128xf32, #tpu.memory_space<vmem>>, vector<16xf32>,
      tpu.vector_store %arg7[%swap3A_287, %swap3A_288], %add3A {strides = array<i32>} : memref<8x128xf32, #tpu.memory_space<vmem>>, vector<16xf32>,
      %get3A_290 = arith.constant 0 : i32
      %get3A_291 = arith.index_cast %get3A_290 : i32 to index
      %get3A_292 = arith.constant 16 : index
      %get3A_293 = tpu.vector_load %arg7[%get3A_291, %get3A_292] {strides = array<i32>} : memref<8x128xf32, #tpu.memory_space<vmem>>, vector<16xf32>,
      %get3A_294 = arith.constant 0 : i32
      %get3A_295 = arith.index_cast %get3A_294 : i32 to index
      %get3A_296 = arith.constant 16 : index
      %get3A_297 = tpu.vector_load %arg6[%get3A_295, %get3A_296] {strides = array<i32>} : memref<8x128xf32, #tpu.memory_space<vmem>>, vector<16xf32>,
      %add3A_298 = arith.addf %get3A_293, %get3A_297 : vector<16xf32>
      %swap3A_299 = arith.constant 0 : i32
      %swap3A_300 = arith.index_cast %swap3A_299 : i32 to index
      %swap3A_301 = arith.constant 16 : index
      %swap3A_302 = tpu.vector_load %arg7[%swap3A_300, %swap3A_301] {strides = array<i32>} : memref<8x128xf32, #tpu.memory_space<vmem>>, vector<16xf32>,
      tpu.vector_store %arg7[%swap3A_300, %swap3A_301], %add3A_298 {strides = array<i32>} : memref<8x128xf32, #tpu.memory_space<vmem>>, vector<16xf32>,
      %get3A_303 = arith.constant 0 : i32
      %get3A_304 = arith.index_cast %get3A_303 : i32 to index
      %get3A_305 = arith.constant 32 : index
      %get3A_306 = tpu.vector_load %arg7[%get3A_304, %get3A_305] {strides = array<i32>} : memref<8x128xf32, #tpu.memory_space<vmem>>, vector<16xf32>,
      %get3A_307 = arith.constant 0 : i32
      %get3A_308 = arith.index_cast %get3A_307 : i32 to index
      %get3A_309 = arith.constant 32 : index
      %get3A_310 = tpu.vector_load %arg6[%get3A_308, %get3A_309] {strides = array<i32>} : memref<8x128xf32, #tpu.memory_space<vmem>>, vector<16xf32>,
      %add3A_311 = arith.addf %get3A_306, %get3A_310 : vector<16xf32>
      %swap3A_312 = arith.constant 0 : i32
      %swap3A_313 = arith.index_cast %swap3A_312 : i32 to index
      %swap3A_314 = arith.constant 32 : index
      %swap3A_315 = tpu.vector_load %arg7[%swap3A_313, %swap3A_314] {strides = array<i32>} : memref<8x128xf32, #tpu.memory_space<vmem>>, vector<16xf32>,
      tpu.vector_store %arg7[%swap3A_313, %swap3A_314], %add3A_311 {strides = array<i32>} : memref<8x128xf32, #tpu.memory_space<vmem>>, vector<16xf32>,
      %get3A_316 = arith.constant 0 : i32
      %get3A_317 = arith.index_cast %get3A_316 : i32 to index
      %get3A_318 = arith.constant 48 : index
      %get3A_319 = tpu.vector_load %arg7[%get3A_317, %get3A_318] {strides = array<i32>} : memref<8x128xf32, #tpu.memory_space<vmem>>, vector<16xf32>,
      %get3A_320 = arith.constant 0 : i32
      %get3A_321 = arith.index_cast %get3A_320 : i32 to index
      %get3A_322 = arith.constant 48 : index
      %get3A_323 = tpu.vector_load %arg6[%get3A_321, %get3A_322] {strides = array<i32>} : memref<8x128xf32, #tpu.memory_space<vmem>>, vector<16xf32>,
      %add3A_324 = arith.addf %get3A_319, %get3A_323 : vector<16xf32>
      %swap3A_325 = arith.constant 0 : i32
      %swap3A_326 = arith.index_cast %swap3A_325 : i32 to index
      %swap3A_327 = arith.constant 48 : index
      %swap3A_328 = tpu.vector_load %arg7[%swap3A_326, %swap3A_327] {strides = array<i32>} : memref<8x128xf32, #tpu.memory_space<vmem>>, vector<16xf32>,
      tpu.vector_store %arg7[%swap3A_326, %swap3A_327], %add3A_324 {strides = array<i32>} : memref<8x128xf32, #tpu.memory_space<vmem>>, vector<16xf32>,
      %get3A_329 = arith.constant 0 : i32
      %get3A_330 = arith.index_cast %get3A_329 : i32 to index
      %get3A_331 = arith.constant 64 : index
      %get3A_332 = tpu.vector_load %arg7[%get3A_330, %get3A_331] {strides = array<i32>} : memref<8x128xf32, #tpu.memory_space<vmem>>, vector<16xf32>,
      %get3A_333 = arith.constant 0 : i32
      %get3A_334 = arith.index_cast %get3A_333 : i32 to index
      %get3A_335 = arith.constant 64 : index
      %get3A_336 = tpu.vector_load %arg6[%get3A_334, %get3A_335] {strides = array<i32>} : memref<8x128xf32, #tpu.memory_space<vmem>>, vector<16xf32>,
      %add3A_337 = arith.addf %get3A_332, %get3A_336 : vector<16xf32>
      %swap3A_338 = arith.constant 0 : i32
      %swap3A_339 = arith.index_cast %swap3A_338 : i32 to index
      %swap3A_340 = arith.constant 64 : index
      %swap3A_341 = tpu.vector_load %arg7[%swap3A_339, %swap3A_340] {strides = array<i32>} : memref<8x128xf32, #tpu.memory_space<vmem>>, vector<16xf32>,
      tpu.vector_store %arg7[%swap3A_339, %swap3A_340], %add3A_337 {strides = array<i32>} : memref<8x128xf32, #tpu.memory_space<vmem>>, vector<16xf32>,
      %get3A_342 = arith.constant 0 : i32
      %get3A_343 = arith.index_cast %get3A_342 : i32 to index
      %get3A_344 = arith.constant 80 : index
      %get3A_345 = tpu.vector_load %arg7[%get3A_343, %get3A_344] {strides = array<i32>} : memref<8x128xf32, #tpu.memory_space<vmem>>, vector<16xf32>,
      %get3A_346 = arith.constant 0 : i32
      %get3A_347 = arith.index_cast %get3A_346 : i32 to index
      %get3A_348 = arith.constant 80 : index
      %get3A_349 = tpu.vector_load %arg6[%get3A_347, %get3A_348] {strides = array<i32>} : memref<8x128xf32, #tpu.memory_space<vmem>>, vector<16xf32>,
      %add3A_350 = arith.addf %get3A_345, %get3A_349 : vector<16xf32>
      %swap3A_351 = arith.constant 0 : i32
      %swap3A_352 = arith.index_cast %swap3A_351 : i32 to index
      %swap3A_353 = arith.constant 80 : index
      %swap3A_354 = tpu.vector_load %arg7[%swap3A_352, %swap3A_353] {strides = array<i32>} : memref<8x128xf32, #tpu.memory_space<vmem>>, vector<16xf32>,
      tpu.vector_store %arg7[%swap3A_352, %swap3A_353], %add3A_350 {strides = array<i32>} : memref<8x128xf32, #tpu.memory_space<vmem>>, vector<16xf32>,
      %get3A_355 = arith.constant 0 : i32
      %get3A_356 = arith.index_cast %get3A_355 : i32 to index
      %get3A_357 = arith.constant 96 : index
      %get3A_358 = tpu.vector_load %arg7[%get3A_356, %get3A_357] {strides = array<i32>} : memref<8x128xf32, #tpu.memory_space<vmem>>, vector<16xf32>,
      %get3A_359 = arith.constant 0 : i32
      %get3A_360 = arith.index_cast %get3A_359 : i32 to index
      %get3A_361 = arith.constant 96 : index
      %get3A_362 = tpu.vector_load %arg6[%get3A_360, %get3A_361] {strides = array<i32>} : memref<8x128xf32, #tpu.memory_space<vmem>>, vector<16xf32>,
      %add3A_363 = arith.addf %get3A_358, %get3A_362 : vector<16xf32>
      %swap3A_364 = arith.constant 0 : i32
      %swap3A_365 = arith.index_cast %swap3A_364 : i32 to index
      %swap3A_366 = arith.constant 96 : index
      %swap3A_367 = tpu.vector_load %arg7[%swap3A_365, %swap3A_366] {strides = array<i32>} : memref<8x128xf32, #tpu.memory_space<vmem>>, vector<16xf32>,
      tpu.vector_store %arg7[%swap3A_365, %swap3A_366], %add3A_363 {strides = array<i32>} : memref<8x128xf32, #tpu.memory_space<vmem>>, vector<16xf32>,
      %get3A_368 = arith.constant 0 : i32
      %get3A_369 = arith.index_cast %get3A_368 : i32 to index
      %get3A_370 = arith.constant 112 : index
      %get3A_371 = tpu.vector_load %arg7[%get3A_369, %get3A_370] {strides = array<i32>} : memref<8x128xf32, #tpu.memory_space<vmem>>, vector<16xf32>,
      %get3A_372 = arith.constant 0 : i32
      %get3A_373 = arith.index_cast %get3A_372 : i32 to index
      %get3A_374 = arith.constant 112 : index
      %get3A_375 = tpu.vector_load %arg6[%get3A_373, %get3A_374] {strides = array<i32>} : memref<8x128xf32, #tpu.memory_space<vmem>>, vector<16xf32>,
      %add3A_376 = arith.addf %get3A_371, %get3A_375 : vector<16xf32>
      %swap3A_377 = arith.constant 0 : i32
      %swap3A_378 = arith.index_cast %swap3A_377 : i32 to index
      %swap3A_379 = arith.constant 112 : index
      %swap3A_380 = tpu.vector_load %arg7[%swap3A_378, %swap3A_379] {strides = array<i32>} : memref<8x128xf32, #tpu.memory_space<vmem>>, vector<16xf32>,
      tpu.vector_store %arg7[%swap3A_378, %swap3A_379], %add3A_376 {strides = array<i32>} : memref<8x128xf32, #tpu.memory_space<vmem>>, vector<16xf32>,
      %get3A_381 = arith.constant 1 : i32
      %get3A_382 = arith.index_cast %get3A_381 : i32 to index
      %get3A_383 = arith.constant 0 : index
      %get3A_384 = tpu.vector_load %arg7[%get3A_382, %get3A_383] {strides = array<i32>} : memref<8x128xf32, #tpu.memory_space<vmem>>, vector<16xf32>,
      %get3A_385 = arith.constant 1 : i32
      %get3A_386 = arith.index_cast %get3A_385 : i32 to index
      %get3A_387 = arith.constant 0 : index
      %get3A_388 = tpu.vector_load %arg6[%get3A_386, %get3A_387] {strides = array<i32>} : memref<8x128xf32, #tpu.memory_space<vmem>>, vector<16xf32>,
      %add3A_389 = arith.addf %get3A_384, %get3A_388 : vector<16xf32>
      %swap3A_390 = arith.constant 1 : i32
      %swap3A_391 = arith.index_cast %swap3A_390 : i32 to index
      %swap3A_392 = arith.constant 0 : index
      %swap3A_393 = tpu.vector_load %arg7[%swap3A_391, %swap3A_392] {strides = array<i32>} : memref<8x128xf32, #tpu.memory_space<vmem>>, vector<16xf32>,
      tpu.vector_store %arg7[%swap3A_391, %swap3A_392], %add3A_389 {strides = array<i32>} : memref<8x128xf32, #tpu.memory_space<vmem>>, vector<16xf32>,
      %get3A_394 = arith.constant 1 : i32
      %get3A_395 = arith.index_cast %get3A_394 : i32 to index
      %get3A_396 = arith.constant 16 : index
      %get3A_397 = tpu.vector_load %arg7[%get3A_395, %get3A_396] {strides = array<i32>} : memref<8x128xf32, #tpu.memory_space<vmem>>, vector<16xf32>,
      %get3A_398 = arith.constant 1 : i32
      %get3A_399 = arith.index_cast %get3A_398 : i32 to index
      %get3A_400 = arith.constant 16 : index
      %get3A_401 = tpu.vector_load %arg6[%get3A_399, %get3A_400] {strides = array<i32>} : memref<8x128xf32, #tpu.memory_space<vmem>>, vector<16xf32>,
      %add3A_402 = arith.addf %get3A_397, %get3A_401 : vector<16xf32>
      %swap3A_403 = arith.constant 1 : i32
      %swap3A_404 = arith.index_cast %swap3A_403 : i32 to index
      %swap3A_405 = arith.constant 16 : index
      %swap3A_406 = tpu.vector_load %arg7[%swap3A_404, %swap3A_405] {strides = array<i32>} : memref<8x128xf32, #tpu.memory_space<vmem>>, vector<16xf32>,
      tpu.vector_store %arg7[%swap3A_404, %swap3A_405], %add3A_402 {strides = array<i32>} : memref<8x128xf32, #tpu.memory_space<vmem>>, vector<16xf32>,
      %get3A_407 = arith.constant 1 : i32
      %get3A_408 = arith.index_cast %get3A_407 : i32 to index
      %get3A_409 = arith.constant 32 : index
      %get3A_410 = tpu.vector_load %arg7[%get3A_408, %get3A_409] {strides = array<i32>} : memref<8x128xf32, #tpu.memory_space<vmem>>, vector<16xf32>,
      %get3A_411 = arith.constant 1 : i32
      %get3A_412 = arith.index_cast %get3A_411 : i32 to index
      %get3A_413 = arith.constant 32 : index
      %get3A_414 = tpu.vector_load %arg6[%get3A_412, %get3A_413] {strides = array<i32>} : memref<8x128xf32, #tpu.memory_space<vmem>>, vector<16xf32>,
      %add3A_415 = arith.addf %get3A_410, %get3A_414 : vector<16xf32>
      %swap3A_416 = arith.constant 1 : i32
      %swap3A_417 = arith.index_cast %swap3A_416 : i32 to index
      %swap3A_418 = arith.constant 32 : index
      %swap3A_419 = tpu.vector_load %arg7[%swap3A_417, %swap3A_418] {strides = array<i32>} : memref<8x128xf32, #tpu.memory_space<vmem>>, vector<16xf32>,
      tpu.vector_store %arg7[%swap3A_417, %swap3A_418], %add3A_415 {strides = array<i32>} : memref<8x128xf32, #tpu.memory_space<vmem>>, vector<16xf32>,
      %get3A_420 = arith.constant 1 : i32
      %get3A_421 = arith.index_cast %get3A_420 : i32 to index
      %get3A_422 = arith.constant 48 : index
      %get3A_423 = tpu.vector_load %arg7[%get3A_421, %get3A_422] {strides = array<i32>} : memref<8x128xf32, #tpu.memory_space<vmem>>, vector<16xf32>,
      %get3A_424 = arith.constant 1 : i32
      %get3A_425 = arith.index_cast %get3A_424 : i32 to index
      %get3A_426 = arith.constant 48 : index
      %get3A_427 = tpu.vector_load %arg6[%get3A_425, %get3A_426] {strides = array<i32>} : memref<8x128xf32, #tpu.memory_space<vmem>>, vector<16xf32>,
      %add3A_428 = arith.addf %get3A_423, %get3A_427 : vector<16xf32>
      %swap3A_429 = arith.constant 1 : i32
      %swap3A_430 = arith.index_cast %swap3A_429 : i32 to index
      %swap3A_431 = arith.constant 48 : index
      %swap3A_432 = tpu.vector_load %arg7[%swap3A_430, %swap3A_431] {strides = array<i32>} : memref<8x128xf32, #tpu.memory_space<vmem>>, vector<16xf32>,
      tpu.vector_store %arg7[%swap3A_430, %swap3A_431], %add3A_428 {strides = array<i32>} : memref<8x128xf32, #tpu.memory_space<vmem>>, vector<16xf32>,
      %get3A_433 = arith.constant 1 : i32
      %get3A_434 = arith.index_cast %get3A_433 : i32 to index
      %get3A_435 = arith.constant 64 : index
      %get3A_436 = tpu.vector_load %arg7[%get3A_434, %get3A_435] {strides = array<i32>} : memref<8x128xf32, #tpu.memory_space<vmem>>, vector<16xf32>,
      %get3A_437 = arith.constant 1 : i32
      %get3A_438 = arith.index_cast %get3A_437 : i32 to index
      %get3A_439 = arith.constant 64 : index
      %get3A_440 = tpu.vector_load %arg6[%get3A_438, %get3A_439] {strides = array<i32>} : memref<8x128xf32, #tpu.memory_space<vmem>>, vector<16xf32>,
      %add3A_441 = arith.addf %get3A_436, %get3A_440 : vector<16xf32>
      %swap3A_442 = arith.constant 1 : i32
      %swap3A_443 = arith.index_cast %swap3A_442 : i32 to index
      %swap3A_444 = arith.constant 64 : index
      %swap3A_445 = tpu.vector_load %arg7[%swap3A_443, %swap3A_444] {strides = array<i32>} : memref<8x128xf32, #tpu.memory_space<vmem>>, vector<16xf32>,
      tpu.vector_store %arg7[%swap3A_443, %swap3A_444], %add3A_441 {strides = array<i32>} : memref<8x128xf32, #tpu.memory_space<vmem>>, vector<16xf32>,
      %get3A_446 = arith.constant 1 : i32
      %get3A_447 = arith.index_cast %get3A_446 : i32 to index
      %get3A_448 = arith.constant 80 : index
      %get3A_449 = tpu.vector_load %arg7[%get3A_447, %get3A_448] {strides = array<i32>} : memref<8x128xf32, #tpu.memory_space<vmem>>, vector<16xf32>,
      %get3A_450 = arith.constant 1 : i32
      %get3A_451 = arith.index_cast %get3A_450 : i32 to index
      %get3A_452 = arith.constant 80 : index
      %get3A_453 = tpu.vector_load %arg6[%get3A_451, %get3A_452] {strides = array<i32>} : memref<8x128xf32, #tpu.memory_space<vmem>>, vector<16xf32>,
      %add3A_454 = arith.addf %get3A_449, %get3A_453 : vector<16xf32>
      %swap3A_455 = arith.constant 1 : i32
      %swap3A_456 = arith.index_cast %swap3A_455 : i32 to index
      %swap3A_457 = arith.constant 80 : index
      %swap3A_458 = tpu.vector_load %arg7[%swap3A_456, %swap3A_457] {strides = array<i32>} : memref<8x128xf32, #tpu.memory_space<vmem>>, vector<16xf32>,
      tpu.vector_store %arg7[%swap3A_456, %swap3A_457], %add3A_454 {strides = array<i32>} : memref<8x128xf32, #tpu.memory_space<vmem>>, vector<16xf32>,
      %get3A_459 = arith.constant 1 : i32
      %get3A_460 = arith.index_cast %get3A_459 : i32 to index
      %get3A_461 = arith.constant 96 : index
      %get3A_462 = tpu.vector_load %arg7[%get3A_460, %get3A_461] {strides = array<i32>} : memref<8x128xf32, #tpu.memory_space<vmem>>, vector<16xf32>,
      %get3A_463 = arith.constant 1 : i32
      %get3A_464 = arith.index_cast %get3A_463 : i32 to index
      %get3A_465 = arith.constant 96 : index
      %get3A_466 = tpu.vector_load %arg6[%get3A_464, %get3A_465] {strides = array<i32>} : memref<8x128xf32, #tpu.memory_space<vmem>>, vector<16xf32>,
      %add3A_467 = arith.addf %get3A_462, %get3A_466 : vector<16xf32>
      %swap3A_468 = arith.constant 1 : i32
      %swap3A_469 = arith.index_cast %swap3A_468 : i32 to index
      %swap3A_470 = arith.constant 96 : index
      %swap3A_471 = tpu.vector_load %arg7[%swap3A_469, %swap3A_470] {strides = array<i32>} : memref<8x128xf32, #tpu.memory_space<vmem>>, vector<16xf32>,
      tpu.vector_store %arg7[%swap3A_469, %swap3A_470], %add3A_467 {strides = array<i32>} : memref<8x128xf32, #tpu.memory_space<vmem>>, vector<16xf32>,
      %get3A_472 = arith.constant 1 : i32
      %get3A_473 = arith.index_cast %get3A_472 : i32 to index
      %get3A_474 = arith.constant 112 : index
      %get3A_475 = tpu.vector_load %arg7[%get3A_473, %get3A_474] {strides = array<i32>} : memref<8x128xf32, #tpu.memory_space<vmem>>, vector<16xf32>,
      %get3A_476 = arith.constant 1 : i32
      %get3A_477 = arith.index_cast %get3A_476 : i32 to index
      %get3A_478 = arith.constant 112 : index
      %get3A_479 = tpu.vector_load %arg6[%get3A_477, %get3A_478] {strides = array<i32>} : memref<8x128xf32, #tpu.memory_space<vmem>>, vector<16xf32>,
      %add3A_480 = arith.addf %get3A_475, %get3A_479 : vector<16xf32>
      %swap3A_481 = arith.constant 1 : i32
      %swap3A_482 = arith.index_cast %swap3A_481 : i32 to index
      %swap3A_483 = arith.constant 112 : index
      %swap3A_484 = tpu.vector_load %arg7[%swap3A_482, %swap3A_483] {strides = array<i32>} : memref<8x128xf32, #tpu.memory_space<vmem>>, vector<16xf32>,
      tpu.vector_store %arg7[%swap3A_482, %swap3A_483], %add3A_480 {strides = array<i32>} : memref<8x128xf32, #tpu.memory_space<vmem>>, vector<16xf32>,
      %get3A_485 = arith.constant 2 : i32
      %get3A_486 = arith.index_cast %get3A_485 : i32 to index
      %get3A_487 = arith.constant 0 : index
      %get3A_488 = tpu.vector_load %arg7[%get3A_486, %get3A_487] {strides = array<i32>} : memref<8x128xf32, #tpu.memory_space<vmem>>, vector<16xf32>,
      %get3A_489 = arith.constant 2 : i32
      %get3A_490 = arith.index_cast %get3A_489 : i32 to index
      %get3A_491 = arith.constant 0 : index
      %get3A_492 = tpu.vector_load %arg6[%get3A_490, %get3A_491] {strides = array<i32>} : memref<8x128xf32, #tpu.memory_space<vmem>>, vector<16xf32>,
      %add3A_493 = arith.addf %get3A_488, %get3A_492 : vector<16xf32>
      %swap3A_494 = arith.constant 2 : i32
      %swap3A_495 = arith.index_cast %swap3A_494 : i32 to index
      %swap3A_496 = arith.constant 0 : index
      %swap3A_497 = tpu.vector_load %arg7[%swap3A_495, %swap3A_496] {strides = array<i32>} : memref<8x128xf32, #tpu.memory_space<vmem>>, vector<16xf32>,
      tpu.vector_store %arg7[%swap3A_495, %swap3A_496], %add3A_493 {strides = array<i32>} : memref<8x128xf32, #tpu.memory_space<vmem>>, vector<16xf32>,
      %get3A_498 = arith.constant 2 : i32
      %get3A_499 = arith.index_cast %get3A_498 : i32 to index
      %get3A_500 = arith.constant 16 : index
      %get3A_501 = tpu.vector_load %arg7[%get3A_499, %get3A_500] {strides = array<i32>} : memref<8x128xf32, #tpu.memory_space<vmem>>, vector<16xf32>,
      %get3A_502 = arith.constant 2 : i32
      %get3A_503 = arith.index_cast %get3A_502 : i32 to index
      %get3A_504 = arith.constant 16 : index
      %get3A_505 = tpu.vector_load %arg6[%get3A_503, %get3A_504] {strides = array<i32>} : memref<8x128xf32, #tpu.memory_space<vmem>>, vector<16xf32>,
      %add3A_506 = arith.addf %get3A_501, %get3A_505 : vector<16xf32>
      %swap3A_507 = arith.constant 2 : i32
      %swap3A_508 = arith.index_cast %swap3A_507 : i32 to index
      %swap3A_509 = arith.constant 16 : index
      %swap3A_510 = tpu.vector_load %arg7[%swap3A_508, %swap3A_509] {strides = array<i32>} : memref<8x128xf32, #tpu.memory_space<vmem>>, vector<16xf32>,
      tpu.vector_store %arg7[%swap3A_508, %swap3A_509], %add3A_506 {strides = array<i32>} : memref<8x128xf32, #tpu.memory_space<vmem>>, vector<16xf32>,
      %get3A_511 = arith.constant 2 : i32
      %get3A_512 = arith.index_cast %get3A_511 : i32 to index
      %get3A_513 = arith.constant 32 : index
      %get3A_514 = tpu.vector_load %arg7[%get3A_512, %get3A_513] {strides = array<i32>} : memref<8x128xf32, #tpu.memory_space<vmem>>, vector<16xf32>,
      %get3A_515 = arith.constant 2 : i32
      %get3A_516 = arith.index_cast %get3A_515 : i32 to index
      %get3A_517 = arith.constant 32 : index
      %get3A_518 = tpu.vector_load %arg6[%get3A_516, %get3A_517] {strides = array<i32>} : memref<8x128xf32, #tpu.memory_space<vmem>>, vector<16xf32>,
      %add3A_519 = arith.addf %get3A_514, %get3A_518 : vector<16xf32>
      %swap3A_520 = arith.constant 2 : i32
      %swap3A_521 = arith.index_cast %swap3A_520 : i32 to index
      %swap3A_522 = arith.constant 32 : index
      %swap3A_523 = tpu.vector_load %arg7[%swap3A_521, %swap3A_522] {strides = array<i32>} : memref<8x128xf32, #tpu.memory_space<vmem>>, vector<16xf32>,
      tpu.vector_store %arg7[%swap3A_521, %swap3A_522], %add3A_519 {strides = array<i32>} : memref<8x128xf32, #tpu.memory_space<vmem>>, vector<16xf32>,
      %get3A_524 = arith.constant 2 : i32
      %get3A_525 = arith.index_cast %get3A_524 : i32 to index
      %get3A_526 = arith.constant 48 : index
      %get3A_527 = tpu.vector_load %arg7[%get3A_525, %get3A_526] {strides = array<i32>} : memref<8x128xf32, #tpu.memory_space<vmem>>, vector<16xf32>,
      %get3A_528 = arith.constant 2 : i32
      %get3A_529 = arith.index_cast %get3A_528 : i32 to index
      %get3A_530 = arith.constant 48 : index
      %get3A_531 = tpu.vector_load %arg6[%get3A_529, %get3A_530] {strides = array<i32>} : memref<8x128xf32, #tpu.memory_space<vmem>>, vector<16xf32>,
      %add3A_532 = arith.addf %get3A_527, %get3A_531 : vector<16xf32>
      %swap3A_533 = arith.constant 2 : i32
      %swap3A_534 = arith.index_cast %swap3A_533 : i32 to index
      %swap3A_535 = arith.constant 48 : index
      %swap3A_536 = tpu.vector_load %arg7[%swap3A_534, %swap3A_535] {strides = array<i32>} : memref<8x128xf32, #tpu.memory_space<vmem>>, vector<16xf32>,
      tpu.vector_store %arg7[%swap3A_534, %swap3A_535], %add3A_532 {strides = array<i32>} : memref<8x128xf32, #tpu.memory_space<vmem>>, vector<16xf32>,
      %get3A_537 = arith.constant 2 : i32
      %get3A_538 = arith.index_cast %get3A_537 : i32 to index
      %get3A_539 = arith.constant 64 : index
      %get3A_540 = tpu.vector_load %arg7[%get3A_538, %get3A_539] {strides = array<i32>} : memref<8x128xf32, #tpu.memory_space<vmem>>, vector<16xf32>,
      %get3A_541 = arith.constant 2 : i32
      %get3A_542 = arith.index_cast %get3A_541 : i32 to index
      %get3A_543 = arith.constant 64 : index
      %get3A_544 = tpu.vector_load %arg6[%get3A_542, %get3A_543] {strides = array<i32>} : memref<8x128xf32, #tpu.memory_space<vmem>>, vector<16xf32>,
      %add3A_545 = arith.addf %get3A_540, %get3A_544 : vector<16xf32>
      %swap3A_546 = arith.constant 2 : i32
      %swap3A_547 = arith.index_cast %swap3A_546 : i32 to index
      %swap3A_548 = arith.constant 64 : index
      %swap3A_549 = tpu.vector_load %arg7[%swap3A_547, %swap3A_548] {strides = array<i32>} : memref<8x128xf32, #tpu.memory_space<vmem>>, vector<16xf32>,
      tpu.vector_store %arg7[%swap3A_547, %swap3A_548], %add3A_545 {strides = array<i32>} : memref<8x128xf32, #tpu.memory_space<vmem>>, vector<16xf32>,
      %get3A_550 = arith.constant 2 : i32
      %get3A_551 = arith.index_cast %get3A_550 : i32 to index
      %get3A_552 = arith.constant 80 : index
      %get3A_553 = tpu.vector_load %arg7[%get3A_551, %get3A_552] {strides = array<i32>} : memref<8x128xf32, #tpu.memory_space<vmem>>, vector<16xf32>,
      %get3A_554 = arith.constant 2 : i32
      %get3A_555 = arith.index_cast %get3A_554 : i32 to index
      %get3A_556 = arith.constant 80 : index
      %get3A_557 = tpu.vector_load %arg6[%get3A_555, %get3A_556] {strides = array<i32>} : memref<8x128xf32, #tpu.memory_space<vmem>>, vector<16xf32>,
      %add3A_558 = arith.addf %get3A_553, %get3A_557 : vector<16xf32>
      %swap3A_559 = arith.constant 2 : i32
      %swap3A_560 = arith.index_cast %swap3A_559 : i32 to index
      %swap3A_561 = arith.constant 80 : index
      %swap3A_562 = tpu.vector_load %arg7[%swap3A_560, %swap3A_561] {strides = array<i32>} : memref<8x128xf32, #tpu.memory_space<vmem>>, vector<16xf32>,
      tpu.vector_store %arg7[%swap3A_560, %swap3A_561], %add3A_558 {strides = array<i32>} : memref<8x128xf32, #tpu.memory_space<vmem>>, vector<16xf32>,
      %get3A_563 = arith.constant 2 : i32
      %get3A_564 = arith.index_cast %get3A_563 : i32 to index
      %get3A_565 = arith.constant 96 : index
      %get3A_566 = tpu.vector_load %arg7[%get3A_564, %get3A_565] {strides = array<i32>} : memref<8x128xf32, #tpu.memory_space<vmem>>, vector<16xf32>,
      %get3A_567 = arith.constant 2 : i32
      %get3A_568 = arith.index_cast %get3A_567 : i32 to index
      %get3A_569 = arith.constant 96 : index
      %get3A_570 = tpu.vector_load %arg6[%get3A_568, %get3A_569] {strides = array<i32>} : memref<8x128xf32, #tpu.memory_space<vmem>>, vector<16xf32>,
      %add3A_571 = arith.addf %get3A_566, %get3A_570 : vector<16xf32>
      %swap3A_572 = arith.constant 2 : i32
      %swap3A_573 = arith.index_cast %swap3A_572 : i32 to index
      %swap3A_574 = arith.constant 96 : index
      %swap3A_575 = tpu.vector_load %arg7[%swap3A_573, %swap3A_574] {strides = array<i32>} : memref<8x128xf32, #tpu.memory_space<vmem>>, vector<16xf32>,
      tpu.vector_store %arg7[%swap3A_573, %swap3A_574], %add3A_571 {strides = array<i32>} : memref<8x128xf32, #tpu.memory_space<vmem>>, vector<16xf32>,
      %get3A_576 = arith.constant 2 : i32
      %get3A_577 = arith.index_cast %get3A_576 : i32 to index
      %get3A_578 = arith.constant 112 : index
      %get3A_579 = tpu.vector_load %arg7[%get3A_577, %get3A_578] {strides = array<i32>} : memref<8x128xf32, #tpu.memory_space<vmem>>, vector<16xf32>,
      %get3A_580 = arith.constant 2 : i32
      %get3A_581 = arith.index_cast %get3A_580 : i32 to index
      %get3A_582 = arith.constant 112 : index
      %get3A_583 = tpu.vector_load %arg6[%get3A_581, %get3A_582] {strides = array<i32>} : memref<8x128xf32, #tpu.memory_space<vmem>>, vector<16xf32>,
      %add3A_584 = arith.addf %get3A_579, %get3A_583 : vector<16xf32>
      %swap3A_585 = arith.constant 2 : i32
      %swap3A_586 = arith.index_cast %swap3A_585 : i32 to index
      %swap3A_587 = arith.constant 112 : index
      %swap3A_588 = tpu.vector_load %arg7[%swap3A_586, %swap3A_587] {strides = array<i32>} : memref<8x128xf32, #tpu.memory_space<vmem>>, vector<16xf32>,
      tpu.vector_store %arg7[%swap3A_586, %swap3A_587], %add3A_584 {strides = array<i32>} : memref<8x128xf32, #tpu.memory_space<vmem>>, vector<16xf32>,
      %get3A_589 = arith.constant 3 : i32
      %get3A_590 = arith.index_cast %get3A_589 : i32 to index
      %get3A_591 = arith.constant 0 : index
      %get3A_592 = tpu.vector_load %arg7[%get3A_590, %get3A_591] {strides = array<i32>} : memref<8x128xf32, #tpu.memory_space<vmem>>, vector<16xf32>,
      %get3A_593 = arith.constant 3 : i32
      %get3A_594 = arith.index_cast %get3A_593 : i32 to index
      %get3A_595 = arith.constant 0 : index
      %get3A_596 = tpu.vector_load %arg6[%get3A_594, %get3A_595] {strides = array<i32>} : memref<8x128xf32, #tpu.memory_space<vmem>>, vector<16xf32>,
      %add3A_597 = arith.addf %get3A_592, %get3A_596 : vector<16xf32>
      %swap3A_598 = arith.constant 3 : i32
      %swap3A_599 = arith.index_cast %swap3A_598 : i32 to index
      %swap3A_600 = arith.constant 0 : index
      %swap3A_601 = tpu.vector_load %arg7[%swap3A_599, %swap3A_600] {strides = array<i32>} : memref<8x128xf32, #tpu.memory_space<vmem>>, vector<16xf32>,
      tpu.vector_store %arg7[%swap3A_599, %swap3A_600], %add3A_597 {strides = array<i32>} : memref<8x128xf32, #tpu.memory_space<vmem>>, vector<16xf32>,
      %get3A_602 = arith.constant 3 : i32
      %get3A_603 = arith.index_cast %get3A_602 : i32 to index
      %get3A_604 = arith.constant 16 : index
      %get3A_605 = tpu.vector_load %arg7[%get3A_603, %get3A_604] {strides = array<i32>} : memref<8x128xf32, #tpu.memory_space<vmem>>, vector<16xf32>,
      %get3A_606 = arith.constant 3 : i32
      %get3A_607 = arith.index_cast %get3A_606 : i32 to index
      %get3A_608 = arith.constant 16 : index
      %get3A_609 = tpu.vector_load %arg6[%get3A_607, %get3A_608] {strides = array<i32>} : memref<8x128xf32, #tpu.memory_space<vmem>>, vector<16xf32>,
      %add3A_610 = arith.addf %get3A_605, %get3A_609 : vector<16xf32>
      %swap3A_611 = arith.constant 3 : i32
      %swap3A_612 = arith.index_cast %swap3A_611 : i32 to index
      %swap3A_613 = arith.constant 16 : index
      %swap3A_614 = tpu.vector_load %arg7[%swap3A_612, %swap3A_613] {strides = array<i32>} : memref<8x128xf32, #tpu.memory_space<vmem>>, vector<16xf32>,
      tpu.vector_store %arg7[%swap3A_612, %swap3A_613], %add3A_610 {strides = array<i32>} : memref<8x128xf32, #tpu.memory_space<vmem>>, vector<16xf32>,
      %get3A_615 = arith.constant 3 : i32
      %get3A_616 = arith.index_cast %get3A_615 : i32 to index
      %get3A_617 = arith.constant 32 : index
      %get3A_618 = tpu.vector_load %arg7[%get3A_616, %get3A_617] {strides = array<i32>} : memref<8x128xf32, #tpu.memory_space<vmem>>, vector<16xf32>,
      %get3A_619 = arith.constant 3 : i32
      %get3A_620 = arith.index_cast %get3A_619 : i32 to index
      %get3A_621 = arith.constant 32 : index
      %get3A_622 = tpu.vector_load %arg6[%get3A_620, %get3A_621] {strides = array<i32>} : memref<8x128xf32, #tpu.memory_space<vmem>>, vector<16xf32>,
      %add3A_623 = arith.addf %get3A_618, %get3A_622 : vector<16xf32>
      %swap3A_624 = arith.constant 3 : i32
      %swap3A_625 = arith.index_cast %swap3A_624 : i32 to index
      %swap3A_626 = arith.constant 32 : index
      %swap3A_627 = tpu.vector_load %arg7[%swap3A_625, %swap3A_626] {strides = array<i32>} : memref<8x128xf32, #tpu.memory_space<vmem>>, vector<16xf32>,
      tpu.vector_store %arg7[%swap3A_625, %swap3A_626], %add3A_623 {strides = array<i32>} : memref<8x128xf32, #tpu.memory_space<vmem>>, vector<16xf32>,
      %get3A_628 = arith.constant 3 : i32
      %get3A_629 = arith.index_cast %get3A_628 : i32 to index
      %get3A_630 = arith.constant 48 : index
      %get3A_631 = tpu.vector_load %arg7[%get3A_629, %get3A_630] {strides = array<i32>} : memref<8x128xf32, #tpu.memory_space<vmem>>, vector<16xf32>,
      %get3A_632 = arith.constant 3 : i32
      %get3A_633 = arith.index_cast %get3A_632 : i32 to index
      %get3A_634 = arith.constant 48 : index
      %get3A_635 = tpu.vector_load %arg6[%get3A_633, %get3A_634] {strides = array<i32>} : memref<8x128xf32, #tpu.memory_space<vmem>>, vector<16xf32>,
      %add3A_636 = arith.addf %get3A_631, %get3A_635 : vector<16xf32>
      %swap3A_637 = arith.constant 3 : i32
      %swap3A_638 = arith.index_cast %swap3A_637 : i32 to index
      %swap3A_639 = arith.constant 48 : index
      %swap3A_640 = tpu.vector_load %arg7[%swap3A_638, %swap3A_639] {strides = array<i32>} : memref<8x128xf32, #tpu.memory_space<vmem>>, vector<16xf32>,
      tpu.vector_store %arg7[%swap3A_638, %swap3A_639], %add3A_636 {strides = array<i32>} : memref<8x128xf32, #tpu.memory_space<vmem>>, vector<16xf32>,
      %get3A_641 = arith.constant 3 : i32
      %get3A_642 = arith.index_cast %get3A_641 : i32 to index
      %get3A_643 = arith.constant 64 : index
      %get3A_644 = tpu.vector_load %arg7[%get3A_642, %get3A_643] {strides = array<i32>} : memref<8x128xf32, #tpu.memory_space<vmem>>, vector<16xf32>,
      %get3A_645 = arith.constant 3 : i32
      %get3A_646 = arith.index_cast %get3A_645 : i32 to index
      %get3A_647 = arith.constant 64 : index
      %get3A_648 = tpu.vector_load %arg6[%get3A_646, %get3A_647] {strides = array<i32>} : memref<8x128xf32, #tpu.memory_space<vmem>>, vector<16xf32>,
      %add3A_649 = arith.addf %get3A_644, %get3A_648 : vector<16xf32>
      %swap3A_650 = arith.constant 3 : i32
      %swap3A_651 = arith.index_cast %swap3A_650 : i32 to index
      %swap3A_652 = arith.constant 64 : index
      %swap3A_653 = tpu.vector_load %arg7[%swap3A_651, %swap3A_652] {strides = array<i32>} : memref<8x128xf32, #tpu.memory_space<vmem>>, vector<16xf32>,
      tpu.vector_store %arg7[%swap3A_651, %swap3A_652], %add3A_649 {strides = array<i32>} : memref<8x128xf32, #tpu.memory_space<vmem>>, vector<16xf32>,
      %get3A_654 = arith.constant 3 : i32
      %get3A_655 = arith.index_cast %get3A_654 : i32 to index
      %get3A_656 = arith.constant 80 : index
      %get3A_657 = tpu.vector_load %arg7[%get3A_655, %get3A_656] {strides = array<i32>} : memref<8x128xf32, #tpu.memory_space<vmem>>, vector<16xf32>,
      %get3A_658 = arith.constant 3 : i32
      %get3A_659 = arith.index_cast %get3A_658 : i32 to index
      %get3A_660 = arith.constant 80 : index
      %get3A_661 = tpu.vector_load %arg6[%get3A_659, %get3A_660] {strides = array<i32>} : memref<8x128xf32, #tpu.memory_space<vmem>>, vector<16xf32>,
      %add3A_662 = arith.addf %get3A_657, %get3A_661 : vector<16xf32>
      %swap3A_663 = arith.constant 3 : i32
      %swap3A_664 = arith.index_cast %swap3A_663 : i32 to index
      %swap3A_665 = arith.constant 80 : index
      %swap3A_666 = tpu.vector_load %arg7[%swap3A_664, %swap3A_665] {strides = array<i32>} : memref<8x128xf32, #tpu.memory_space<vmem>>, vector<16xf32>,
      tpu.vector_store %arg7[%swap3A_664, %swap3A_665], %add3A_662 {strides = array<i32>} : memref<8x128xf32, #tpu.memory_space<vmem>>, vector<16xf32>,
      %get3A_667 = arith.constant 3 : i32
      %get3A_668 = arith.index_cast %get3A_667 : i32 to index
      %get3A_669 = arith.constant 96 : index
      %get3A_670 = tpu.vector_load %arg7[%get3A_668, %get3A_669] {strides = array<i32>} : memref<8x128xf32, #tpu.memory_space<vmem>>, vector<16xf32>,
      %get3A_671 = arith.constant 3 : i32
      %get3A_672 = arith.index_cast %get3A_671 : i32 to index
      %get3A_673 = arith.constant 96 : index
      %get3A_674 = tpu.vector_load %arg6[%get3A_672, %get3A_673] {strides = array<i32>} : memref<8x128xf32, #tpu.memory_space<vmem>>, vector<16xf32>,
      %add3A_675 = arith.addf %get3A_670, %get3A_674 : vector<16xf32>
      %swap3A_676 = arith.constant 3 : i32
      %swap3A_677 = arith.index_cast %swap3A_676 : i32 to index
      %swap3A_678 = arith.constant 96 : index
      %swap3A_679 = tpu.vector_load %arg7[%swap3A_677, %swap3A_678] {strides = array<i32>} : memref<8x128xf32, #tpu.memory_space<vmem>>, vector<16xf32>,
      tpu.vector_store %arg7[%swap3A_677, %swap3A_678], %add3A_675 {strides = array<i32>} : memref<8x128xf32, #tpu.memory_space<vmem>>, vector<16xf32>,
      %get3A_680 = arith.constant 3 : i32
      %get3A_681 = arith.index_cast %get3A_680 : i32 to index
      %get3A_682 = arith.constant 112 : index
      %get3A_683 = tpu.vector_load %arg7[%get3A_681, %get3A_682] {strides = array<i32>} : memref<8x128xf32, #tpu.memory_space<vmem>>, vector<16xf32>,
      %get3A_684 = arith.constant 3 : i32
      %get3A_685 = arith.index_cast %get3A_684 : i32 to index
      %get3A_686 = arith.constant 112 : index
      %get3A_687 = tpu.vector_load %arg6[%get3A_685, %get3A_686] {strides = array<i32>} : memref<8x128xf32, #tpu.memory_space<vmem>>, vector<16xf32>,
      %add3A_688 = arith.addf %get3A_683, %get3A_687 : vector<16xf32>
      %swap3A_689 = arith.constant 3 : i32
      %swap3A_690 = arith.index_cast %swap3A_689 : i32 to index
      %swap3A_691 = arith.constant 112 : index
      %swap3A_692 = tpu.vector_load %arg7[%swap3A_690, %swap3A_691] {strides = array<i32>} : memref<8x128xf32, #tpu.memory_space<vmem>>, vector<16xf32>,
      tpu.vector_store %arg7[%swap3A_690, %swap3A_691], %add3A_688 {strides = array<i32>} : memref<8x128xf32, #tpu.memory_space<vmem>>, vector<16xf32>,
      %get3A_693 = arith.constant 4 : i32
      %get3A_694 = arith.index_cast %get3A_693 : i32 to index
      %get3A_695 = arith.constant 0 : index
      %get3A_696 = tpu.vector_load %arg7[%get3A_694, %get3A_695] {strides = array<i32>} : memref<8x128xf32, #tpu.memory_space<vmem>>, vector<16xf32>,
      %get3A_697 = arith.constant 4 : i32
      %get3A_698 = arith.index_cast %get3A_697 : i32 to index
      %get3A_699 = arith.constant 0 : index
      %get3A_700 = tpu.vector_load %arg6[%get3A_698, %get3A_699] {strides = array<i32>} : memref<8x128xf32, #tpu.memory_space<vmem>>, vector<16xf32>,
      %add3A_701 = arith.addf %get3A_696, %get3A_700 : vector<16xf32>
      %swap3A_702 = arith.constant 4 : i32
      %swap3A_703 = arith.index_cast %swap3A_702 : i32 to index
      %swap3A_704 = arith.constant 0 : index
      %swap3A_705 = tpu.vector_load %arg7[%swap3A_703, %swap3A_704] {strides = array<i32>} : memref<8x128xf32, #tpu.memory_space<vmem>>, vector<16xf32>,
      tpu.vector_store %arg7[%swap3A_703, %swap3A_704], %add3A_701 {strides = array<i32>} : memref<8x128xf32, #tpu.memory_space<vmem>>, vector<16xf32>,
      %get3A_706 = arith.constant 4 : i32
      %get3A_707 = arith.index_cast %get3A_706 : i32 to index
      %get3A_708 = arith.constant 16 : index
      %get3A_709 = tpu.vector_load %arg7[%get3A_707, %get3A_708] {strides = array<i32>} : memref<8x128xf32, #tpu.memory_space<vmem>>, vector<16xf32>,
      %get3A_710 = arith.constant 4 : i32
      %get3A_711 = arith.index_cast %get3A_710 : i32 to index
      %get3A_712 = arith.constant 16 : index
      %get3A_713 = tpu.vector_load %arg6[%get3A_711, %get3A_712] {strides = array<i32>} : memref<8x128xf32, #tpu.memory_space<vmem>>, vector<16xf32>,
      %add3A_714 = arith.addf %get3A_709, %get3A_713 : vector<16xf32>
      %swap3A_715 = arith.constant 4 : i32
      %swap3A_716 = arith.index_cast %swap3A_715 : i32 to index
      %swap3A_717 = arith.constant 16 : index
      %swap3A_718 = tpu.vector_load %arg7[%swap3A_716, %swap3A_717] {strides = array<i32>} : memref<8x128xf32, #tpu.memory_space<vmem>>, vector<16xf32>,
      tpu.vector_store %arg7[%swap3A_716, %swap3A_717], %add3A_714 {strides = array<i32>} : memref<8x128xf32, #tpu.memory_space<vmem>>, vector<16xf32>,
      %get3A_719 = arith.constant 4 : i32
      %get3A_720 = arith.index_cast %get3A_719 : i32 to index
      %get3A_721 = arith.constant 32 : index
      %get3A_722 = tpu.vector_load %arg7[%get3A_720, %get3A_721] {strides = array<i32>} : memref<8x128xf32, #tpu.memory_space<vmem>>, vector<16xf32>,
      %get3A_723 = arith.constant 4 : i32
      %get3A_724 = arith.index_cast %get3A_723 : i32 to index
      %get3A_725 = arith.constant 32 : index
      %get3A_726 = tpu.vector_load %arg6[%get3A_724, %get3A_725] {strides = array<i32>} : memref<8x128xf32, #tpu.memory_space<vmem>>, vector<16xf32>,
      %add3A_727 = arith.addf %get3A_722, %get3A_726 : vector<16xf32>
      %swap3A_728 = arith.constant 4 : i32
      %swap3A_729 = arith.index_cast %swap3A_728 : i32 to index
      %swap3A_730 = arith.constant 32 : index
      %swap3A_731 = tpu.vector_load %arg7[%swap3A_729, %swap3A_730] {strides = array<i32>} : memref<8x128xf32, #tpu.memory_space<vmem>>, vector<16xf32>,
      tpu.vector_store %arg7[%swap3A_729, %swap3A_730], %add3A_727 {strides = array<i32>} : memref<8x128xf32, #tpu.memory_space<vmem>>, vector<16xf32>,
      %get3A_732 = arith.constant 4 : i32
      %get3A_733 = arith.index_cast %get3A_732 : i32 to index
      %get3A_734 = arith.constant 48 : index
      %get3A_735 = tpu.vector_load %arg7[%get3A_733, %get3A_734] {strides = array<i32>} : memref<8x128xf32, #tpu.memory_space<vmem>>, vector<16xf32>,
      %get3A_736 = arith.constant 4 : i32
      %get3A_737 = arith.index_cast %get3A_736 : i32 to index
      %get3A_738 = arith.constant 48 : index
      %get3A_739 = tpu.vector_load %arg6[%get3A_737, %get3A_738] {strides = array<i32>} : memref<8x128xf32, #tpu.memory_space<vmem>>, vector<16xf32>,
      %add3A_740 = arith.addf %get3A_735, %get3A_739 : vector<16xf32>
      %swap3A_741 = arith.constant 4 : i32
      %swap3A_742 = arith.index_cast %swap3A_741 : i32 to index
      %swap3A_743 = arith.constant 48 : index
      %swap3A_744 = tpu.vector_load %arg7[%swap3A_742, %swap3A_743] {strides = array<i32>} : memref<8x128xf32, #tpu.memory_space<vmem>>, vector<16xf32>,
      tpu.vector_store %arg7[%swap3A_742, %swap3A_743], %add3A_740 {strides = array<i32>} : memref<8x128xf32, #tpu.memory_space<vmem>>, vector<16xf32>,
      %get3A_745 = arith.constant 4 : i32
      %get3A_746 = arith.index_cast %get3A_745 : i32 to index
      %get3A_747 = arith.constant 64 : index
      %get3A_748 = tpu.vector_load %arg7[%get3A_746, %get3A_747] {strides = array<i32>} : memref<8x128xf32, #tpu.memory_space<vmem>>, vector<16xf32>,
      %get3A_749 = arith.constant 4 : i32
      %get3A_750 = arith.index_cast %get3A_749 : i32 to index
      %get3A_751 = arith.constant 64 : index
      %get3A_752 = tpu.vector_load %arg6[%get3A_750, %get3A_751] {strides = array<i32>} : memref<8x128xf32, #tpu.memory_space<vmem>>, vector<16xf32>,
      %add3A_753 = arith.addf %get3A_748, %get3A_752 : vector<16xf32>
      %swap3A_754 = arith.constant 4 : i32
      %swap3A_755 = arith.index_cast %swap3A_754 : i32 to index
      %swap3A_756 = arith.constant 64 : index
      %swap3A_757 = tpu.vector_load %arg7[%swap3A_755, %swap3A_756] {strides = array<i32>} : memref<8x128xf32, #tpu.memory_space<vmem>>, vector<16xf32>,
      tpu.vector_store %arg7[%swap3A_755, %swap3A_756], %add3A_753 {strides = array<i32>} : memref<8x128xf32, #tpu.memory_space<vmem>>, vector<16xf32>,
      %get3A_758 = arith.constant 4 : i32
      %get3A_759 = arith.index_cast %get3A_758 : i32 to index
      %get3A_760 = arith.constant 80 : index
      %get3A_761 = tpu.vector_load %arg7[%get3A_759, %get3A_760] {strides = array<i32>} : memref<8x128xf32, #tpu.memory_space<vmem>>, vector<16xf32>,
      %get3A_762 = arith.constant 4 : i32
      %get3A_763 = arith.index_cast %get3A_762 : i32 to index
      %get3A_764 = arith.constant 80 : index
      %get3A_765 = tpu.vector_load %arg6[%get3A_763, %get3A_764] {strides = array<i32>} : memref<8x128xf32, #tpu.memory_space<vmem>>, vector<16xf32>,
      %add3A_766 = arith.addf %get3A_761, %get3A_765 : vector<16xf32>
      %swap3A_767 = arith.constant 4 : i32
      %swap3A_768 = arith.index_cast %swap3A_767 : i32 to index
      %swap3A_769 = arith.constant 80 : index
      %swap3A_770 = tpu.vector_load %arg7[%swap3A_768, %swap3A_769] {strides = array<i32>} : memref<8x128xf32, #tpu.memory_space<vmem>>, vector<16xf32>,
      tpu.vector_store %arg7[%swap3A_768, %swap3A_769], %add3A_766 {strides = array<i32>} : memref<8x128xf32, #tpu.memory_space<vmem>>, vector<16xf32>,
      %get3A_771 = arith.constant 4 : i32
      %get3A_772 = arith.index_cast %get3A_771 : i32 to index
      %get3A_773 = arith.constant 96 : index
      %get3A_774 = tpu.vector_load %arg7[%get3A_772, %get3A_773] {strides = array<i32>} : memref<8x128xf32, #tpu.memory_space<vmem>>, vector<16xf32>,
      %get3A_775 = arith.constant 4 : i32
      %get3A_776 = arith.index_cast %get3A_775 : i32 to index
      %get3A_777 = arith.constant 96 : index
      %get3A_778 = tpu.vector_load %arg6[%get3A_776, %get3A_777] {strides = array<i32>} : memref<8x128xf32, #tpu.memory_space<vmem>>, vector<16xf32>,
      %add3A_779 = arith.addf %get3A_774, %get3A_778 : vector<16xf32>
      %swap3A_780 = arith.constant 4 : i32
      %swap3A_781 = arith.index_cast %swap3A_780 : i32 to index
      %swap3A_782 = arith.constant 96 : index
      %swap3A_783 = tpu.vector_load %arg7[%swap3A_781, %swap3A_782] {strides = array<i32>} : memref<8x128xf32, #tpu.memory_space<vmem>>, vector<16xf32>,
      tpu.vector_store %arg7[%swap3A_781, %swap3A_782], %add3A_779 {strides = array<i32>} : memref<8x128xf32, #tpu.memory_space<vmem>>, vector<16xf32>,
      %get3A_784 = arith.constant 4 : i32
      %get3A_785 = arith.index_cast %get3A_784 : i32 to index
      %get3A_786 = arith.constant 112 : index
      %get3A_787 = tpu.vector_load %arg7[%get3A_785, %get3A_786] {strides = array<i32>} : memref<8x128xf32, #tpu.memory_space<vmem>>, vector<16xf32>,
      %get3A_788 = arith.constant 4 : i32
      %get3A_789 = arith.index_cast %get3A_788 : i32 to index
      %get3A_790 = arith.constant 112 : index
      %get3A_791 = tpu.vector_load %arg6[%get3A_789, %get3A_790] {strides = array<i32>} : memref<8x128xf32, #tpu.memory_space<vmem>>, vector<16xf32>,
      %add3A_792 = arith.addf %get3A_787, %get3A_791 : vector<16xf32>
      %swap3A_793 = arith.constant 4 : i32
      %swap3A_794 = arith.index_cast %swap3A_793 : i32 to index
      %swap3A_795 = arith.constant 112 : index
      %swap3A_796 = tpu.vector_load %arg7[%swap3A_794, %swap3A_795] {strides = array<i32>} : memref<8x128xf32, #tpu.memory_space<vmem>>, vector<16xf32>,
      tpu.vector_store %arg7[%swap3A_794, %swap3A_795], %add3A_792 {strides = array<i32>} : memref<8x128xf32, #tpu.memory_space<vmem>>, vector<16xf32>,
      %get3A_797 = arith.constant 5 : i32
      %get3A_798 = arith.index_cast %get3A_797 : i32 to index
      %get3A_799 = arith.constant 0 : index
      %get3A_800 = tpu.vector_load %arg7[%get3A_798, %get3A_799] {strides = array<i32>} : memref<8x128xf32, #tpu.memory_space<vmem>>, vector<16xf32>,
      %get3A_801 = arith.constant 5 : i32
      %get3A_802 = arith.index_cast %get3A_801 : i32 to index
      %get3A_803 = arith.constant 0 : index
      %get3A_804 = tpu.vector_load %arg6[%get3A_802, %get3A_803] {strides = array<i32>} : memref<8x128xf32, #tpu.memory_space<vmem>>, vector<16xf32>,
      %add3A_805 = arith.addf %get3A_800, %get3A_804 : vector<16xf32>
      %swap3A_806 = arith.constant 5 : i32
      %swap3A_807 = arith.index_cast %swap3A_806 : i32 to index
      %swap3A_808 = arith.constant 0 : index
      %swap3A_809 = tpu.vector_load %arg7[%swap3A_807, %swap3A_808] {strides = array<i32>} : memref<8x128xf32, #tpu.memory_space<vmem>>, vector<16xf32>,
      tpu.vector_store %arg7[%swap3A_807, %swap3A_808], %add3A_805 {strides = array<i32>} : memref<8x128xf32, #tpu.memory_space<vmem>>, vector<16xf32>,
      %get3A_810 = arith.constant 5 : i32
      %get3A_811 = arith.index_cast %get3A_810 : i32 to index
      %get3A_812 = arith.constant 16 : index
      %get3A_813 = tpu.vector_load %arg7[%get3A_811, %get3A_812] {strides = array<i32>} : memref<8x128xf32, #tpu.memory_space<vmem>>, vector<16xf32>,
      %get3A_814 = arith.constant 5 : i32
      %get3A_815 = arith.index_cast %get3A_814 : i32 to index
      %get3A_816 = arith.constant 16 : index
      %get3A_817 = tpu.vector_load %arg6[%get3A_815, %get3A_816] {strides = array<i32>} : memref<8x128xf32, #tpu.memory_space<vmem>>, vector<16xf32>,
      %add3A_818 = arith.addf %get3A_813, %get3A_817 : vector<16xf32>
      %swap3A_819 = arith.constant 5 : i32
      %swap3A_820 = arith.index_cast %swap3A_819 : i32 to index
      %swap3A_821 = arith.constant 16 : index
      %swap3A_822 = tpu.vector_load %arg7[%swap3A_820, %swap3A_821] {strides = array<i32>} : memref<8x128xf32, #tpu.memory_space<vmem>>, vector<16xf32>,
      tpu.vector_store %arg7[%swap3A_820, %swap3A_821], %add3A_818 {strides = array<i32>} : memref<8x128xf32, #tpu.memory_space<vmem>>, vector<16xf32>,
      %get3A_823 = arith.constant 5 : i32
      %get3A_824 = arith.index_cast %get3A_823 : i32 to index
      %get3A_825 = arith.constant 32 : index
      %get3A_826 = tpu.vector_load %arg7[%get3A_824, %get3A_825] {strides = array<i32>} : memref<8x128xf32, #tpu.memory_space<vmem>>, vector<16xf32>,
      %get3A_827 = arith.constant 5 : i32
      %get3A_828 = arith.index_cast %get3A_827 : i32 to index
      %get3A_829 = arith.constant 32 : index
      %get3A_830 = tpu.vector_load %arg6[%get3A_828, %get3A_829] {strides = array<i32>} : memref<8x128xf32, #tpu.memory_space<vmem>>, vector<16xf32>,
      %add3A_831 = arith.addf %get3A_826, %get3A_830 : vector<16xf32>
      %swap3A_832 = arith.constant 5 : i32
      %swap3A_833 = arith.index_cast %swap3A_832 : i32 to index
      %swap3A_834 = arith.constant 32 : index
      %swap3A_835 = tpu.vector_load %arg7[%swap3A_833, %swap3A_834] {strides = array<i32>} : memref<8x128xf32, #tpu.memory_space<vmem>>, vector<16xf32>,
      tpu.vector_store %arg7[%swap3A_833, %swap3A_834], %add3A_831 {strides = array<i32>} : memref<8x128xf32, #tpu.memory_space<vmem>>, vector<16xf32>,
      %get3A_836 = arith.constant 5 : i32
      %get3A_837 = arith.index_cast %get3A_836 : i32 to index
      %get3A_838 = arith.constant 48 : index
      %get3A_839 = tpu.vector_load %arg7[%get3A_837, %get3A_838] {strides = array<i32>} : memref<8x128xf32, #tpu.memory_space<vmem>>, vector<16xf32>,
      %get3A_840 = arith.constant 5 : i32
      %get3A_841 = arith.index_cast %get3A_840 : i32 to index
      %get3A_842 = arith.constant 48 : index
      %get3A_843 = tpu.vector_load %arg6[%get3A_841, %get3A_842] {strides = array<i32>} : memref<8x128xf32, #tpu.memory_space<vmem>>, vector<16xf32>,
      %add3A_844 = arith.addf %get3A_839, %get3A_843 : vector<16xf32>
      %swap3A_845 = arith.constant 5 : i32
      %swap3A_846 = arith.index_cast %swap3A_845 : i32 to index
      %swap3A_847 = arith.constant 48 : index
      %swap3A_848 = tpu.vector_load %arg7[%swap3A_846, %swap3A_847] {strides = array<i32>} : memref<8x128xf32, #tpu.memory_space<vmem>>, vector<16xf32>,
      tpu.vector_store %arg7[%swap3A_846, %swap3A_847], %add3A_844 {strides = array<i32>} : memref<8x128xf32, #tpu.memory_space<vmem>>, vector<16xf32>,
      %get3A_849 = arith.constant 5 : i32
      %get3A_850 = arith.index_cast %get3A_849 : i32 to index
      %get3A_851 = arith.constant 64 : index
      %get3A_852 = tpu.vector_load %arg7[%get3A_850, %get3A_851] {strides = array<i32>} : memref<8x128xf32, #tpu.memory_space<vmem>>, vector<16xf32>,
      %get3A_853 = arith.constant 5 : i32
      %get3A_854 = arith.index_cast %get3A_853 : i32 to index
      %get3A_855 = arith.constant 64 : index
      %get3A_856 = tpu.vector_load %arg6[%get3A_854, %get3A_855] {strides = array<i32>} : memref<8x128xf32, #tpu.memory_space<vmem>>, vector<16xf32>,
      %add3A_857 = arith.addf %get3A_852, %get3A_856 : vector<16xf32>
      %swap3A_858 = arith.constant 5 : i32
      %swap3A_859 = arith.index_cast %swap3A_858 : i32 to index
      %swap3A_860 = arith.constant 64 : index
      %swap3A_861 = tpu.vector_load %arg7[%swap3A_859, %swap3A_860] {strides = array<i32>} : memref<8x128xf32, #tpu.memory_space<vmem>>, vector<16xf32>,
      tpu.vector_store %arg7[%swap3A_859, %swap3A_860], %add3A_857 {strides = array<i32>} : memref<8x128xf32, #tpu.memory_space<vmem>>, vector<16xf32>,
      %get3A_862 = arith.constant 5 : i32
      %get3A_863 = arith.index_cast %get3A_862 : i32 to index
      %get3A_864 = arith.constant 80 : index
      %get3A_865 = tpu.vector_load %arg7[%get3A_863, %get3A_864] {strides = array<i32>} : memref<8x128xf32, #tpu.memory_space<vmem>>, vector<16xf32>,
      %get3A_866 = arith.constant 5 : i32
      %get3A_867 = arith.index_cast %get3A_866 : i32 to index
      %get3A_868 = arith.constant 80 : index
      %get3A_869 = tpu.vector_load %arg6[%get3A_867, %get3A_868] {strides = array<i32>} : memref<8x128xf32, #tpu.memory_space<vmem>>, vector<16xf32>,
      %add3A_870 = arith.addf %get3A_865, %get3A_869 : vector<16xf32>
      %swap3A_871 = arith.constant 5 : i32
      %swap3A_872 = arith.index_cast %swap3A_871 : i32 to index
      %swap3A_873 = arith.constant 80 : index
      %swap3A_874 = tpu.vector_load %arg7[%swap3A_872, %swap3A_873] {strides = array<i32>} : memref<8x128xf32, #tpu.memory_space<vmem>>, vector<16xf32>,
      tpu.vector_store %arg7[%swap3A_872, %swap3A_873], %add3A_870 {strides = array<i32>} : memref<8x128xf32, #tpu.memory_space<vmem>>, vector<16xf32>,
      %get3A_875 = arith.constant 5 : i32
      %get3A_876 = arith.index_cast %get3A_875 : i32 to index
      %get3A_877 = arith.constant 96 : index
      %get3A_878 = tpu.vector_load %arg7[%get3A_876, %get3A_877] {strides = array<i32>} : memref<8x128xf32, #tpu.memory_space<vmem>>, vector<16xf32>,
      %get3A_879 = arith.constant 5 : i32
      %get3A_880 = arith.index_cast %get3A_879 : i32 to index
      %get3A_881 = arith.constant 96 : index
      %get3A_882 = tpu.vector_load %arg6[%get3A_880, %get3A_881] {strides = array<i32>} : memref<8x128xf32, #tpu.memory_space<vmem>>, vector<16xf32>,
      %add3A_883 = arith.addf %get3A_878, %get3A_882 : vector<16xf32>
      %swap3A_884 = arith.constant 5 : i32
      %swap3A_885 = arith.index_cast %swap3A_884 : i32 to index
      %swap3A_886 = arith.constant 96 : index
      %swap3A_887 = tpu.vector_load %arg7[%swap3A_885, %swap3A_886] {strides = array<i32>} : memref<8x128xf32, #tpu.memory_space<vmem>>, vector<16xf32>,
      tpu.vector_store %arg7[%swap3A_885, %swap3A_886], %add3A_883 {strides = array<i32>} : memref<8x128xf32, #tpu.memory_space<vmem>>, vector<16xf32>,
      %get3A_888 = arith.constant 5 : i32
      %get3A_889 = arith.index_cast %get3A_888 : i32 to index
      %get3A_890 = arith.constant 112 : index
      %get3A_891 = tpu.vector_load %arg7[%get3A_889, %get3A_890] {strides = array<i32>} : memref<8x128xf32, #tpu.memory_space<vmem>>, vector<16xf32>,
      %get3A_892 = arith.constant 5 : i32
      %get3A_893 = arith.index_cast %get3A_892 : i32 to index
      %get3A_894 = arith.constant 112 : index
      %get3A_895 = tpu.vector_load %arg6[%get3A_893, %get3A_894] {strides = array<i32>} : memref<8x128xf32, #tpu.memory_space<vmem>>, vector<16xf32>,
      %add3A_896 = arith.addf %get3A_891, %get3A_895 : vector<16xf32>
      %swap3A_897 = arith.constant 5 : i32
      %swap3A_898 = arith.index_cast %swap3A_897 : i32 to index
      %swap3A_899 = arith.constant 112 : index
      %swap3A_900 = tpu.vector_load %arg7[%swap3A_898, %swap3A_899] {strides = array<i32>} : memref<8x128xf32, #tpu.memory_space<vmem>>, vector<16xf32>,
      tpu.vector_store %arg7[%swap3A_898, %swap3A_899], %add3A_896 {strides = array<i32>} : memref<8x128xf32, #tpu.memory_space<vmem>>, vector<16xf32>,
      %get3A_901 = arith.constant 6 : i32
      %get3A_902 = arith.index_cast %get3A_901 : i32 to index
      %get3A_903 = arith.constant 0 : index
      %get3A_904 = tpu.vector_load %arg7[%get3A_902, %get3A_903] {strides = array<i32>} : memref<8x128xf32, #tpu.memory_space<vmem>>, vector<16xf32>,
      %get3A_905 = arith.constant 6 : i32
      %get3A_906 = arith.index_cast %get3A_905 : i32 to index
      %get3A_907 = arith.constant 0 : index
      %get3A_908 = tpu.vector_load %arg6[%get3A_906, %get3A_907] {strides = array<i32>} : memref<8x128xf32, #tpu.memory_space<vmem>>, vector<16xf32>,
      %add3A_909 = arith.addf %get3A_904, %get3A_908 : vector<16xf32>
      %swap3A_910 = arith.constant 6 : i32
      %swap3A_911 = arith.index_cast %swap3A_910 : i32 to index
      %swap3A_912 = arith.constant 0 : index
      %swap3A_913 = tpu.vector_load %arg7[%swap3A_911, %swap3A_912] {strides = array<i32>} : memref<8x128xf32, #tpu.memory_space<vmem>>, vector<16xf32>,
      tpu.vector_store %arg7[%swap3A_911, %swap3A_912], %add3A_909 {strides = array<i32>} : memref<8x128xf32, #tpu.memory_space<vmem>>, vector<16xf32>,
      %get3A_914 = arith.constant 6 : i32
      %get3A_915 = arith.index_cast %get3A_914 : i32 to index
      %get3A_916 = arith.constant 16 : index
      %get3A_917 = tpu.vector_load %arg7[%get3A_915, %get3A_916] {strides = array<i32>} : memref<8x128xf32, #tpu.memory_space<vmem>>, vector<16xf32>,
      %get3A_918 = arith.constant 6 : i32
      %get3A_919 = arith.index_cast %get3A_918 : i32 to index
      %get3A_920 = arith.constant 16 : index
      %get3A_921 = tpu.vector_load %arg6[%get3A_919, %get3A_920] {strides = array<i32>} : memref<8x128xf32, #tpu.memory_space<vmem>>, vector<16xf32>,
      %add3A_922 = arith.addf %get3A_917, %get3A_921 : vector<16xf32>
      %swap3A_923 = arith.constant 6 : i32
      %swap3A_924 = arith.index_cast %swap3A_923 : i32 to index
      %swap3A_925 = arith.constant 16 : index
      %swap3A_926 = tpu.vector_load %arg7[%swap3A_924, %swap3A_925] {strides = array<i32>} : memref<8x128xf32, #tpu.memory_space<vmem>>, vector<16xf32>,
      tpu.vector_store %arg7[%swap3A_924, %swap3A_925], %add3A_922 {strides = array<i32>} : memref<8x128xf32, #tpu.memory_space<vmem>>, vector<16xf32>,
      %get3A_927 = arith.constant 6 : i32
      %get3A_928 = arith.index_cast %get3A_927 : i32 to index
      %get3A_929 = arith.constant 32 : index
      %get3A_930 = tpu.vector_load %arg7[%get3A_928, %get3A_929] {strides = array<i32>} : memref<8x128xf32, #tpu.memory_space<vmem>>, vector<16xf32>,
      %get3A_931 = arith.constant 6 : i32
      %get3A_932 = arith.index_cast %get3A_931 : i32 to index
      %get3A_933 = arith.constant 32 : index
      %get3A_934 = tpu.vector_load %arg6[%get3A_932, %get3A_933] {strides = array<i32>} : memref<8x128xf32, #tpu.memory_space<vmem>>, vector<16xf32>,
      %add3A_935 = arith.addf %get3A_930, %get3A_934 : vector<16xf32>
      %swap3A_936 = arith.constant 6 : i32
      %swap3A_937 = arith.index_cast %swap3A_936 : i32 to index
      %swap3A_938 = arith.constant 32 : index
      %swap3A_939 = tpu.vector_load %arg7[%swap3A_937, %swap3A_938] {strides = array<i32>} : memref<8x128xf32, #tpu.memory_space<vmem>>, vector<16xf32>,
      tpu.vector_store %arg7[%swap3A_937, %swap3A_938], %add3A_935 {strides = array<i32>} : memref<8x128xf32, #tpu.memory_space<vmem>>, vector<16xf32>,
      %get3A_940 = arith.constant 6 : i32
      %get3A_941 = arith.index_cast %get3A_940 : i32 to index
      %get3A_942 = arith.constant 48 : index
      %get3A_943 = tpu.vector_load %arg7[%get3A_941, %get3A_942] {strides = array<i32>} : memref<8x128xf32, #tpu.memory_space<vmem>>, vector<16xf32>,
      %get3A_944 = arith.constant 6 : i32
      %get3A_945 = arith.index_cast %get3A_944 : i32 to index
      %get3A_946 = arith.constant 48 : index
      %get3A_947 = tpu.vector_load %arg6[%get3A_945, %get3A_946] {strides = array<i32>} : memref<8x128xf32, #tpu.memory_space<vmem>>, vector<16xf32>,
      %add3A_948 = arith.addf %get3A_943, %get3A_947 : vector<16xf32>
      %swap3A_949 = arith.constant 6 : i32
      %swap3A_950 = arith.index_cast %swap3A_949 : i32 to index
      %swap3A_951 = arith.constant 48 : index
      %swap3A_952 = tpu.vector_load %arg7[%swap3A_950, %swap3A_951] {strides = array<i32>} : memref<8x128xf32, #tpu.memory_space<vmem>>, vector<16xf32>,
      tpu.vector_store %arg7[%swap3A_950, %swap3A_951], %add3A_948 {strides = array<i32>} : memref<8x128xf32, #tpu.memory_space<vmem>>, vector<16xf32>,
      %get3A_953 = arith.constant 6 : i32
      %get3A_954 = arith.index_cast %get3A_953 : i32 to index
      %get3A_955 = arith.constant 64 : index
      %get3A_956 = tpu.vector_load %arg7[%get3A_954, %get3A_955] {strides = array<i32>} : memref<8x128xf32, #tpu.memory_space<vmem>>, vector<16xf32>,
      %get3A_957 = arith.constant 6 : i32
      %get3A_958 = arith.index_cast %get3A_957 : i32 to index
      %get3A_959 = arith.constant 64 : index
      %get3A_960 = tpu.vector_load %arg6[%get3A_958, %get3A_959] {strides = array<i32>} : memref<8x128xf32, #tpu.memory_space<vmem>>, vector<16xf32>,
      %add3A_961 = arith.addf %get3A_956, %get3A_960 : vector<16xf32>
      %swap3A_962 = arith.constant 6 : i32
      %swap3A_963 = arith.index_cast %swap3A_962 : i32 to index
      %swap3A_964 = arith.constant 64 : index
      %swap3A_965 = tpu.vector_load %arg7[%swap3A_963, %swap3A_964] {strides = array<i32>} : memref<8x128xf32, #tpu.memory_space<vmem>>, vector<16xf32>,
      tpu.vector_store %arg7[%swap3A_963, %swap3A_964], %add3A_961 {strides = array<i32>} : memref<8x128xf32, #tpu.memory_space<vmem>>, vector<16xf32>,
      %get3A_966 = arith.constant 6 : i32
      %get3A_967 = arith.index_cast %get3A_966 : i32 to index
      %get3A_968 = arith.constant 80 : index
      %get3A_969 = tpu.vector_load %arg7[%get3A_967, %get3A_968] {strides = array<i32>} : memref<8x128xf32, #tpu.memory_space<vmem>>, vector<16xf32>,
      %get3A_970 = arith.constant 6 : i32
      %get3A_971 = arith.index_cast %get3A_970 : i32 to index
      %get3A_972 = arith.constant 80 : index
      %get3A_973 = tpu.vector_load %arg6[%get3A_971, %get3A_972] {strides = array<i32>} : memref<8x128xf32, #tpu.memory_space<vmem>>, vector<16xf32>,
      %add3A_974 = arith.addf %get3A_969, %get3A_973 : vector<16xf32>
      %swap3A_975 = arith.constant 6 : i32
      %swap3A_976 = arith.index_cast %swap3A_975 : i32 to index
      %swap3A_977 = arith.constant 80 : index
      %swap3A_978 = tpu.vector_load %arg7[%swap3A_976, %swap3A_977] {strides = array<i32>} : memref<8x128xf32, #tpu.memory_space<vmem>>, vector<16xf32>,
      tpu.vector_store %arg7[%swap3A_976, %swap3A_977], %add3A_974 {strides = array<i32>} : memref<8x128xf32, #tpu.memory_space<vmem>>, vector<16xf32>,
      %get3A_979 = arith.constant 6 : i32
      %get3A_980 = arith.index_cast %get3A_979 : i32 to index
      %get3A_981 = arith.constant 96 : index
      %get3A_982 = tpu.vector_load %arg7[%get3A_980, %get3A_981] {strides = array<i32>} : memref<8x128xf32, #tpu.memory_space<vmem>>, vector<16xf32>,
      %get3A_983 = arith.constant 6 : i32
      %get3A_984 = arith.index_cast %get3A_983 : i32 to index
      %get3A_985 = arith.constant 96 : index
      %get3A_986 = tpu.vector_load %arg6[%get3A_984, %get3A_985] {strides = array<i32>} : memref<8x128xf32, #tpu.memory_space<vmem>>, vector<16xf32>,
      %add3A_987 = arith.addf %get3A_982, %get3A_986 : vector<16xf32>
      %swap3A_988 = arith.constant 6 : i32
      %swap3A_989 = arith.index_cast %swap3A_988 : i32 to index
      %swap3A_990 = arith.constant 96 : index
      %swap3A_991 = tpu.vector_load %arg7[%swap3A_989, %swap3A_990] {strides = array<i32>} : memref<8x128xf32, #tpu.memory_space<vmem>>, vector<16xf32>,
      tpu.vector_store %arg7[%swap3A_989, %swap3A_990], %add3A_987 {strides = array<i32>} : memref<8x128xf32, #tpu.memory_space<vmem>>, vector<16xf32>,
      %get3A_992 = arith.constant 6 : i32
      %get3A_993 = arith.index_cast %get3A_992 : i32 to index
      %get3A_994 = arith.constant 112 : index
      %get3A_995 = tpu.vector_load %arg7[%get3A_993, %get3A_994] {strides = array<i32>} : memref<8x128xf32, #tpu.memory_space<vmem>>, vector<16xf32>,
      %get3A_996 = arith.constant 6 : i32
      %get3A_997 = arith.index_cast %get3A_996 : i32 to index
      %get3A_998 = arith.constant 112 : index
      %get3A_999 = tpu.vector_load %arg6[%get3A_997, %get3A_998] {strides = array<i32>} : memref<8x128xf32, #tpu.memory_space<vmem>>, vector<16xf32>,
      %add3A_1000 = arith.addf %get3A_995, %get3A_999 : vector<16xf32>
      %swap3A_1001 = arith.constant 6 : i32
      %swap3A_1002 = arith.index_cast %swap3A_1001 : i32 to index
      %swap3A_1003 = arith.constant 112 : index
      %swap3A_1004 = tpu.vector_load %arg7[%swap3A_1002, %swap3A_1003] {strides = array<i32>} : memref<8x128xf32, #tpu.memory_space<vmem>>, vector<16xf32>,
      tpu.vector_store %arg7[%swap3A_1002, %swap3A_1003], %add3A_1000 {strides = array<i32>} : memref<8x128xf32, #tpu.memory_space<vmem>>, vector<16xf32>,
      %get3A_1005 = arith.constant 7 : i32
      %get3A_1006 = arith.index_cast %get3A_1005 : i32 to index
      %get3A_1007 = arith.constant 0 : index
      %get3A_1008 = tpu.vector_load %arg7[%get3A_1006, %get3A_1007] {strides = array<i32>} : memref<8x128xf32, #tpu.memory_space<vmem>>, vector<16xf32>,
      %get3A_1009 = arith.constant 7 : i32
      %get3A_1010 = arith.index_cast %get3A_1009 : i32 to index
      %get3A_1011 = arith.constant 0 : index
      %get3A_1012 = tpu.vector_load %arg6[%get3A_1010, %get3A_1011] {strides = array<i32>} : memref<8x128xf32, #tpu.memory_space<vmem>>, vector<16xf32>,
      %add3A_1013 = arith.addf %get3A_1008, %get3A_1012 : vector<16xf32>
      %swap3A_1014 = arith.constant 7 : i32
      %swap3A_1015 = arith.index_cast %swap3A_1014 : i32 to index
      %swap3A_1016 = arith.constant 0 : index
      %swap3A_1017 = tpu.vector_load %arg7[%swap3A_1015, %swap3A_1016] {strides = array<i32>} : memref<8x128xf32, #tpu.memory_space<vmem>>, vector<16xf32>,
      tpu.vector_store %arg7[%swap3A_1015, %swap3A_1016], %add3A_1013 {strides = array<i32>} : memref<8x128xf32, #tpu.memory_space<vmem>>, vector<16xf32>,
      %get3A_1018 = arith.constant 7 : i32
      %get3A_1019 = arith.index_cast %get3A_1018 : i32 to index
      %get3A_1020 = arith.constant 16 : index
      %get3A_1021 = tpu.vector_load %arg7[%get3A_1019, %get3A_1020] {strides = array<i32>} : memref<8x128xf32, #tpu.memory_space<vmem>>, vector<16xf32>,
      %get3A_1022 = arith.constant 7 : i32
      %get3A_1023 = arith.index_cast %get3A_1022 : i32 to index
      %get3A_1024 = arith.constant 16 : index
      %get3A_1025 = tpu.vector_load %arg6[%get3A_1023, %get3A_1024] {strides = array<i32>} : memref<8x128xf32, #tpu.memory_space<vmem>>, vector<16xf32>,
      %add3A_1026 = arith.addf %get3A_1021, %get3A_1025 : vector<16xf32>
      %swap3A_1027 = arith.constant 7 : i32
      %swap3A_1028 = arith.index_cast %swap3A_1027 : i32 to index
      %swap3A_1029 = arith.constant 16 : index
      %swap3A_1030 = tpu.vector_load %arg7[%swap3A_1028, %swap3A_1029] {strides = array<i32>} : memref<8x128xf32, #tpu.memory_space<vmem>>, vector<16xf32>,
      tpu.vector_store %arg7[%swap3A_1028, %swap3A_1029], %add3A_1026 {strides = array<i32>} : memref<8x128xf32, #tpu.memory_space<vmem>>, vector<16xf32>,
      %get3A_1031 = arith.constant 7 : i32
      %get3A_1032 = arith.index_cast %get3A_1031 : i32 to index
      %get3A_1033 = arith.constant 32 : index
      %get3A_1034 = tpu.vector_load %arg7[%get3A_1032, %get3A_1033] {strides = array<i32>} : memref<8x128xf32, #tpu.memory_space<vmem>>, vector<16xf32>,
      %get3A_1035 = arith.constant 7 : i32
      %get3A_1036 = arith.index_cast %get3A_1035 : i32 to index
      %get3A_1037 = arith.constant 32 : index
      %get3A_1038 = tpu.vector_load %arg6[%get3A_1036, %get3A_1037] {strides = array<i32>} : memref<8x128xf32, #tpu.memory_space<vmem>>, vector<16xf32>,
      %add3A_1039 = arith.addf %get3A_1034, %get3A_1038 : vector<16xf32>
      %swap3A_1040 = arith.constant 7 : i32
      %swap3A_1041 = arith.index_cast %swap3A_1040 : i32 to index
      %swap3A_1042 = arith.constant 32 : index
      %swap3A_1043 = tpu.vector_load %arg7[%swap3A_1041, %swap3A_1042] {strides = array<i32>} : memref<8x128xf32, #tpu.memory_space<vmem>>, vector<16xf32>,
      tpu.vector_store %arg7[%swap3A_1041, %swap3A_1042], %add3A_1039 {strides = array<i32>} : memref<8x128xf32, #tpu.memory_space<vmem>>, vector<16xf32>,
      %get3A_1044 = arith.constant 7 : i32
      %get3A_1045 = arith.index_cast %get3A_1044 : i32 to index
      %get3A_1046 = arith.constant 48 : index
      %get3A_1047 = tpu.vector_load %arg7[%get3A_1045, %get3A_1046] {strides = array<i32>} : memref<8x128xf32, #tpu.memory_space<vmem>>, vector<16xf32>,
      %get3A_1048 = arith.constant 7 : i32
      %get3A_1049 = arith.index_cast %get3A_1048 : i32 to index
      %get3A_1050 = arith.constant 48 : index
      %get3A_1051 = tpu.vector_load %arg6[%get3A_1049, %get3A_1050] {strides = array<i32>} : memref<8x128xf32, #tpu.memory_space<vmem>>, vector<16xf32>,
      %add3A_1052 = arith.addf %get3A_1047, %get3A_1051 : vector<16xf32>
      %swap3A_1053 = arith.constant 7 : i32
      %swap3A_1054 = arith.index_cast %swap3A_1053 : i32 to index
      %swap3A_1055 = arith.constant 48 : index
      %swap3A_1056 = tpu.vector_load %arg7[%swap3A_1054, %swap3A_1055] {strides = array<i32>} : memref<8x128xf32, #tpu.memory_space<vmem>>, vector<16xf32>,
      tpu.vector_store %arg7[%swap3A_1054, %swap3A_1055], %add3A_1052 {strides = array<i32>} : memref<8x128xf32, #tpu.memory_space<vmem>>, vector<16xf32>,
      %get3A_1057 = arith.constant 7 : i32
      %get3A_1058 = arith.index_cast %get3A_1057 : i32 to index
      %get3A_1059 = arith.constant 64 : index
      %get3A_1060 = tpu.vector_load %arg7[%get3A_1058, %get3A_1059] {strides = array<i32>} : memref<8x128xf32, #tpu.memory_space<vmem>>, vector<16xf32>,
      %get3A_1061 = arith.constant 7 : i32
      %get3A_1062 = arith.index_cast %get3A_1061 : i32 to index
      %get3A_1063 = arith.constant 64 : index
      %get3A_1064 = tpu.vector_load %arg6[%get3A_1062, %get3A_1063] {strides = array<i32>} : memref<8x128xf32, #tpu.memory_space<vmem>>, vector<16xf32>,
      %add3A_1065 = arith.addf %get3A_1060, %get3A_1064 : vector<16xf32>
      %swap3A_1066 = arith.constant 7 : i32
      %swap3A_1067 = arith.index_cast %swap3A_1066 : i32 to index
      %swap3A_1068 = arith.constant 64 : index
      %swap3A_1069 = tpu.vector_load %arg7[%swap3A_1067, %swap3A_1068] {strides = array<i32>} : memref<8x128xf32, #tpu.memory_space<vmem>>, vector<16xf32>,
      tpu.vector_store %arg7[%swap3A_1067, %swap3A_1068], %add3A_1065 {strides = array<i32>} : memref<8x128xf32, #tpu.memory_space<vmem>>, vector<16xf32>,
      %get3A_1070 = arith.constant 7 : i32
      %get3A_1071 = arith.index_cast %get3A_1070 : i32 to index
      %get3A_1072 = arith.constant 80 : index
      %get3A_1073 = tpu.vector_load %arg7[%get3A_1071, %get3A_1072] {strides = array<i32>} : memref<8x128xf32, #tpu.memory_space<vmem>>, vector<16xf32>,
      %get3A_1074 = arith.constant 7 : i32
      %get3A_1075 = arith.index_cast %get3A_1074 : i32 to index
      %get3A_1076 = arith.constant 80 : index
      %get3A_1077 = tpu.vector_load %arg6[%get3A_1075, %get3A_1076] {strides = array<i32>} : memref<8x128xf32, #tpu.memory_space<vmem>>, vector<16xf32>,
      %add3A_1078 = arith.addf %get3A_1073, %get3A_1077 : vector<16xf32>
      %swap3A_1079 = arith.constant 7 : i32
      %swap3A_1080 = arith.index_cast %swap3A_1079 : i32 to index
      %swap3A_1081 = arith.constant 80 : index
      %swap3A_1082 = tpu.vector_load %arg7[%swap3A_1080, %swap3A_1081] {strides = array<i32>} : memref<8x128xf32, #tpu.memory_space<vmem>>, vector<16xf32>,
      tpu.vector_store %arg7[%swap3A_1080, %swap3A_1081], %add3A_1078 {strides = array<i32>} : memref<8x128xf32, #tpu.memory_space<vmem>>, vector<16xf32>,
      %get3A_1083 = arith.constant 7 : i32
      %get3A_1084 = arith.index_cast %get3A_1083 : i32 to index
      %get3A_1085 = arith.constant 96 : index
      %get3A_1086 = tpu.vector_load %arg7[%get3A_1084, %get3A_1085] {strides = array<i32>} : memref<8x128xf32, #tpu.memory_space<vmem>>, vector<16xf32>,
      %get3A_1087 = arith.constant 7 : i32
      %get3A_1088 = arith.index_cast %get3A_1087 : i32 to index
      %get3A_1089 = arith.constant 96 : index
      %get3A_1090 = tpu.vector_load %arg6[%get3A_1088, %get3A_1089] {strides = array<i32>} : memref<8x128xf32, #tpu.memory_space<vmem>>, vector<16xf32>,
      %add3A_1091 = arith.addf %get3A_1086, %get3A_1090 : vector<16xf32>
      %swap3A_1092 = arith.constant 7 : i32
      %swap3A_1093 = arith.index_cast %swap3A_1092 : i32 to index
      %swap3A_1094 = arith.constant 96 : index
      %swap3A_1095 = tpu.vector_load %arg7[%swap3A_1093, %swap3A_1094] {strides = array<i32>} : memref<8x128xf32, #tpu.memory_space<vmem>>, vector<16xf32>,
      tpu.vector_store %arg7[%swap3A_1093, %swap3A_1094], %add3A_1091 {strides = array<i32>} : memref<8x128xf32, #tpu.memory_space<vmem>>, vector<16xf32>,
      %get3A_1096 = arith.constant 7 : i32
      %get3A_1097 = arith.index_cast %get3A_1096 : i32 to index
      %get3A_1098 = arith.constant 112 : index
      %get3A_1099 = tpu.vector_load %arg7[%get3A_1097, %get3A_1098] {strides = array<i32>} : memref<8x128xf32, #tpu.memory_space<vmem>>, vector<16xf32>,
      %get3A_1100 = arith.constant 7 : i32
      %get3A_1101 = arith.index_cast %get3A_1100 : i32 to index
      %get3A_1102 = arith.constant 112 : index
      %get3A_1103 = tpu.vector_load %arg6[%get3A_1101, %get3A_1102] {strides = array<i32>} : memref<8x128xf32, #tpu.memory_space<vmem>>, vector<16xf32>,
      %add3A_1104 = arith.addf %get3A_1099, %get3A_1103 : vector<16xf32>
      %swap3A_1105 = arith.constant 7 : i32
      %swap3A_1106 = arith.index_cast %swap3A_1105 : i32 to index
      %swap3A_1107 = arith.constant 112 : index
      %swap3A_1108 = tpu.vector_load %arg7[%swap3A_1106, %swap3A_1107] {strides = array<i32>} : memref<8x128xf32, #tpu.memory_space<vmem>>, vector<16xf32>,
      tpu.vector_store %arg7[%swap3A_1106, %swap3A_1107], %add3A_1104 {strides = array<i32>} : memref<8x128xf32, #tpu.memory_space<vmem>>, vector<16xf32>,
    }
    %scan3A_274 = arith.constant 16 : i32
    %mul3A = arith.constant 8 : i32
    %mul3A_275 = arith.muli %arg1, %mul3A : i32
    "tpu.region"() ({
      %run_scoped3A = tpu.sem_alloc : memref<!tpu.dma_semaphore, #tpu.memory_space<semaphore_mem>>
      %dma_start3A = arith.constant 0 : i32
      %dma_start3A_276 = tpu.memref_slice %arg3[%arg0, %mul3A_275, %dma_start3A] : memref<2x128x128xf32, #tpu.memory_space<hbm>> -> memref<1x8x128xf32, #tpu.memory_space<hbm>>
      %dma_start3A_277 = tpu.memref_squeeze %dma_start3A_276 : memref<1x8x128xf32, #tpu.memory_space<hbm>> -> memref<8x128xf32, #tpu.memory_space<hbm>>
      %dma_start3A_278 = arith.constant 0 : i32
      %dma_start3A_279 = tpu.memref_slice %arg3[%arg0, %mul3A_275, %dma_start3A_278] : memref<2x128x128xf32, #tpu.memory_space<hbm>> -> memref<1x8x128xf32, #tpu.memory_space<hbm>>
      %dma_start3A_280 = tpu.memref_squeeze %dma_start3A_279 : memref<1x8x128xf32, #tpu.memory_space<hbm>> -> memref<8x128xf32, #tpu.memory_space<hbm>>
      tpu.enqueue_dma source(%arg7 : memref<8x128xf32, #tpu.memory_space<vmem>>) target(%dma_start3A_280 : memref<8x128xf32, #tpu.memory_space<hbm>>) target_semaphore(%run_scoped3A : memref<!tpu.dma_semaphore, #tpu.memory_space<semaphore_mem>>)
      %dma_wait3A = arith.constant 0 : i32
      %dma_wait3A_281 = tpu.memref_slice %arg3[%arg0, %mul3A_275, %dma_wait3A] : memref<2x128x128xf32, #tpu.memory_space<hbm>> -> memref<1x8x128xf32, #tpu.memory_space<hbm>>
      %dma_wait3A_282 = tpu.memref_squeeze %dma_wait3A_281 : memref<1x8x128xf32, #tpu.memory_space<hbm>> -> memref<8x128xf32, #tpu.memory_space<hbm>>
      %dma_wait3A_283 = arith.constant 0 : i32
      %dma_wait3A_284 = tpu.memref_slice %arg3[%arg0, %mul3A_275, %dma_wait3A_283] : memref<2x128x128xf32, #tpu.memory_space<hbm>> -> memref<1x8x128xf32, #tpu.memory_space<hbm>>
      %dma_wait3A_285 = tpu.memref_squeeze %dma_wait3A_284 : memref<1x8x128xf32, #tpu.memory_space<hbm>> -> memref<8x128xf32, #tpu.memory_space<hbm>>
      tpu.wait_dma2 semaphore(%run_scoped3A : memref<!tpu.dma_semaphore, #tpu.memory_space<semaphore_mem>>) src(%arg7 : memref<8x128xf32, #tpu.memory_space<vmem>>) dst(%dma_wait3A_285 : memref<8x128xf32, #tpu.memory_space<hbm>>)
      tpu.yield
    }) : () -> ()
    return
  }
}

#map = affine_map<(d0, d1) -> (0, 0)>
#map1 = affine_map<(d0, d1) -> (0, 0, 0, 0)>
#map2 = affine_map<(d0, d1) -> (0, 0, 0)>
module attributes {stable_mosaic.version = 14 : i64} {
  func.func @_seg_body(%arg0: i32, %arg1: i32, %arg2: memref<20000x128xf32, #tpu.memory_space<hbm>>, %arg3: memref<2x16x125x80xi32, #tpu.memory_space<hbm>>, %arg4: memref<640x128xf32, #tpu.memory_space<hbm>>, %arg5: memref<2x10240x128xf32, #tpu.memory_space<hbm>>, %arg6: memref<125x80xi32, #tpu.memory_space<vmem>>, %arg7: memref<125x80xi32, #tpu.memory_space<vmem>>, %arg8: memref<80x128xf32, #tpu.memory_space<vmem>>, %arg9: memref<10240x128xf32, #tpu.memory_space<vmem_shared>>, %arg10: memref<!tpu.dma_semaphore, #tpu.memory_space<semaphore_mem>>) attributes {dimension_semantics = [#tpu.dimension_semantics<core_parallel>, #tpu.dimension_semantics<subcore_parallel>], iteration_bounds = array<i64: 2, 16>, scalar_prefetch = 0 : i64, scratch_operands = 5 : i64, tpu.core_type = #tpu.core_type<sc_vector_subcore>, window_params = [{transform_indices = #map}, {transform_indices = #map1}, {transform_indices = #map}, {transform_indices = #map2}]} {
    %mul3A = arith.constant 640 : i32
    %mul3A_0 = arith.muli %arg1, %mul3A : i32
    "tpu.region"() ({
      %run_scoped3A_16 = tpu.sem_alloc : memref<!tpu.dma_semaphore, #tpu.memory_space<semaphore_mem>>
      %dma_start3A = arith.constant 0 : i32
      %dma_start3A_17 = tpu.memref_slice %arg9[%mul3A_0, %dma_start3A] : memref<10240x128xf32, #tpu.memory_space<vmem_shared>> -> memref<640x128xf32, #tpu.memory_space<vmem_shared>>
      tpu.enqueue_dma source(%arg4 : memref<640x128xf32, #tpu.memory_space<hbm>>) target(%dma_start3A_17 : memref<640x128xf32, #tpu.memory_space<vmem_shared>>) target_semaphore(%run_scoped3A_16 : memref<!tpu.dma_semaphore, #tpu.memory_space<semaphore_mem>>)
      %dma_wait3A = arith.constant 0 : i32
      %dma_wait3A_18 = tpu.memref_slice %arg9[%mul3A_0, %dma_wait3A] : memref<10240x128xf32, #tpu.memory_space<vmem_shared>> -> memref<640x128xf32, #tpu.memory_space<vmem_shared>>
      tpu.wait_dma2 semaphore(%run_scoped3A_16 : memref<!tpu.dma_semaphore, #tpu.memory_space<semaphore_mem>>) src(%arg4 : memref<640x128xf32, #tpu.memory_space<hbm>>) dst(%dma_wait3A_18 : memref<640x128xf32, #tpu.memory_space<vmem_shared>>)
      tpu.yield
    }) : () -> ()
    %run_scoped3A = arith.constant 0 : i32
    "tpu.region"() ({
      %run_scoped3A_16 = tpu.sem_alloc : memref<!tpu.dma_semaphore, #tpu.memory_space<semaphore_mem>>
      %dma_start3A = arith.constant 0 : i32
      %dma_start3A_17 = arith.constant 0 : i32
      %dma_start3A_18 = tpu.memref_slice %arg3[%run_scoped3A, %arg1, %dma_start3A, %dma_start3A_17] : memref<2x16x125x80xi32, #tpu.memory_space<hbm>> -> memref<1x1x125x80xi32, #tpu.memory_space<hbm>>
      %dma_start3A_19 = tpu.memref_squeeze %dma_start3A_18 : memref<1x1x125x80xi32, #tpu.memory_space<hbm>> -> memref<125x80xi32, #tpu.memory_space<hbm>>
      %dma_start3A_20 = arith.constant 0 : i32
      %dma_start3A_21 = arith.constant 0 : i32
      %dma_start3A_22 = tpu.memref_slice %arg3[%run_scoped3A, %arg1, %dma_start3A_20, %dma_start3A_21] : memref<2x16x125x80xi32, #tpu.memory_space<hbm>> -> memref<1x1x125x80xi32, #tpu.memory_space<hbm>>
      %dma_start3A_23 = tpu.memref_squeeze %dma_start3A_22 : memref<1x1x125x80xi32, #tpu.memory_space<hbm>> -> memref<125x80xi32, #tpu.memory_space<hbm>>
      tpu.enqueue_dma source(%dma_start3A_23 : memref<125x80xi32, #tpu.memory_space<hbm>>) target(%arg6 : memref<125x80xi32, #tpu.memory_space<vmem>>) target_semaphore(%run_scoped3A_16 : memref<!tpu.dma_semaphore, #tpu.memory_space<semaphore_mem>>)
      %dma_wait3A = arith.constant 0 : i32
      %dma_wait3A_24 = arith.constant 0 : i32
      %dma_wait3A_25 = tpu.memref_slice %arg3[%run_scoped3A, %arg1, %dma_wait3A, %dma_wait3A_24] : memref<2x16x125x80xi32, #tpu.memory_space<hbm>> -> memref<1x1x125x80xi32, #tpu.memory_space<hbm>>
      %dma_wait3A_26 = tpu.memref_squeeze %dma_wait3A_25 : memref<1x1x125x80xi32, #tpu.memory_space<hbm>> -> memref<125x80xi32, #tpu.memory_space<hbm>>
      %dma_wait3A_27 = arith.constant 0 : i32
      %dma_wait3A_28 = arith.constant 0 : i32
      %dma_wait3A_29 = tpu.memref_slice %arg3[%run_scoped3A, %arg1, %dma_wait3A_27, %dma_wait3A_28] : memref<2x16x125x80xi32, #tpu.memory_space<hbm>> -> memref<1x1x125x80xi32, #tpu.memory_space<hbm>>
      %dma_wait3A_30 = tpu.memref_squeeze %dma_wait3A_29 : memref<1x1x125x80xi32, #tpu.memory_space<hbm>> -> memref<125x80xi32, #tpu.memory_space<hbm>>
      tpu.wait_dma2 semaphore(%run_scoped3A_16 : memref<!tpu.dma_semaphore, #tpu.memory_space<semaphore_mem>>) src(%dma_wait3A_30 : memref<125x80xi32, #tpu.memory_space<hbm>>) dst(%arg6 : memref<125x80xi32, #tpu.memory_space<vmem>>)
      tpu.yield
    }) : () -> ()
    %run_scoped3A_1 = arith.constant 1 : i32
    "tpu.region"() ({
      %run_scoped3A_16 = tpu.sem_alloc : memref<!tpu.dma_semaphore, #tpu.memory_space<semaphore_mem>>
      %dma_start3A = arith.constant 0 : i32
      %dma_start3A_17 = arith.constant 0 : i32
      %dma_start3A_18 = tpu.memref_slice %arg3[%run_scoped3A_1, %arg1, %dma_start3A, %dma_start3A_17] : memref<2x16x125x80xi32, #tpu.memory_space<hbm>> -> memref<1x1x125x80xi32, #tpu.memory_space<hbm>>
      %dma_start3A_19 = tpu.memref_squeeze %dma_start3A_18 : memref<1x1x125x80xi32, #tpu.memory_space<hbm>> -> memref<125x80xi32, #tpu.memory_space<hbm>>
      %dma_start3A_20 = arith.constant 0 : i32
      %dma_start3A_21 = arith.constant 0 : i32
      %dma_start3A_22 = tpu.memref_slice %arg3[%run_scoped3A_1, %arg1, %dma_start3A_20, %dma_start3A_21] : memref<2x16x125x80xi32, #tpu.memory_space<hbm>> -> memref<1x1x125x80xi32, #tpu.memory_space<hbm>>
      %dma_start3A_23 = tpu.memref_squeeze %dma_start3A_22 : memref<1x1x125x80xi32, #tpu.memory_space<hbm>> -> memref<125x80xi32, #tpu.memory_space<hbm>>
      tpu.enqueue_dma source(%dma_start3A_23 : memref<125x80xi32, #tpu.memory_space<hbm>>) target(%arg7 : memref<125x80xi32, #tpu.memory_space<vmem>>) target_semaphore(%run_scoped3A_16 : memref<!tpu.dma_semaphore, #tpu.memory_space<semaphore_mem>>)
      %dma_wait3A = arith.constant 0 : i32
      %dma_wait3A_24 = arith.constant 0 : i32
      %dma_wait3A_25 = tpu.memref_slice %arg3[%run_scoped3A_1, %arg1, %dma_wait3A, %dma_wait3A_24] : memref<2x16x125x80xi32, #tpu.memory_space<hbm>> -> memref<1x1x125x80xi32, #tpu.memory_space<hbm>>
      %dma_wait3A_26 = tpu.memref_squeeze %dma_wait3A_25 : memref<1x1x125x80xi32, #tpu.memory_space<hbm>> -> memref<125x80xi32, #tpu.memory_space<hbm>>
      %dma_wait3A_27 = arith.constant 0 : i32
      %dma_wait3A_28 = arith.constant 0 : i32
      %dma_wait3A_29 = tpu.memref_slice %arg3[%run_scoped3A_1, %arg1, %dma_wait3A_27, %dma_wait3A_28] : memref<2x16x125x80xi32, #tpu.memory_space<hbm>> -> memref<1x1x125x80xi32, #tpu.memory_space<hbm>>
      %dma_wait3A_30 = tpu.memref_squeeze %dma_wait3A_29 : memref<1x1x125x80xi32, #tpu.memory_space<hbm>> -> memref<125x80xi32, #tpu.memory_space<hbm>>
      tpu.wait_dma2 semaphore(%run_scoped3A_16 : memref<!tpu.dma_semaphore, #tpu.memory_space<semaphore_mem>>) src(%dma_wait3A_30 : memref<125x80xi32, #tpu.memory_space<hbm>>) dst(%arg7 : memref<125x80xi32, #tpu.memory_space<vmem>>)
      tpu.yield
    }) : () -> ()
    %mul3A_2 = arith.constant 10000 : i32
    %mul3A_3 = arith.muli %arg0, %mul3A_2 : i32
    %scan3A = arith.constant 0 : i32
    %scan3A_4 = arith.constant 0 : i32
    %scan3A_5 = arith.constant 125 : i32
    %scan3A_6 = arith.addi %scan3A_4, %scan3A_5 : i32
    %scan3A_7 = arith.constant 1 : i32
    scf.for %scan3A_16 = %scan3A_4 to %scan3A_6 step %scan3A_7  : i32 {
      %get3A = arith.index_cast %scan3A_16 : i32 to index
      %get3A_17 = arith.constant 0 : index
      %get3A_18 = tpu.vector_load %arg6[%get3A, %get3A_17] {strides = array<i32>} : memref<125x80xi32, #tpu.memory_space<vmem>>, vector<1x16xi32>,
      %get3A_19 = vector.shape_cast %get3A_18 : vector<1x16xi32> to vector<16xi32>
      %add3A = vector.broadcast %mul3A_3 : i32 to vector<16xi32>
      %add3A_20 = arith.addi %get3A_19, %add3A : vector<16xi32>
      %swap3A = arith.index_cast %scan3A_16 : i32 to index
      %swap3A_21 = arith.constant 0 : index
      %swap3A_22 = tpu.vector_load %arg6[%swap3A, %swap3A_21] {strides = array<i32>} : memref<125x80xi32, #tpu.memory_space<vmem>>, vector<1x16xi32>,
      %swap3A_23 = vector.shape_cast %swap3A_22 : vector<1x16xi32> to vector<16xi32>
      %swap3A_24 = vector.shape_cast %add3A_20 : vector<16xi32> to vector<1x16xi32>
      tpu.vector_store %arg6[%swap3A, %swap3A_21], %swap3A_24 {strides = array<i32>} : memref<125x80xi32, #tpu.memory_space<vmem>>, vector<1x16xi32>,
      %get3A_25 = arith.index_cast %scan3A_16 : i32 to index
      %get3A_26 = arith.constant 16 : index
      %get3A_27 = tpu.vector_load %arg6[%get3A_25, %get3A_26] {strides = array<i32>} : memref<125x80xi32, #tpu.memory_space<vmem>>, vector<1x16xi32>,
      %get3A_28 = vector.shape_cast %get3A_27 : vector<1x16xi32> to vector<16xi32>
      %add3A_29 = vector.broadcast %mul3A_3 : i32 to vector<16xi32>
      %add3A_30 = arith.addi %get3A_28, %add3A_29 : vector<16xi32>
      %swap3A_31 = arith.index_cast %scan3A_16 : i32 to index
      %swap3A_32 = arith.constant 16 : index
      %swap3A_33 = tpu.vector_load %arg6[%swap3A_31, %swap3A_32] {strides = array<i32>} : memref<125x80xi32, #tpu.memory_space<vmem>>, vector<1x16xi32>,
      %swap3A_34 = vector.shape_cast %swap3A_33 : vector<1x16xi32> to vector<16xi32>
      %swap3A_35 = vector.shape_cast %add3A_30 : vector<16xi32> to vector<1x16xi32>
      tpu.vector_store %arg6[%swap3A_31, %swap3A_32], %swap3A_35 {strides = array<i32>} : memref<125x80xi32, #tpu.memory_space<vmem>>, vector<1x16xi32>,
      %get3A_36 = arith.index_cast %scan3A_16 : i32 to index
      %get3A_37 = arith.constant 32 : index
      %get3A_38 = tpu.vector_load %arg6[%get3A_36, %get3A_37] {strides = array<i32>} : memref<125x80xi32, #tpu.memory_space<vmem>>, vector<1x16xi32>,
      %get3A_39 = vector.shape_cast %get3A_38 : vector<1x16xi32> to vector<16xi32>
      %add3A_40 = vector.broadcast %mul3A_3 : i32 to vector<16xi32>
      %add3A_41 = arith.addi %get3A_39, %add3A_40 : vector<16xi32>
      %swap3A_42 = arith.index_cast %scan3A_16 : i32 to index
      %swap3A_43 = arith.constant 32 : index
      %swap3A_44 = tpu.vector_load %arg6[%swap3A_42, %swap3A_43] {strides = array<i32>} : memref<125x80xi32, #tpu.memory_space<vmem>>, vector<1x16xi32>,
      %swap3A_45 = vector.shape_cast %swap3A_44 : vector<1x16xi32> to vector<16xi32>
      %swap3A_46 = vector.shape_cast %add3A_41 : vector<16xi32> to vector<1x16xi32>
      tpu.vector_store %arg6[%swap3A_42, %swap3A_43], %swap3A_46 {strides = array<i32>} : memref<125x80xi32, #tpu.memory_space<vmem>>, vector<1x16xi32>,
      %get3A_47 = arith.index_cast %scan3A_16 : i32 to index
      %get3A_48 = arith.constant 48 : index
      %get3A_49 = tpu.vector_load %arg6[%get3A_47, %get3A_48] {strides = array<i32>} : memref<125x80xi32, #tpu.memory_space<vmem>>, vector<1x16xi32>,
      %get3A_50 = vector.shape_cast %get3A_49 : vector<1x16xi32> to vector<16xi32>
      %add3A_51 = vector.broadcast %mul3A_3 : i32 to vector<16xi32>
      %add3A_52 = arith.addi %get3A_50, %add3A_51 : vector<16xi32>
      %swap3A_53 = arith.index_cast %scan3A_16 : i32 to index
      %swap3A_54 = arith.constant 48 : index
      %swap3A_55 = tpu.vector_load %arg6[%swap3A_53, %swap3A_54] {strides = array<i32>} : memref<125x80xi32, #tpu.memory_space<vmem>>, vector<1x16xi32>,
      %swap3A_56 = vector.shape_cast %swap3A_55 : vector<1x16xi32> to vector<16xi32>
      %swap3A_57 = vector.shape_cast %add3A_52 : vector<16xi32> to vector<1x16xi32>
      tpu.vector_store %arg6[%swap3A_53, %swap3A_54], %swap3A_57 {strides = array<i32>} : memref<125x80xi32, #tpu.memory_space<vmem>>, vector<1x16xi32>,
      %get3A_58 = arith.index_cast %scan3A_16 : i32 to index
      %get3A_59 = arith.constant 64 : index
      %get3A_60 = tpu.vector_load %arg6[%get3A_58, %get3A_59] {strides = array<i32>} : memref<125x80xi32, #tpu.memory_space<vmem>>, vector<1x16xi32>,
      %get3A_61 = vector.shape_cast %get3A_60 : vector<1x16xi32> to vector<16xi32>
      %add3A_62 = vector.broadcast %mul3A_3 : i32 to vector<16xi32>
      %add3A_63 = arith.addi %get3A_61, %add3A_62 : vector<16xi32>
      %swap3A_64 = arith.index_cast %scan3A_16 : i32 to index
      %swap3A_65 = arith.constant 64 : index
      %swap3A_66 = tpu.vector_load %arg6[%swap3A_64, %swap3A_65] {strides = array<i32>} : memref<125x80xi32, #tpu.memory_space<vmem>>, vector<1x16xi32>,
      %swap3A_67 = vector.shape_cast %swap3A_66 : vector<1x16xi32> to vector<16xi32>
      %swap3A_68 = vector.shape_cast %add3A_63 : vector<16xi32> to vector<1x16xi32>
      tpu.vector_store %arg6[%swap3A_64, %swap3A_65], %swap3A_68 {strides = array<i32>} : memref<125x80xi32, #tpu.memory_space<vmem>>, vector<1x16xi32>,
    }
    %scan3A_8 = arith.constant 125 : i32
    %barrier3A = arith.constant 0 : index
    tpu.barrier barrier_id(%barrier3A)
    %scan3A_9 = arith.constant 0 : i32
    %scan3A_10 = arith.constant 0 : i32
    %scan3A_11 = arith.constant 125 : i32
    %scan3A_12 = arith.addi %scan3A_10, %scan3A_11 : i32
    %scan3A_13 = arith.constant 1 : i32
    scf.for %scan3A_16 = %scan3A_10 to %scan3A_12 step %scan3A_13  : i32 {
      %dma_start3A = arith.constant 0 : i32
      %dma_start3A_17 = tpu.memref_slice %arg6[%scan3A_16, %dma_start3A] : memref<125x80xi32, #tpu.memory_space<vmem>> -> memref<1x80xi32, #tpu.memory_space<vmem>>
      %dma_start3A_18 = tpu.memref_squeeze %dma_start3A_17 : memref<1x80xi32, #tpu.memory_space<vmem>> -> memref<80xi32, #tpu.memory_space<vmem>>
      %dma_start3A_19 = arith.constant 0 : i32
      %dma_start3A_20 = arith.constant 0 : i32
      %dma_start3A_21 = tpu.memref_slice %arg2[%dma_start3A_19, %dma_start3A_20] : memref<20000x128xf32, #tpu.memory_space<hbm>> -> memref<20000x128xf32, #tpu.memory_space<hbm>>
      tpu.enqueue_indirect_dma source(%dma_start3A_21 : memref<20000x128xf32, #tpu.memory_space<hbm>>) target(%arg8 : memref<80x128xf32, #tpu.memory_space<vmem>>) offsets(%dma_start3A_18 : memref<80xi32, #tpu.memory_space<vmem>>) semaphore(%arg10 : memref<!tpu.dma_semaphore, #tpu.memory_space<semaphore_mem>>)
      %dma_wait3A = arith.constant 0 : i32
      %dma_wait3A_22 = tpu.memref_slice %arg6[%scan3A_16, %dma_wait3A] : memref<125x80xi32, #tpu.memory_space<vmem>> -> memref<1x80xi32, #tpu.memory_space<vmem>>
      %dma_wait3A_23 = tpu.memref_squeeze %dma_wait3A_22 : memref<1x80xi32, #tpu.memory_space<vmem>> -> memref<80xi32, #tpu.memory_space<vmem>>
      %dma_wait3A_24 = arith.constant 0 : i32
      %dma_wait3A_25 = arith.constant 0 : i32
      %dma_wait3A_26 = tpu.memref_slice %arg2[%dma_wait3A_24, %dma_wait3A_25] : memref<20000x128xf32, #tpu.memory_space<hbm>> -> memref<20000x128xf32, #tpu.memory_space<hbm>>
      tpu.wait_indirect_dma semaphore(%arg10 : memref<!tpu.dma_semaphore, #tpu.memory_space<semaphore_mem>>) src(%dma_wait3A_26 : memref<20000x128xf32, #tpu.memory_space<hbm>>) dst(%arg8 : memref<80x128xf32, #tpu.memory_space<vmem>>)
      "tpu.region"() ({
        %run_scoped3A_27 = tpu.sem_alloc : memref<!tpu.dma_semaphore, #tpu.memory_space<semaphore_mem>>
        %dma_start3A_28 = arith.constant 0 : i32
        %dma_start3A_29 = tpu.memref_slice %arg7[%scan3A_16, %dma_start3A_28] : memref<125x80xi32, #tpu.memory_space<vmem>> -> memref<1x80xi32, #tpu.memory_space<vmem>>
        %dma_start3A_30 = tpu.memref_squeeze %dma_start3A_29 : memref<1x80xi32, #tpu.memory_space<vmem>> -> memref<80xi32, #tpu.memory_space<vmem>>
        %dma_start3A_31 = arith.constant 0 : i32
        %dma_start3A_32 = arith.constant 0 : i32
        %dma_start3A_33 = tpu.memref_slice %arg9[%dma_start3A_31, %dma_start3A_32] : memref<10240x128xf32, #tpu.memory_space<vmem_shared>> -> memref<10240x128xf32, #tpu.memory_space<vmem_shared>>
        tpu.enqueue_indirect_dma source(%arg8 : memref<80x128xf32, #tpu.memory_space<vmem>>) target(%dma_start3A_33 : memref<10240x128xf32, #tpu.memory_space<vmem_shared>>) offsets(%dma_start3A_30 : memref<80xi32, #tpu.memory_space<vmem>>) semaphore(%run_scoped3A_27 : memref<!tpu.dma_semaphore, #tpu.memory_space<semaphore_mem>>) {add = true}
        %dma_wait3A_34 = arith.constant 0 : i32
        %dma_wait3A_35 = tpu.memref_slice %arg7[%scan3A_16, %dma_wait3A_34] : memref<125x80xi32, #tpu.memory_space<vmem>> -> memref<1x80xi32, #tpu.memory_space<vmem>>
        %dma_wait3A_36 = tpu.memref_squeeze %dma_wait3A_35 : memref<1x80xi32, #tpu.memory_space<vmem>> -> memref<80xi32, #tpu.memory_space<vmem>>
        %dma_wait3A_37 = arith.constant 0 : i32
        %dma_wait3A_38 = arith.constant 0 : i32
        %dma_wait3A_39 = tpu.memref_slice %arg9[%dma_wait3A_37, %dma_wait3A_38] : memref<10240x128xf32, #tpu.memory_space<vmem_shared>> -> memref<10240x128xf32, #tpu.memory_space<vmem_shared>>
        tpu.wait_indirect_dma semaphore(%run_scoped3A_27 : memref<!tpu.dma_semaphore, #tpu.memory_space<semaphore_mem>>) src(%arg8 : memref<80x128xf32, #tpu.memory_space<vmem>>) dst(%dma_wait3A_39 : memref<10240x128xf32, #tpu.memory_space<vmem_shared>>)
        tpu.yield
      }) : () -> ()
    }
    %scan3A_14 = arith.constant 125 : i32
    %barrier3A_15 = arith.constant 0 : index
    tpu.barrier barrier_id(%barrier3A_15)
    "tpu.region"() ({
      %run_scoped3A_16 = tpu.sem_alloc : memref<!tpu.dma_semaphore, #tpu.memory_space<semaphore_mem>>
      %dma_start3A = arith.constant 0 : i32
      %dma_start3A_17 = tpu.memref_slice %arg5[%arg0, %mul3A_0, %dma_start3A] : memref<2x10240x128xf32, #tpu.memory_space<hbm>> -> memref<1x640x128xf32, #tpu.memory_space<hbm>>
      %dma_start3A_18 = tpu.memref_squeeze %dma_start3A_17 : memref<1x640x128xf32, #tpu.memory_space<hbm>> -> memref<640x128xf32, #tpu.memory_space<hbm>>
      %dma_start3A_19 = arith.constant 0 : i32
      %dma_start3A_20 = tpu.memref_slice %arg9[%mul3A_0, %dma_start3A_19] : memref<10240x128xf32, #tpu.memory_space<vmem_shared>> -> memref<640x128xf32, #tpu.memory_space<vmem_shared>>
      tpu.enqueue_dma source(%dma_start3A_20 : memref<640x128xf32, #tpu.memory_space<vmem_shared>>) target(%dma_start3A_18 : memref<640x128xf32, #tpu.memory_space<hbm>>) target_semaphore(%run_scoped3A_16 : memref<!tpu.dma_semaphore, #tpu.memory_space<semaphore_mem>>)
      %dma_wait3A = arith.constant 0 : i32
      %dma_wait3A_21 = tpu.memref_slice %arg5[%arg0, %mul3A_0, %dma_wait3A] : memref<2x10240x128xf32, #tpu.memory_space<hbm>> -> memref<1x640x128xf32, #tpu.memory_space<hbm>>
      %dma_wait3A_22 = tpu.memref_squeeze %dma_wait3A_21 : memref<1x640x128xf32, #tpu.memory_space<hbm>> -> memref<640x128xf32, #tpu.memory_space<hbm>>
      %dma_wait3A_23 = arith.constant 0 : i32
      %dma_wait3A_24 = tpu.memref_slice %arg9[%mul3A_0, %dma_wait3A_23] : memref<10240x128xf32, #tpu.memory_space<vmem_shared>> -> memref<640x128xf32, #tpu.memory_space<vmem_shared>>
      tpu.wait_dma2 semaphore(%run_scoped3A_16 : memref<!tpu.dma_semaphore, #tpu.memory_space<semaphore_mem>>) src(%dma_wait3A_24 : memref<640x128xf32, #tpu.memory_space<vmem_shared>>) dst(%dma_wait3A_22 : memref<640x128xf32, #tpu.memory_space<hbm>>)
      tpu.yield
    }) : () -> ()
    return
  }
}

#map = affine_map<(d0, d1) -> (0, 0)>
#map1 = affine_map<(d0, d1) -> (0, 0, 0, 0)>
#map2 = affine_map<(d0, d1) -> (0, 0, 0)>
module attributes {stable_mosaic.version = 14 : i64} {
  func.func @_seg2_body(%arg0: i32, %arg1: i32, %arg2: memref<10000x128xf32, #tpu.memory_space<hbm>>, %arg3: memref<2x32x125x40xi32, #tpu.memory_space<hbm>>, %arg4: memref<640x128xf32, #tpu.memory_space<hbm>>, %arg5: memref<2x10240x128xf32, #tpu.memory_space<hbm>>, %arg6: memref<125x40xi32, #tpu.memory_space<vmem>>, %arg7: memref<125x40xi32, #tpu.memory_space<vmem>>, %arg8: memref<40x128xf32, #tpu.memory_space<vmem>>, %arg9: memref<10240x128xf32, #tpu.memory_space<vmem_shared>>, %arg10: memref<!tpu.dma_semaphore, #tpu.memory_space<semaphore_mem>>) attributes {dimension_semantics = [#tpu.dimension_semantics<core_parallel>, #tpu.dimension_semantics<subcore_parallel>], iteration_bounds = array<i64: 2, 16>, scalar_prefetch = 0 : i64, scratch_operands = 5 : i64, tpu.core_type = #tpu.core_type<sc_vector_subcore>, window_params = [{transform_indices = #map}, {transform_indices = #map1}, {transform_indices = #map}, {transform_indices = #map2}]} {
    %mul3A = arith.constant 16 : i32
    %mul3A_0 = arith.muli %arg0, %mul3A : i32
    %add3A = arith.addi %mul3A_0, %arg1 : i32
    %mul3A_1 = arith.constant 640 : i32
    %mul3A_2 = arith.muli %arg1, %mul3A_1 : i32
    "tpu.region"() ({
      %run_scoped3A_10 = tpu.sem_alloc : memref<!tpu.dma_semaphore, #tpu.memory_space<semaphore_mem>>
      %dma_start3A = arith.constant 0 : i32
      %dma_start3A_11 = tpu.memref_slice %arg9[%mul3A_2, %dma_start3A] : memref<10240x128xf32, #tpu.memory_space<vmem_shared>> -> memref<640x128xf32, #tpu.memory_space<vmem_shared>>
      tpu.enqueue_dma source(%arg4 : memref<640x128xf32, #tpu.memory_space<hbm>>) target(%dma_start3A_11 : memref<640x128xf32, #tpu.memory_space<vmem_shared>>) target_semaphore(%run_scoped3A_10 : memref<!tpu.dma_semaphore, #tpu.memory_space<semaphore_mem>>)
      %dma_wait3A = arith.constant 0 : i32
      %dma_wait3A_12 = tpu.memref_slice %arg9[%mul3A_2, %dma_wait3A] : memref<10240x128xf32, #tpu.memory_space<vmem_shared>> -> memref<640x128xf32, #tpu.memory_space<vmem_shared>>
      tpu.wait_dma2 semaphore(%run_scoped3A_10 : memref<!tpu.dma_semaphore, #tpu.memory_space<semaphore_mem>>) src(%arg4 : memref<640x128xf32, #tpu.memory_space<hbm>>) dst(%dma_wait3A_12 : memref<640x128xf32, #tpu.memory_space<vmem_shared>>)
      tpu.yield
    }) : () -> ()
    %run_scoped3A = arith.constant 0 : i32
    "tpu.region"() ({
      %run_scoped3A_10 = tpu.sem_alloc : memref<!tpu.dma_semaphore, #tpu.memory_space<semaphore_mem>>
      %dma_start3A = arith.constant 0 : i32
      %dma_start3A_11 = arith.constant 0 : i32
      %dma_start3A_12 = tpu.memref_slice %arg3[%run_scoped3A, %add3A, %dma_start3A, %dma_start3A_11] : memref<2x32x125x40xi32, #tpu.memory_space<hbm>> -> memref<1x1x125x40xi32, #tpu.memory_space<hbm>>
      %dma_start3A_13 = tpu.memref_squeeze %dma_start3A_12 : memref<1x1x125x40xi32, #tpu.memory_space<hbm>> -> memref<125x40xi32, #tpu.memory_space<hbm>>
      %dma_start3A_14 = arith.constant 0 : i32
      %dma_start3A_15 = arith.constant 0 : i32
      %dma_start3A_16 = tpu.memref_slice %arg3[%run_scoped3A, %add3A, %dma_start3A_14, %dma_start3A_15] : memref<2x32x125x40xi32, #tpu.memory_space<hbm>> -> memref<1x1x125x40xi32, #tpu.memory_space<hbm>>
      %dma_start3A_17 = tpu.memref_squeeze %dma_start3A_16 : memref<1x1x125x40xi32, #tpu.memory_space<hbm>> -> memref<125x40xi32, #tpu.memory_space<hbm>>
      tpu.enqueue_dma source(%dma_start3A_17 : memref<125x40xi32, #tpu.memory_space<hbm>>) target(%arg6 : memref<125x40xi32, #tpu.memory_space<vmem>>) target_semaphore(%run_scoped3A_10 : memref<!tpu.dma_semaphore, #tpu.memory_space<semaphore_mem>>)
      %dma_wait3A = arith.constant 0 : i32
      %dma_wait3A_18 = arith.constant 0 : i32
      %dma_wait3A_19 = tpu.memref_slice %arg3[%run_scoped3A, %add3A, %dma_wait3A, %dma_wait3A_18] : memref<2x32x125x40xi32, #tpu.memory_space<hbm>> -> memref<1x1x125x40xi32, #tpu.memory_space<hbm>>
      %dma_wait3A_20 = tpu.memref_squeeze %dma_wait3A_19 : memref<1x1x125x40xi32, #tpu.memory_space<hbm>> -> memref<125x40xi32, #tpu.memory_space<hbm>>
      %dma_wait3A_21 = arith.constant 0 : i32
      %dma_wait3A_22 = arith.constant 0 : i32
      %dma_wait3A_23 = tpu.memref_slice %arg3[%run_scoped3A, %add3A, %dma_wait3A_21, %dma_wait3A_22] : memref<2x32x125x40xi32, #tpu.memory_space<hbm>> -> memref<1x1x125x40xi32, #tpu.memory_space<hbm>>
      %dma_wait3A_24 = tpu.memref_squeeze %dma_wait3A_23 : memref<1x1x125x40xi32, #tpu.memory_space<hbm>> -> memref<125x40xi32, #tpu.memory_space<hbm>>
      tpu.wait_dma2 semaphore(%run_scoped3A_10 : memref<!tpu.dma_semaphore, #tpu.memory_space<semaphore_mem>>) src(%dma_wait3A_24 : memref<125x40xi32, #tpu.memory_space<hbm>>) dst(%arg6 : memref<125x40xi32, #tpu.memory_space<vmem>>)
      tpu.yield
    }) : () -> ()
    %run_scoped3A_3 = arith.constant 1 : i32
    "tpu.region"() ({
      %run_scoped3A_10 = tpu.sem_alloc : memref<!tpu.dma_semaphore, #tpu.memory_space<semaphore_mem>>
      %dma_start3A = arith.constant 0 : i32
      %dma_start3A_11 = arith.constant 0 : i32
      %dma_start3A_12 = tpu.memref_slice %arg3[%run_scoped3A_3, %add3A, %dma_start3A, %dma_start3A_11] : memref<2x32x125x40xi32, #tpu.memory_space<hbm>> -> memref<1x1x125x40xi32, #tpu.memory_space<hbm>>
      %dma_start3A_13 = tpu.memref_squeeze %dma_start3A_12 : memref<1x1x125x40xi32, #tpu.memory_space<hbm>> -> memref<125x40xi32, #tpu.memory_space<hbm>>
      %dma_start3A_14 = arith.constant 0 : i32
      %dma_start3A_15 = arith.constant 0 : i32
      %dma_start3A_16 = tpu.memref_slice %arg3[%run_scoped3A_3, %add3A, %dma_start3A_14, %dma_start3A_15] : memref<2x32x125x40xi32, #tpu.memory_space<hbm>> -> memref<1x1x125x40xi32, #tpu.memory_space<hbm>>
      %dma_start3A_17 = tpu.memref_squeeze %dma_start3A_16 : memref<1x1x125x40xi32, #tpu.memory_space<hbm>> -> memref<125x40xi32, #tpu.memory_space<hbm>>
      tpu.enqueue_dma source(%dma_start3A_17 : memref<125x40xi32, #tpu.memory_space<hbm>>) target(%arg7 : memref<125x40xi32, #tpu.memory_space<vmem>>) target_semaphore(%run_scoped3A_10 : memref<!tpu.dma_semaphore, #tpu.memory_space<semaphore_mem>>)
      %dma_wait3A = arith.constant 0 : i32
      %dma_wait3A_18 = arith.constant 0 : i32
      %dma_wait3A_19 = tpu.memref_slice %arg3[%run_scoped3A_3, %add3A, %dma_wait3A, %dma_wait3A_18] : memref<2x32x125x40xi32, #tpu.memory_space<hbm>> -> memref<1x1x125x40xi32, #tpu.memory_space<hbm>>
      %dma_wait3A_20 = tpu.memref_squeeze %dma_wait3A_19 : memref<1x1x125x40xi32, #tpu.memory_space<hbm>> -> memref<125x40xi32, #tpu.memory_space<hbm>>
      %dma_wait3A_21 = arith.constant 0 : i32
      %dma_wait3A_22 = arith.constant 0 : i32
      %dma_wait3A_23 = tpu.memref_slice %arg3[%run_scoped3A_3, %add3A, %dma_wait3A_21, %dma_wait3A_22] : memref<2x32x125x40xi32, #tpu.memory_space<hbm>> -> memref<1x1x125x40xi32, #tpu.memory_space<hbm>>
      %dma_wait3A_24 = tpu.memref_squeeze %dma_wait3A_23 : memref<1x1x125x40xi32, #tpu.memory_space<hbm>> -> memref<125x40xi32, #tpu.memory_space<hbm>>
      tpu.wait_dma2 semaphore(%run_scoped3A_10 : memref<!tpu.dma_semaphore, #tpu.memory_space<semaphore_mem>>) src(%dma_wait3A_24 : memref<125x40xi32, #tpu.memory_space<hbm>>) dst(%arg7 : memref<125x40xi32, #tpu.memory_space<vmem>>)
      tpu.yield
    }) : () -> ()
    %barrier3A = arith.constant 0 : index
    tpu.barrier barrier_id(%barrier3A)
    %scan3A = arith.constant 0 : i32
    %scan3A_4 = arith.constant 0 : i32
    %scan3A_5 = arith.constant 125 : i32
    %scan3A_6 = arith.addi %scan3A_4, %scan3A_5 : i32
    %scan3A_7 = arith.constant 1 : i32
    scf.for %scan3A_10 = %scan3A_4 to %scan3A_6 step %scan3A_7  : i32 {
      %dma_start3A = arith.constant 0 : i32
      %dma_start3A_11 = tpu.memref_slice %arg6[%scan3A_10, %dma_start3A] : memref<125x40xi32, #tpu.memory_space<vmem>> -> memref<1x40xi32, #tpu.memory_space<vmem>>
      %dma_start3A_12 = tpu.memref_squeeze %dma_start3A_11 : memref<1x40xi32, #tpu.memory_space<vmem>> -> memref<40xi32, #tpu.memory_space<vmem>>
      %dma_start3A_13 = arith.constant 0 : i32
      %dma_start3A_14 = arith.constant 0 : i32
      %dma_start3A_15 = tpu.memref_slice %arg2[%dma_start3A_13, %dma_start3A_14] : memref<10000x128xf32, #tpu.memory_space<hbm>> -> memref<10000x128xf32, #tpu.memory_space<hbm>>
      tpu.enqueue_indirect_dma source(%dma_start3A_15 : memref<10000x128xf32, #tpu.memory_space<hbm>>) target(%arg8 : memref<40x128xf32, #tpu.memory_space<vmem>>) offsets(%dma_start3A_12 : memref<40xi32, #tpu.memory_space<vmem>>) semaphore(%arg10 : memref<!tpu.dma_semaphore, #tpu.memory_space<semaphore_mem>>)
      %dma_wait3A = arith.constant 0 : i32
      %dma_wait3A_16 = tpu.memref_slice %arg6[%scan3A_10, %dma_wait3A] : memref<125x40xi32, #tpu.memory_space<vmem>> -> memref<1x40xi32, #tpu.memory_space<vmem>>
      %dma_wait3A_17 = tpu.memref_squeeze %dma_wait3A_16 : memref<1x40xi32, #tpu.memory_space<vmem>> -> memref<40xi32, #tpu.memory_space<vmem>>
      %dma_wait3A_18 = arith.constant 0 : i32
      %dma_wait3A_19 = arith.constant 0 : i32
      %dma_wait3A_20 = tpu.memref_slice %arg2[%dma_wait3A_18, %dma_wait3A_19] : memref<10000x128xf32, #tpu.memory_space<hbm>> -> memref<10000x128xf32, #tpu.memory_space<hbm>>
      tpu.wait_indirect_dma semaphore(%arg10 : memref<!tpu.dma_semaphore, #tpu.memory_space<semaphore_mem>>) src(%dma_wait3A_20 : memref<10000x128xf32, #tpu.memory_space<hbm>>) dst(%arg8 : memref<40x128xf32, #tpu.memory_space<vmem>>)
      "tpu.region"() ({
        %run_scoped3A_21 = tpu.sem_alloc : memref<!tpu.dma_semaphore, #tpu.memory_space<semaphore_mem>>
        %dma_start3A_22 = arith.constant 0 : i32
        %dma_start3A_23 = tpu.memref_slice %arg7[%scan3A_10, %dma_start3A_22] : memref<125x40xi32, #tpu.memory_space<vmem>> -> memref<1x40xi32, #tpu.memory_space<vmem>>
        %dma_start3A_24 = tpu.memref_squeeze %dma_start3A_23 : memref<1x40xi32, #tpu.memory_space<vmem>> -> memref<40xi32, #tpu.memory_space<vmem>>
        %dma_start3A_25 = arith.constant 0 : i32
        %dma_start3A_26 = arith.constant 0 : i32
        %dma_start3A_27 = tpu.memref_slice %arg9[%dma_start3A_25, %dma_start3A_26] : memref<10240x128xf32, #tpu.memory_space<vmem_shared>> -> memref<10240x128xf32, #tpu.memory_space<vmem_shared>>
        tpu.enqueue_indirect_dma source(%arg8 : memref<40x128xf32, #tpu.memory_space<vmem>>) target(%dma_start3A_27 : memref<10240x128xf32, #tpu.memory_space<vmem_shared>>) offsets(%dma_start3A_24 : memref<40xi32, #tpu.memory_space<vmem>>) semaphore(%run_scoped3A_21 : memref<!tpu.dma_semaphore, #tpu.memory_space<semaphore_mem>>) {add = true}
        %dma_wait3A_28 = arith.constant 0 : i32
        %dma_wait3A_29 = tpu.memref_slice %arg7[%scan3A_10, %dma_wait3A_28] : memref<125x40xi32, #tpu.memory_space<vmem>> -> memref<1x40xi32, #tpu.memory_space<vmem>>
        %dma_wait3A_30 = tpu.memref_squeeze %dma_wait3A_29 : memref<1x40xi32, #tpu.memory_space<vmem>> -> memref<40xi32, #tpu.memory_space<vmem>>
        %dma_wait3A_31 = arith.constant 0 : i32
        %dma_wait3A_32 = arith.constant 0 : i32
        %dma_wait3A_33 = tpu.memref_slice %arg9[%dma_wait3A_31, %dma_wait3A_32] : memref<10240x128xf32, #tpu.memory_space<vmem_shared>> -> memref<10240x128xf32, #tpu.memory_space<vmem_shared>>
        tpu.wait_indirect_dma semaphore(%run_scoped3A_21 : memref<!tpu.dma_semaphore, #tpu.memory_space<semaphore_mem>>) src(%arg8 : memref<40x128xf32, #tpu.memory_space<vmem>>) dst(%dma_wait3A_33 : memref<10240x128xf32, #tpu.memory_space<vmem_shared>>)
        tpu.yield
      }) : () -> ()
    }
    %scan3A_8 = arith.constant 125 : i32
    %barrier3A_9 = arith.constant 0 : index
    tpu.barrier barrier_id(%barrier3A_9)
    "tpu.region"() ({
      %run_scoped3A_10 = tpu.sem_alloc : memref<!tpu.dma_semaphore, #tpu.memory_space<semaphore_mem>>
      %dma_start3A = arith.constant 0 : i32
      %dma_start3A_11 = tpu.memref_slice %arg5[%arg0, %mul3A_2, %dma_start3A] : memref<2x10240x128xf32, #tpu.memory_space<hbm>> -> memref<1x640x128xf32, #tpu.memory_space<hbm>>
      %dma_start3A_12 = tpu.memref_squeeze %dma_start3A_11 : memref<1x640x128xf32, #tpu.memory_space<hbm>> -> memref<640x128xf32, #tpu.memory_space<hbm>>
      %dma_start3A_13 = arith.constant 0 : i32
      %dma_start3A_14 = tpu.memref_slice %arg9[%mul3A_2, %dma_start3A_13] : memref<10240x128xf32, #tpu.memory_space<vmem_shared>> -> memref<640x128xf32, #tpu.memory_space<vmem_shared>>
      tpu.enqueue_dma source(%dma_start3A_14 : memref<640x128xf32, #tpu.memory_space<vmem_shared>>) target(%dma_start3A_12 : memref<640x128xf32, #tpu.memory_space<hbm>>) target_semaphore(%run_scoped3A_10 : memref<!tpu.dma_semaphore, #tpu.memory_space<semaphore_mem>>)
      %dma_wait3A = arith.constant 0 : i32
      %dma_wait3A_15 = tpu.memref_slice %arg5[%arg0, %mul3A_2, %dma_wait3A] : memref<2x10240x128xf32, #tpu.memory_space<hbm>> -> memref<1x640x128xf32, #tpu.memory_space<hbm>>
      %dma_wait3A_16 = tpu.memref_squeeze %dma_wait3A_15 : memref<1x640x128xf32, #tpu.memory_space<hbm>> -> memref<640x128xf32, #tpu.memory_space<hbm>>
      %dma_wait3A_17 = arith.constant 0 : i32
      %dma_wait3A_18 = tpu.memref_slice %arg9[%mul3A_2, %dma_wait3A_17] : memref<10240x128xf32, #tpu.memory_space<vmem_shared>> -> memref<640x128xf32, #tpu.memory_space<vmem_shared>>
      tpu.wait_dma2 semaphore(%run_scoped3A_10 : memref<!tpu.dma_semaphore, #tpu.memory_space<semaphore_mem>>) src(%dma_wait3A_18 : memref<640x128xf32, #tpu.memory_space<vmem_shared>>) dst(%dma_wait3A_16 : memref<640x128xf32, #tpu.memory_space<hbm>>)
      tpu.yield
    }) : () -> ()
    return
  }
}

module attributes {stable_mosaic.version = 14 : i64} {
  func.func @_mm1_body(%arg0: i32, %arg1: i32, %arg2: memref<400x256xf32, #tpu.memory_space<vmem>>, %arg3: memref<256x128xf32, #tpu.memory_space<vmem>>, %arg4: memref<400x16xf32, #tpu.memory_space<vmem>>, %arg5: memref<1x400x128xf32, #tpu.memory_space<vmem>>) attributes {dimension_semantics = [#tpu.dimension_semantics<arbitrary>, #tpu.dimension_semantics<arbitrary>], iteration_bounds = array<i64: 25, 2>, scalar_prefetch = 0 : i64, scratch_operands = 0 : i64, tpu.core_type = #tpu.core_type<tc>, window_params = [{transform_indices = @transform_0, window_bounds = array<i64: 400, 256>}, {transform_indices = @transform_1, window_bounds = array<i64: 256, 128>}, {transform_indices = @transform_2, window_bounds = array<i64: 400, 16>}, {transform_indices = @transform_3, window_bounds = array<i64: 1, 400, 128>}]} {
    %get3A = arith.constant 0 : index
    %get3A_0 = arith.constant 0 : index
    %get3A_1 = vector.load %arg2[%get3A, %get3A_0] : memref<400x256xf32, #tpu.memory_space<vmem>>, vector<400x256xf32>
    %get3A_2 = arith.constant 0 : index
    %get3A_3 = arith.constant 0 : index
    %get3A_4 = vector.load %arg3[%get3A_2, %get3A_3] : memref<256x128xf32, #tpu.memory_space<vmem>>, vector<256x128xf32>
    %dot_general3A = arith.constant dense<0.000000e+00> : vector<400x128xf32>
    %dot_general3A_5 = tpu.matmul %get3A_1, %get3A_4, %dot_general3A {dimension_numbers = #tpu.dot_dimension_numbers<[1], [0], [0], [1], [0, 0, 1, 1], [], []>, transpose_lhs_hint = false} : vector<400x256xf32>, vector<256x128xf32>, vector<400x128xf32> -> vector<400x128xf32>
    %get3A_6 = arith.constant 0 : index
    %get3A_7 = arith.constant 0 : index
    %get3A_8 = vector.load %arg4[%get3A_6, %get3A_7] : memref<400x16xf32, #tpu.memory_space<vmem>>, vector<400x1xf32>
    %max3A = arith.constant 1.000000e+00 : f32
    %max3A_9 = vector.broadcast %max3A : f32 to vector<400x1xf32>
    %max3A_10 = arith.maximumf %get3A_8, %max3A_9 : vector<400x1xf32>
    %rsqrt3A = math.rsqrt %max3A_10 : vector<400x1xf32>
    %mul3A = vector.broadcast %rsqrt3A : vector<400x1xf32> to vector<400x128xf32>
    %mul3A_11 = arith.mulf %dot_general3A_5, %mul3A : vector<400x128xf32>
    %swap3A = arith.constant 0 : index
    %swap3A_12 = arith.constant 0 : index
    %swap3A_13 = arith.constant 0 : index
    %swap3A_14 = vector.load %arg5[%swap3A, %swap3A_12, %swap3A_13] : memref<1x400x128xf32, #tpu.memory_space<vmem>>, vector<1x400x128xf32>
    %swap3A_15 = vector.shape_cast %swap3A_14 : vector<1x400x128xf32> to vector<400x128xf32>
    %swap3A_16 = vector.shape_cast %mul3A_11 : vector<400x128xf32> to vector<1x400x128xf32>
    tpu.vector_store %arg5[%swap3A, %swap3A_12, %swap3A_13], %swap3A_16 {strides = array<i32>} : memref<1x400x128xf32, #tpu.memory_space<vmem>>, vector<1x400x128xf32>,
    return
  }
  func.func @transform_0(%arg0: i32, %arg1: i32) -> (i32, i32) {
    %c0_i32 = arith.constant 0 : i32
    %c0_i32_0 = arith.constant 0 : i32
    return %arg0, %c0_i32 : i32, i32
  }
  func.func @transform_1(%arg0: i32, %arg1: i32) -> (i32, i32) {
    %c0_i32 = arith.constant 0 : i32
    %c0_i32_0 = arith.constant 0 : i32
    return %c0_i32, %arg1 : i32, i32
  }
  func.func @transform_2(%arg0: i32, %arg1: i32) -> (i32, i32) {
    %c0_i32 = arith.constant 0 : i32
    %c0_i32_0 = arith.constant 0 : i32
    return %arg0, %c0_i32 : i32, i32
  }
  func.func @transform_3(%arg0: i32, %arg1: i32) -> (i32, i32, i32) {
    %c0_i32 = arith.constant 0 : i32
    %c0_i32_0 = arith.constant 0 : i32
    return %arg1, %arg0, %c0_i32 : i32, i32, i32
  }
}

module attributes {stable_mosaic.version = 14 : i64} {
  func.func @_mm2_body(%arg0: i32, %arg1: memref<2x400x128xf32, #tpu.memory_space<vmem>>, %arg2: memref<256x128xf32, #tpu.memory_space<vmem>>, %arg3: memref<400x16xf32, #tpu.memory_space<vmem>>, %arg4: memref<400x16xf32, #tpu.memory_space<vmem>>, %arg5: memref<2x128xf32, #tpu.memory_space<vmem>>, %arg6: memref<400x128xf32, #tpu.memory_space<vmem>>) attributes {dimension_semantics = [#tpu.dimension_semantics<arbitrary>], iteration_bounds = array<i64: 25>, scalar_prefetch = 0 : i64, scratch_operands = 0 : i64, tpu.core_type = #tpu.core_type<tc>, window_params = [{transform_indices = @transform_0, window_bounds = array<i64: 2, 400, 128>}, {pipeline_mode = #tpu.pipeline_mode<synchronous>, transform_indices = @transform_1, window_bounds = array<i64: 256, 128>}, {transform_indices = @transform_2, window_bounds = array<i64: 400, 16>}, {transform_indices = @transform_3, window_bounds = array<i64: 400, 16>}, {pipeline_mode = #tpu.pipeline_mode<synchronous>, transform_indices = @transform_4, window_bounds = array<i64: 2, 128>}, {transform_indices = @transform_5, window_bounds = array<i64: 400, 128>}]} {
    %get3A = arith.constant 0 : index
    %get3A_0 = arith.constant 0 : index
    %get3A_1 = vector.load %arg3[%get3A, %get3A_0] : memref<400x16xf32, #tpu.memory_space<vmem>>, vector<400x1xf32>
    %max3A = arith.constant 1.000000e+00 : f32
    %max3A_2 = vector.broadcast %max3A : f32 to vector<400x1xf32>
    %max3A_3 = arith.maximumf %get3A_1, %max3A_2 : vector<400x1xf32>
    %rsqrt3A = math.rsqrt %max3A_3 : vector<400x1xf32>
    %get3A_4 = arith.constant 0 : index
    %get3A_5 = arith.constant 0 : index
    %get3A_6 = arith.constant 0 : index
    %get3A_7 = vector.load %arg1[%get3A_4, %get3A_5, %get3A_6] : memref<2x400x128xf32, #tpu.memory_space<vmem>>, vector<1x400x128xf32>
    %get3A_8 = vector.shape_cast %get3A_7 : vector<1x400x128xf32> to vector<400x128xf32>
    %mul3A = vector.broadcast %rsqrt3A : vector<400x1xf32> to vector<400x128xf32>
    %mul3A_9 = arith.mulf %get3A_8, %mul3A : vector<400x128xf32>
    %get3A_10 = arith.constant 0 : index
    %get3A_11 = arith.constant 0 : index
    %get3A_12 = vector.load %arg5[%get3A_10, %get3A_11] : memref<2x128xf32, #tpu.memory_space<vmem>>, vector<1x128xf32>
    %get3A_13 = vector.shape_cast %get3A_12 : vector<1x128xf32> to vector<128xf32>
    %broadcast_in_dim3A = vector.shape_cast %get3A_13 : vector<128xf32> to vector<1x128xf32>
    %add3A = vector.broadcast %broadcast_in_dim3A : vector<1x128xf32> to vector<400x128xf32>
    %add3A_14 = arith.addf %mul3A_9, %add3A : vector<400x128xf32>
    %max3A_15 = arith.constant 0.000000e+00 : f32
    %max3A_16 = vector.broadcast %max3A_15 : f32 to vector<400x128xf32>
    %max3A_17 = arith.maximumf %add3A_14, %max3A_16 : vector<400x128xf32>
    %get3A_18 = arith.constant 1 : index
    %get3A_19 = arith.constant 0 : index
    %get3A_20 = arith.constant 0 : index
    %get3A_21 = vector.load %arg1[%get3A_18, %get3A_19, %get3A_20] : memref<2x400x128xf32, #tpu.memory_space<vmem>>, vector<1x400x128xf32>
    %get3A_22 = vector.shape_cast %get3A_21 : vector<1x400x128xf32> to vector<400x128xf32>
    %mul3A_23 = vector.broadcast %rsqrt3A : vector<400x1xf32> to vector<400x128xf32>
    %mul3A_24 = arith.mulf %get3A_22, %mul3A_23 : vector<400x128xf32>
    %get3A_25 = arith.constant 1 : index
    %get3A_26 = arith.constant 0 : index
    %get3A_27 = vector.load %arg5[%get3A_25, %get3A_26] : memref<2x128xf32, #tpu.memory_space<vmem>>, vector<1x128xf32>
    %get3A_28 = vector.shape_cast %get3A_27 : vector<1x128xf32> to vector<128xf32>
    %broadcast_in_dim3A_29 = vector.shape_cast %get3A_28 : vector<128xf32> to vector<1x128xf32>
    %add3A_30 = vector.broadcast %broadcast_in_dim3A_29 : vector<1x128xf32> to vector<400x128xf32>
    %add3A_31 = arith.addf %mul3A_24, %add3A_30 : vector<400x128xf32>
    %max3A_32 = arith.constant 0.000000e+00 : f32
    %max3A_33 = vector.broadcast %max3A_32 : f32 to vector<400x128xf32>
    %max3A_34 = arith.maximumf %add3A_31, %max3A_33 : vector<400x128xf32>
    %get3A_35 = arith.constant 0 : index
    %get3A_36 = arith.constant 0 : index
    %get3A_37 = vector.load %arg2[%get3A_35, %get3A_36] : memref<256x128xf32, #tpu.memory_space<vmem>>, vector<256x128xf32>
    %slice3A = vector.extract_strided_slice %get3A_37 {offsets = [0, 0], sizes = [128, 128], strides = [1, 1]} : vector<256x128xf32> to vector<128x128xf32>
    %dot_general3A = arith.constant dense<0.000000e+00> : vector<400x128xf32>
    %dot_general3A_38 = tpu.matmul %max3A_17, %slice3A, %dot_general3A {dimension_numbers = #tpu.dot_dimension_numbers<[1], [0], [0], [1], [0, 0, 1, 1], [], []>, transpose_lhs_hint = false} : vector<400x128xf32>, vector<128x128xf32>, vector<400x128xf32> -> vector<400x128xf32>
    %slice3A_39 = vector.extract_strided_slice %get3A_37 {offsets = [128, 0], sizes = [128, 128], strides = [1, 1]} : vector<256x128xf32> to vector<128x128xf32>
    %dot_general3A_40 = arith.constant dense<0.000000e+00> : vector<400x128xf32>
    %dot_general3A_41 = tpu.matmul %max3A_34, %slice3A_39, %dot_general3A_40 {dimension_numbers = #tpu.dot_dimension_numbers<[1], [0], [0], [1], [0, 0, 1, 1], [], []>, transpose_lhs_hint = false} : vector<400x128xf32>, vector<128x128xf32>, vector<400x128xf32> -> vector<400x128xf32>
    %add3A_42 = arith.addf %dot_general3A_38, %dot_general3A_41 : vector<400x128xf32>
    %get3A_43 = arith.constant 0 : index
    %get3A_44 = arith.constant 0 : index
    %get3A_45 = vector.load %arg4[%get3A_43, %get3A_44] : memref<400x16xf32, #tpu.memory_space<vmem>>, vector<400x1xf32>
    %max3A_46 = arith.constant 1.000000e+00 : f32
    %max3A_47 = vector.broadcast %max3A_46 : f32 to vector<400x1xf32>
    %max3A_48 = arith.maximumf %get3A_45, %max3A_47 : vector<400x1xf32>
    %rsqrt3A_49 = math.rsqrt %max3A_48 : vector<400x1xf32>
    %mul3A_50 = vector.broadcast %rsqrt3A_49 : vector<400x1xf32> to vector<400x128xf32>
    %mul3A_51 = arith.mulf %add3A_42, %mul3A_50 : vector<400x128xf32>
    %swap3A = arith.constant 0 : index
    %swap3A_52 = arith.constant 0 : index
    %swap3A_53 = vector.load %arg6[%swap3A, %swap3A_52] : memref<400x128xf32, #tpu.memory_space<vmem>>, vector<400x128xf32>
    tpu.vector_store %arg6[%swap3A, %swap3A_52], %mul3A_51 {strides = array<i32>} : memref<400x128xf32, #tpu.memory_space<vmem>>, vector<400x128xf32>,
    return
  }
  func.func @transform_0(%arg0: i32) -> (i32, i32, i32) {
    %c0_i32 = arith.constant 0 : i32
    %c0_i32_0 = arith.constant 0 : i32
    %c0_i32_1 = arith.constant 0 : i32
    return %c0_i32, %arg0, %c0_i32_0 : i32, i32, i32
  }
  func.func @transform_1(%arg0: i32) -> (i32, i32) {
    %c0_i32 = arith.constant 0 : i32
    %c0_i32_0 = arith.constant 0 : i32
    %c0_i32_1 = arith.constant 0 : i32
    return %c0_i32, %c0_i32_0 : i32, i32
  }
  func.func @transform_2(%arg0: i32) -> (i32, i32) {
    %c0_i32 = arith.constant 0 : i32
    %c0_i32_0 = arith.constant 0 : i32
    return %arg0, %c0_i32 : i32, i32
  }
  func.func @transform_3(%arg0: i32) -> (i32, i32) {
    %c0_i32 = arith.constant 0 : i32
    %c0_i32_0 = arith.constant 0 : i32
    return %arg0, %c0_i32 : i32, i32
  }
  func.func @transform_4(%arg0: i32) -> (i32, i32) {
    %c0_i32 = arith.constant 0 : i32
    %c0_i32_0 = arith.constant 0 : i32
    %c0_i32_1 = arith.constant 0 : i32
    return %c0_i32, %c0_i32_0 : i32, i32
  }
  func.func @transform_5(%arg0: i32) -> (i32, i32) {
    %c0_i32 = arith.constant 0 : i32
    %c0_i32_0 = arith.constant 0 : i32
    return %arg0, %c0_i32 : i32, i32
  }
}

module attributes {stable_mosaic.version = 14 : i64} {
  func.func @_epi_body(%arg0: i32, %arg1: memref<2x400x128xf32, #tpu.memory_space<vmem>>, %arg2: memref<400x16xf32, #tpu.memory_space<vmem>>, %arg3: memref<1x128xf32, #tpu.memory_space<vmem>>, %arg4: memref<400x128xf32, #tpu.memory_space<vmem>>) attributes {dimension_semantics = [#tpu.dimension_semantics<arbitrary>], iteration_bounds = array<i64: 25>, scalar_prefetch = 0 : i64, scratch_operands = 0 : i64, tpu.core_type = #tpu.core_type<tc>, window_params = [{transform_indices = @transform_0, window_bounds = array<i64: 2, 400, 128>}, {transform_indices = @transform_1, window_bounds = array<i64: 400, 16>}, {pipeline_mode = #tpu.pipeline_mode<synchronous>, transform_indices = @transform_2, window_bounds = array<i64: 1, 128>}, {transform_indices = @transform_3, window_bounds = array<i64: 400, 128>}]} {
    %get3A = arith.constant 0 : index
    %get3A_0 = arith.constant 0 : index
    %get3A_1 = vector.load %arg2[%get3A, %get3A_0] : memref<400x16xf32, #tpu.memory_space<vmem>>, vector<400x1xf32>
    %max3A = arith.constant 1.000000e+00 : f32
    %max3A_2 = vector.broadcast %max3A : f32 to vector<400x1xf32>
    %max3A_3 = arith.maximumf %get3A_1, %max3A_2 : vector<400x1xf32>
    %rsqrt3A = math.rsqrt %max3A_3 : vector<400x1xf32>
    %get3A_4 = arith.constant 0 : index
    %get3A_5 = arith.constant 0 : index
    %get3A_6 = arith.constant 0 : index
    %get3A_7 = vector.load %arg1[%get3A_4, %get3A_5, %get3A_6] : memref<2x400x128xf32, #tpu.memory_space<vmem>>, vector<1x400x128xf32>
    %get3A_8 = vector.shape_cast %get3A_7 : vector<1x400x128xf32> to vector<400x128xf32>
    %get3A_9 = arith.constant 1 : index
    %get3A_10 = arith.constant 0 : index
    %get3A_11 = arith.constant 0 : index
    %get3A_12 = vector.load %arg1[%get3A_9, %get3A_10, %get3A_11] : memref<2x400x128xf32, #tpu.memory_space<vmem>>, vector<1x400x128xf32>
    %get3A_13 = vector.shape_cast %get3A_12 : vector<1x400x128xf32> to vector<400x128xf32>
    %add3A = arith.addf %get3A_8, %get3A_13 : vector<400x128xf32>
    %mul3A = vector.broadcast %rsqrt3A : vector<400x1xf32> to vector<400x128xf32>
    %mul3A_14 = arith.mulf %add3A, %mul3A : vector<400x128xf32>
    %get3A_15 = arith.constant 0 : index
    %get3A_16 = arith.constant 0 : index
    %get3A_17 = vector.load %arg3[%get3A_15, %get3A_16] : memref<1x128xf32, #tpu.memory_space<vmem>>, vector<1x128xf32>
    %add3A_18 = vector.broadcast %get3A_17 : vector<1x128xf32> to vector<400x128xf32>
    %add3A_19 = arith.addf %mul3A_14, %add3A_18 : vector<400x128xf32>
    %swap3A = arith.constant 0 : index
    %swap3A_20 = arith.constant 0 : index
    %swap3A_21 = vector.load %arg4[%swap3A, %swap3A_20] : memref<400x128xf32, #tpu.memory_space<vmem>>, vector<400x128xf32>
    tpu.vector_store %arg4[%swap3A, %swap3A_20], %add3A_19 {strides = array<i32>} : memref<400x128xf32, #tpu.memory_space<vmem>>, vector<400x128xf32>,
    return
  }
  func.func @transform_0(%arg0: i32) -> (i32, i32, i32) {
    %c0_i32 = arith.constant 0 : i32
    %c0_i32_0 = arith.constant 0 : i32
    %c0_i32_1 = arith.constant 0 : i32
    return %c0_i32, %arg0, %c0_i32_0 : i32, i32, i32
  }
  func.func @transform_1(%arg0: i32) -> (i32, i32) {
    %c0_i32 = arith.constant 0 : i32
    %c0_i32_0 = arith.constant 0 : i32
    return %arg0, %c0_i32 : i32, i32
  }
  func.func @transform_2(%arg0: i32) -> (i32, i32) {
    %c0_i32 = arith.constant 0 : i32
    %c0_i32_0 = arith.constant 0 : i32
    %c0_i32_1 = arith.constant 0 : i32
    return %c0_i32, %c0_i32_0 : i32, i32
  }
  func.func @transform_3(%arg0: i32) -> (i32, i32) {
    %c0_i32 = arith.constant 0 : i32
    %c0_i32_0 = arith.constant 0 : i32
    return %arg0, %c0_i32 : i32, i32
  }
}

</mosaic_0001>

<sc_bundles>
// kernel: kernel.11.cloned.1.call-start
scs
__scs_entry_jumppad:
0x0: {  	(pc) =	sbr.rel $0x88, $3  }
0x1: {  	(tag) =	ssettag $0x0;
	lr =	simm.s32 $0x1  }
0x2: {  	[smem:$0x3F9B] =	sst lr;
	_ =	strace $0xD0000000  }
0x3: {  	_ = 	snop  }
0x4: {  	_ = 	snop  }
0x5: {  	_ = 	snop  }
0x6: {  	_ = 	snop  }
0x7: {  	_ = 	snop  }
__scs_overlays_trampoline_lowered:
0x8: {  	[smem:$0x3FAA] =	sst s0  }
0x9: {  	[smem:$0x3FAB] =	sst s1  }
0xa: {  	[smem:$0x3FAC] =	sst s2  }
0xb: {  	[smem:$0x3FAD] =	sst s3  }
0xc: {  	[smem:$0x3FAE] =	sst s4  }
0xd: {  	[smem:$0x3FAF] =	sst s5  }
0xe: {  	[smem:$0x3FB0] =	sst s6  }
0xf: {  	[smem:$0x3FB1] =	sst s7  }
0x10: {  	[smem:$0x3FB2] =	sst s8  }
0x11: {  	[smem:$0x3FB3] =	sst s9;
	s0 =	simm.s32 @!p0 $0x0  }
0x12: {  	s1 =	sld [smem:$0x3F99];
	s0 =	simm.s32 @p0 $0x1  }
0x13: {  	[smem:$0x3FB4] =	sst s0;
	s0 =	simm.s32 @!p1 $0x0  }
0x14: {  	s2 =	sld [smem:$0x3F98];
	s0 =	simm.s32 @p1 $0x1  }
0x15: {  	[smem:$0x3FB5] =	sst s0;
	s0 =	simm.s32 @!p2 $0x0  }
0x16: {  	s3 =	sld [smem:$0x3FDB];
	s0 =	simm.s32 @p2 $0x1  }
0x17: {  	s4 =	simm.s32 $0x1BF5;
	[smem:$0x3FB7] =	sst s0  }
0x18: {  	s0 =	sld [smem:$0x3F9A];
	_ =	swait.ge [sflag:s4], $0x0  }
0x19: {  	s7 =	sld [smem:$0x3F9B]  }
0x1a: {  	s8 =	sadd.s32 $0xFFFFE003, lr  }
0x1b: {  	s9 =	sadd.s32 $0xFFFFFEF7, lr;
	s5 =	simm.s32 $0xFFFFFFFF;
	p2 =	slt.u32 s8, $0xFFFFF086  }
0x1c: {  	p1 =	slt.u32 s9, $0xF7A;
	s5 =	simm.s32 @!p2 $0x0  }
0x1d: {  	s5 =	simm.s32 @p1 $0x1;
	p0 =	seq.s32 s7, s2  }
0x1e: {  	s7 =	smul.u32 @!p0 $0xF7A, s2;
	p2 =	seq.s32 @!p0 s5, $0x0  }
0x1f: {  	s9 =	smul.u32 $0xF7A, s1;
	s8 =	simm.s32 @!p0 $0x1BF5;
	p2 =	por !p2, p0  }
0x20: {  	[sflag:s8] =	ssyncset.s32 @!p0 $0xFFFFF086;
	s6 =	sadd.s32 @!p0 s3, s7;
	s7 =	simm.s32 @!p0 $0x108  }
0x21: {  	s3 =	sadd.s32 s3, s9;
	s6 =	sadd.s32 @!p0 $0x88, s6;
	s7 =	simm.s32 @p2 $0x1082  }
0x22: {  	[simem:s7], [sflag:s8] =	dma.local @!p0 [hbm:s6], $0xF7A  }
0x23: {  	s9 =	sor.u32 $0xD0000000, s2;
	s6 =	simm.s32 $0x108;
	_ =	swait.ge @!p0 [sflag:s8], $0x0  }
0x24: {  	s3 =	sadd.s32 $0x88, s3;
	s6 =	simm.s32 @!p1 $0x1082;
	[sflag:s4] =	ssyncset.s32 $0xFFFFF086  }
0x25: {  	[simem:s6], [sflag:s4] =	dma.local [hbm:s3], $0xF7A  }
0x26: {  	[smem:$0x3F9B] =	sst s1;
	(tag) =	ssettag s2;
	_ =	strace s9  }
0x27: {  	s1 =	sld [smem:$0x3FAB]  }
0x28: {  	s2 =	sld [smem:$0x3FAC]  }
0x29: {  	s4 =	sld [smem:$0x3FAE]  }
0x2a: {  	p0 =	seq.s32 s5, $0x0;
	s5 =	sld [smem:$0x3FAF]  }
0x2b: {  	s6 =	sld [smem:$0x3FB0]  }
0x2c: {  	s7 =	sld [smem:$0x3FB1]  }
0x2d: {  	s3 =	simm.s32 $0x108;
	s8 =	sld [smem:$0x3FB2]  }
0x2e: {  	s3 =	simm.s32 @!p0 $0x1082;
	s9 =	sld [smem:$0x3FB3]  }
0x2f: {  	lr =	sadd.s32 s0, s3;
	s0 =	sld [smem:$0x3FAA]  }
0x30: {  	s3 =	sld [smem:$0x3FAD]  }
0x31: {  	[smem:$0x3FB6] =	sst s10  }
0x32: {  	s10 =	sld [smem:$0x3FB4];
	_ =	sdelay $0x3  }
0x33: {  	p0 =	seq.s32 s10, $0x1;
	s10 =	sld [smem:$0x3FB6];
	_ =	sdelay $0x3  }
0x34: {  	[smem:$0x3FB6] =	sst s10  }
0x35: {  	s10 =	sld [smem:$0x3FB5];
	_ =	sdelay $0x3  }
0x36: {  	p1 =	seq.s32 s10, $0x1;
	s10 =	sld [smem:$0x3FB6];
	_ =	sdelay $0x3  }
0x37: {  	[smem:$0x3FB6] =	sst s10  }
0x38: {  	s10 =	sld [smem:$0x3FB7]  }
0x39: {  	_ = 	snop;
	(pc) =	sbr.ind lr, $3  }
0x3a: {  	_ = 	snop  }
0x3b: {  	_ = 	snop  }
0x3c: {  	p2 =	seq.s32 s10, $0x1;
	s10 =	sld [smem:$0x3FB6]  }
0x3d: {  	_ =	shalt  }
0x3e: {  	_ =	shalt  }
0x3f: {  	_ =	shalt  }
0x40: {  	_ =	shalt  }
0x41: {  	_ =	shalt  }
0x42: {  	_ =	shalt  }
0x43: {  	_ =	shalt  }
0x44: {  	_ =	shalt  }
0x45: {  	_ =	shalt  }
0x46: {  	_ =	shalt  }
0x47: {  	_ =	shalt  }
0x48: {  	_ =	shalt  }
0x49: {  	_ =	shalt  }
0x4a: {  	_ =	shalt  }
0x4b: {  	_ =	shalt  }
0x4c: {  	_ =	shalt  }
0x4d: {  	_ =	shalt  }
0x4e: {  	_ =	shalt  }
0x4f: {  	_ =	shalt  }
0x50: {  	_ =	shalt  }
0x51: {  	_ =	shalt  }
0x52: {  	_ =	shalt  }
0x53: {  	_ =	shalt  }
0x54: {  	_ =	shalt  }
0x55: {  	_ =	shalt  }
0x56: {  	_ =	shalt  }
0x57: {  	_ =	shalt  }
0x58: {  	_ =	shalt  }
0x59: {  	_ =	shalt  }
0x5a: {  	_ =	shalt  }
0x5b: {  	_ =	shalt  }
0x5c: {  	_ =	shalt  }
0x5d: {  	_ =	shalt  }
0x5e: {  	_ =	shalt  }
0x5f: {  	_ =	shalt  }
0x60: {  	_ =	shalt  }
0x61: {  	_ =	shalt  }
0x62: {  	_ =	shalt  }
0x63: {  	_ =	shalt  }
0x64: {  	_ =	shalt  }
0x65: {  	_ =	shalt  }
0x66: {  	_ =	shalt  }
0x67: {  	_ =	shalt  }
0x68: {  	_ =	shalt  }
0x69: {  	_ =	shalt  }
0x6a: {  	_ =	shalt  }
0x6b: {  	_ =	shalt  }
0x6c: {  	_ =	shalt  }
0x6d: {  	_ =	shalt  }
0x6e: {  	_ =	shalt  }
0x6f: {  	_ =	shalt  }
0x70: {  	_ =	shalt  }
0x71: {  	_ =	shalt  }
0x72: {  	_ =	shalt  }
0x73: {  	_ =	shalt  }
0x74: {  	_ =	shalt  }
0x75: {  	_ =	shalt  }
0x76: {  	_ =	shalt  }
0x77: {  	_ =	shalt  }
0x78: {  	_ =	shalt  }
0x79: {  	_ =	shalt  }
0x7a: {  	_ =	shalt  }
0x7b: {  	_ =	shalt  }
0x7c: {  	_ =	shalt  }
0x7d: {  	_ =	shalt  }
0x7e: {  	_ =	shalt  }
0x7f: {  	_ =	shalt  }
0x80: {  	_ =	shalt  }
0x81: {  	_ =	shalt  }
0x82: {  	_ =	shalt  }
0x83: {  	_ =	shalt  }
0x84: {  	_ =	shalt  }
0x85: {  	_ =	shalt  }
0x86: {  	_ =	shalt  }
0x87: {  	_ =	shalt  }
.Lfunc_end0:
.L_simem_size_0:
called_computation.1_lowered:
.L_overlay_start_0:
0x88: {  	s2 =	sld [smem:$0x3FD9]  }
0x89: {  	s3 =	sld [smem:$0x3FFE];
	_ =	sdelay $0x1  }
0x8a: {  	s1 =	srdreg.scid  }
0x8b: {  	s0 =	sand.u32 $0x1, s1  }
0x8c: {  	s17 =	sshll.u32 s0, $0xA;
	s2 =	sadd.s32 s3, s2  }
0x8d: {  	s2 =	sadd.s32 s2, s17  }
0x8e: {  	[smem:$0x3FC2] =	sst s2  }
0x8f: {  	_ = 	snop  }
0x90: {  	s2 =	sld [smem:$0x3FD0];
	(tm) =	ssettm $0x1  }
0x91: {  	s18 =	sld [smem:$0x3FFB];
	_ =	sdelay $0x3  }
0x92: {  	_ =	strace s18  }
0x93: {  	s3 =	sld [smem:$0x3FFC];
	_ =	sdelay $0x3  }
0x94: {  	_ =	strace s3  }
0x95: {  	s3 =	sld [smem:$0x3FFD];
	_ =	sdelay $0x3  }
0x96: {  	_ =	strace s3  }
0x97: {  	_ =	strace $0x8FFFFFFF  }
0x98: {  	s19 =	sld [smem:$0x3FDB];
	_ =	sdelay $0x1  }
0x99: {  	s4 =	simm.s32 $_scs_section_size  }
0x9a: {  	s5 =	simm.s32 $_size__tile_overlayer_lowered;
	s6 =	simm.s32 $_tile_overlayer_lowered  }
0x9b: {  	s22 =	simm.s32 $0x1BFF;
	s21 =	sshll.u32 s6, $0x1;
	s3 =	sadd.s32 s4, s19  }
0x9c: {  	s7 =	simm.s32 $0x0;
	s20 =	sshll.u32 s5, $0x1;
	s5 =	sadd.s32 s21, s3  }
0x9d: {  	[timem:s7], [sflag:s22] =	dma.local [hbm:s5], s20  }
0x9e: {  	_ =	swait.ge [sflag:s22], s20  }
0x9f: {  	s4 =	ssub.s32 $0x0, s20;
	[sflag:s22] =	ssyncset.done $0x0  }
0xa0: {  	[sflag:s22] =	ssyncadd.s32 s4;
	_ =	sdelay $0x1  }
0xa1: {  	s23 =	simm.s32 $0x1B8B  }
0xa2: {  	_ =	swait.ge [sflag:s23], $0x1  }
0xa3: {  	[sflag:s23] =	ssyncset.done $0x0  }
0xa4: {  	s25 =	simm.s32 $0x1B8E;
	s24 =	sld [smem:$0x3FFE];
	[sflag:s23] =	ssyncadd.s32 $0xFFFFFFFF  }
0xa5: {  	s26 =	simm.s32 $execute0_lowered;
	[smem:$0x3FD2] =	sst s25  }
0xa6: {  	s5 =	sshll.u32 s26, $0x1;
	_ =	strace $0x80000049;
	[dreg:$0x1] =	wrdreg $0xFFFFFFFF  }
0xa7: {  	s28 =	simm.s32 $_size_execute0_lowered;
	s3 =	sadd.s32 s3, s5;
	[dreg:$0x0] =	wrdreg $0x0  }
0xa8: {  	s5 =	sshll.u32 s28, $0x1;
	[dreg:$0x2] =	wrdreg s3  }
0xa9: {  	[dreg:$0x3] =	wrdreg s5  }
0xaa: {  	[dreg:$0x4] =	wrdreg $0xC0  }
0xab: {  	_ =	task [dreg:s7], $0x5FFFF  }
0xac: {  	[dreg:$0x1] =	wrdreg $0xFFFFFFFF  }
0xad: {  	[dreg:$0x0] =	wrdreg $0x60  }
0xae: {  	[dreg:$0x2] =	wrdreg s24  }
0xaf: {  	[dreg:$0x3] =	wrdreg s2  }
0xb0: {  	[dreg:$0x4] =	wrdreg $0xA8000  }
0xb1: {  	[dreg:$0x5] =	wrdreg $0x9  }
0xb2: {  	_ =	task.clear_ibuf [dreg:s7], $0x6FFFF;
	_ =	strace $0x90000049  }
0xb3: {  	s29 =	simm.s32 $0x9;
	_ =	strace $0x8000004B  }
0xb4: {  	_ =	swait.ge [sflag:s29], $0x1  }
0xb5: {  	[sflag:s29] =	ssyncadd.s32 $0xFFFFFFFF  }
0xb6: {  	_ =	strace $0x9000004B  }
0xb7: {  	_ =	sfence  }
0xb8: {  	s30 =	sld [smem:$0x0];
	_ =	sdelay $0x2  }
0xb9: {  	s31 =	sshll.u32 s1, $0xD;
	s1 =	sshrl.u32 s1, $0x2  }
0xba: {  	s3 =	sand.u32 $0x4000, s31;
	s1 =	sadd.s32 s1, s30  }
0xbb: {  	s0 =	sor.u32 s3, s0;
	s1 =	sshll.u32 s1, $0x11  }
0xbc: {  	s0 =	sor.u32 s1, s0  }
0xbd: {  	s0 =	sadd.s32 $0x8F2B, s0  }
0xbe: {  	[sflag:s0] =	ssyncadd.remote.s32 $0x1  }
0xbf: {  	_ =	sfence.sel $0xFFFF  }
0xc0: {  	[dreg:$0x0] =	wrdreg $0xFFFFFFFF;
	(pc) =	sbr.abs _section_cstart, $3  }
0xc1: {  	[dreg:$0x1] =	wrdreg $0xFFFFFFFF  }
0xc2: {  	_ =	task.clear_ibuf [dreg:s7], $0x2FFFF;
	_ =	strace $0x9FFFFFFF  }
0xc3: {  	(tm) =	ssettm $0x7FFFFFFF  }
tec
execute0_lowered:
.L_overlay_start_1:
0x0: {  	(tag) =	ssettag $0x1  }
0x1: {  	s6 =	rddreg [dreg:$0x0]  }
0x2: {  	s7 =	rddreg [dreg:$0x1];
	s0 =	srdreg.scid  }
0x3: {  	s2 =	rddreg [dreg:$0x2];
	s1 =	stileid.u32  }
0x4: {  	s3 =	simm.s32 $0x0;
	s14 =	simm.s32 $0x50;
	s16 =	simm.s32 $0x1  }
0x5: {  	s17 =	simm.s32 $0x0;
	s9 =	sand.u32 $0x1, s0;
	s0 =	rddreg [dreg:$0x3]  }
0x6: {  	s8 =	smul.u32 $0x14000, s1;
	[smem:$0x7FF] =	sst s3;
	s4 =	sadd.s32 $0x1E00, s6  }
0x7: {  	s11 =	smul.u32 $0x50000, s1;
	s31 =	sshll.u32 s1, $0xB;
	s13 =	sshll.u32 s1, $0x6  }
0x8: {  	s5 =	smul.u32 $0x140000, s9;
	_ =	strace $0x8000004A;
	s10 =	ssub.s32 $0x2, s9  }
0x9: {  	s15 =	smul.u32 $0x2710, s9;
	s29 =	sshrl.u32 s10, $0x1;
	s30 =	sshrl.u32 s11, $0x2  }
0xa: {  	s5 =	sadd.s32 s8, s5;
	s10 =	ssub.s32 s10, s29;
	s11 =	sadd.s32 s30, s2  }
0xb: {  	v0 =	vmov s15;
	s15 =	simm.s32 $0x8000;
	s8 =	sshrl.u32 s5, $0x3;
	s5 =	sadd.s32 $0x50000, s6  }
0xc: {  	s10 =	smax.u32 s10, $0x1;
	s11 =	sshrl.u32 s11, $0x3;
	s12 =	sadd.s32 s8, s6  }
0xd: {  	s6 =	sadd.s32 s7, s31;
	s7 =	sor.u32 $0x1C02, s13;
	s13 =	simm.s32 $0x4000  }
0xe: {  	s8 =	sadd.s32 $0x8000, s6;
	s9 =	sadd.s32 $0x52800, s12;
	s12 =	simm.s32 $0x2  }
.LBB2_1:
0xf: {  	[spmem:s11], [sflag:s7] =	dma.local [hbm:s5], $0x2800  }
0x10: {  	_ =	swait.ge [sflag:s12], $0x2800  }
0x11: {  	[sflag:s12] =	ssyncset.done $0x0  }
0x12: {  	[sflag:s12] =	ssyncadd.s32 $0xFFFFD800  }
0x13: {  	[tilespmem:s3], [sflag:$0x2] =	stream.linear.gather [hbm4b:s6+s3], $0x3E80, $0x38;
	[tilespmem:$0x1E800] =	vst v63  }
0x14: {  	_ =	swait.ge [sflag:s12], $0x3E80  }
0x15: {  	[sflag:s12] =	ssyncset.done $0x0  }
0x16: {  	[sflag:s12] =	ssyncadd.s32 $0xFFFFC180  }
0x17: {  	[tilespmem:s13], [sflag:$0x2] =	stream.linear.gather [hbm4b:s8+s3], $0x3E80, $0x38;
	[tilespmem:$0x1E800] =	vst v63  }
0x18: {  	_ =	swait.ge [sflag:s12], $0x3E80  }
0x19: {  	[sflag:s12] =	ssyncset.done $0x0  }
0x1a: {  	s18 =	simm.s32 $0x0;
	[sflag:s12] =	ssyncadd.s32 $0xFFFFC180  }
0x1b: {  	v4 =	vld [tilespmem:s18+$0x0]  }
0x1c: {  	v3 =	vld [tilespmem:s18+$0x10]  }
0x1d: {  	v2 =	vld [tilespmem:s18+$0x20]  }
0x1e: {  	s19 =	simm.s32 $0x200;
	v1 =	vld [tilespmem:s18+$0x30]  }
.LBB2_2:
0x1f: {  	p0 =	sne.s32 s19, $0xF800;
	v5 =	vld [tilespmem:s18+$0x40]  }
0x20: {  	v4 =	vadd.s32 v0, v4  }
.Ltmp0:
0x21: {  	s20 =	sshra.s32 s19, $0x2;
	[tilespmem:s18+$0x0] =	vst v4;
	v3 =	vadd.s32 v0, v3;
	(pc) =	sbr.rel @p0 .LBB2_2-.Ltmp0, $4  }
0x22: {  	v4 =	vld [tilespmem:s20+$0x0];
	[tilespmem:s18+$0x10] =	vst v3;
	v2 =	vadd.s32 v0, v2  }
0x23: {  	v3 =	vld [tilespmem:s20+$0x10];
	[tilespmem:s18+$0x20] =	vst v2;
	v1 =	vadd.s32 v0, v1  }
0x24: {  	v2 =	vld [tilespmem:s20+$0x20];
	[tilespmem:s18+$0x30] =	vst v1;
	v5 =	vadd.s32 v0, v5  }
0x25: {  	s19 =	sadd.s32 $0x200, s19;
	v1 =	vld [tilespmem:s20+$0x30];
	[tilespmem:s18+$0x40] =	vst v5;
	s18 =	smov.u32 s20  }
0x26: {  	v5 =	vld [tilespmem:s18+$0x40]  }
0x27: {  	v4 =	vadd.s32 v0, v4  }
0x28: {  	[tilespmem:s18+$0x0] =	vst v4;
	v3 =	vadd.s32 v0, v3  }
0x29: {  	[tilespmem:s18+$0x10] =	vst v3;
	v2 =	vadd.s32 v0, v2  }
0x2a: {  	[tilespmem:s18+$0x20] =	vst v2;
	v1 =	vadd.s32 v0, v1  }
0x2b: {  	[tilespmem:s18+$0x30] =	vst v1;
	v1 =	vadd.s32 v0, v5  }
0x2c: {  	[tilespmem:s18+$0x40] =	vst v1  }
0x2d: {  	s30 =	simm.s32 $0x0;
	[bflag:$0x0] =	sbarrier.arrive $0xFFFF  }
0x2e: {  	[tilespmem:s15], [sflag:$0x1] =	stream.indirect.gather [hbm4b:s4+s14], $0x80, s30, s14, $0xb8;
	[tilespmem:$0x1E800] =	vst v63  }
0x2f: {  	_ =	swait.ge [sflag:s16], $0x2800  }
0x30: {  	[sflag:s16] =	ssyncset.done $0x0  }
0x31: {  	s31 =	simm.s32 $0x4000;
	[sflag:s16] =	ssyncadd.s32 $0xFFFFD800  }
0x32: {  	[spmem:s2] =	stream.indirect.scatter.add.f32 [tilespmem:s15], [sflag:$0x2], $0x80, s31, s14, $0xb8;
	[tilespmem:$0x1E800] =	vst v63  }
0x33: {  	_ =	swait.ge [sflag:s12], $0x2800  }
0x34: {  	s19 =	simm.s32 $0x400;
	s18 =	simm.s32 $0x200;
	[sflag:s12] =	ssyncset.done $0x0  }
.LBB2_4:
0x35: {  	s20 =	sshra.s32 s18, $0x2  }
0x36: {  	[sflag:s12] =	ssyncadd.s32 $0xFFFFD800;
	s18 =	smov.u32 s19;
	s21 =	sadd.s32 $0x200, s19  }
0x37: {  	[tilespmem:s15], [sflag:$0x1] =	stream.indirect.gather [hbm4b:s4+s14], $0x80, s20, s14, $0xb8;
	[tilespmem:$0x1E800] =	vst v63  }
0x38: {  	p0 =	sne.s32 s19, $0xF800;
	_ =	swait.ge [sflag:s16], $0x2800  }
.Ltmp1:
0x39: {  	[sflag:s16] =	ssyncset.done $0x0;
	(pc) =	sbr.rel @p0 .LBB2_4-.Ltmp1, $4  }
0x3a: {  	s19 =	sadd.s32 $0x4000, s20;
	[sflag:s16] =	ssyncadd.s32 $0xFFFFD800  }
0x3b: {  	[spmem:s2] =	stream.indirect.scatter.add.f32 [tilespmem:s15], [sflag:$0x2], $0x80, s19, s14, $0xb8;
	[tilespmem:$0x1E800] =	vst v63  }
0x3c: {  	_ =	swait.ge [sflag:s12], $0x2800  }
0x3d: {  	s19 =	smov.u32 s21;
	[sflag:s12] =	ssyncset.done $0x0  }
0x3e: {  	s18 =	sshra.s32 s18, $0x2;
	[sflag:s12] =	ssyncadd.s32 $0xFFFFD800  }
0x3f: {  	[tilespmem:s15], [sflag:$0x1] =	stream.indirect.gather [hbm4b:s4+s14], $0x80, s18, s14, $0xb8;
	[tilespmem:$0x1E800] =	vst v63  }
0x40: {  	_ =	swait.ge [sflag:s16], $0x2800  }
0x41: {  	[sflag:s16] =	ssyncset.done $0x0  }
0x42: {  	s18 =	sadd.s32 $0x4000, s18;
	[sflag:s16] =	ssyncadd.s32 $0xFFFFD800  }
0x43: {  	[spmem:s2] =	stream.indirect.scatter.add.f32 [tilespmem:s15], [sflag:$0x2], $0x80, s18, s14, $0xb8;
	[tilespmem:$0x1E800] =	vst v63  }
0x44: {  	_ =	swait.ge [sflag:s12], $0x2800  }
0x45: {  	s17 =	sadd.s32 $0x1, s17;
	[sflag:s12] =	ssyncset.done $0x0  }
0x46: {  	p0 =	sne.s32 s17, s10;
	[sflag:s12] =	ssyncadd.s32 $0xFFFFD800  }
.Ltmp2:
0x47: {  	[bflag:$0x0] =	sbarrier.arrive $0xFFFF;
	(pc) =	sbr.rel @p0 .LBB2_1-.Ltmp2, $4  }
0x48: {  	[hbm:s9], [sflag:s7] =	dma.local [spmem:s11], $0x2800  }
0x49: {  	_ =	swait.ge [sflag:s12], $0x2800  }
0x4a: {  	[sflag:s12] =	ssyncset.done $0x0  }
0x4b: {  	[sflag:s12] =	ssyncadd.s32 $0xFFFFD800  }
0x4c: {  	_ =	sfence.sel $0x180000  }
0x4d: {  	[bflag:$0x0] =	sbarrier.arrive $0xFFFF  }
0x4e: {  	p0 =	sne.s32 s1, $0x0;
	_ =	strace $0x9000004A  }
0x4f: {  	s0 =	sadd.s32 @!p0 $0x100000, s0;
	[bflag:$0x2] =	sbarrier.arrive $0xFFFF  }
0x50: {  	[sflag:s0] =	ssyncadd.tile.s32 @!p0 $0x1;
	_ =	shalt  }
.Lfunc_end2:
_tile_overlayer_lowered:
.L_overlay_start_2:
0x51: {  	(tag) =	ssettag $0x2  }
0x52: {  	s0 =	rddreg [dreg:$0x0];
	s2 =	stileid.u32  }
0x53: {  	s1 =	rddreg [dreg:$0x1];
	p0 =	sne.s32 s2, $0x0  }
0x54: {  	s3 =	rddreg [dreg:$0x2];
	[bflag:$0x3] =	sbarrier.arrive $0xFFFF;
	s2 =	simm.s32 @!p0 $0x1C02  }
0x55: {  	[timem:s3], [sflag:s2] =	dma.local @!p0 [hbm:s0], s1  }
0x56: {  	s0 =	simm.s32 @!p0 $0x2  }
0x57: {  	_ =	swait.ge @!p0 [sflag:s0], s1  }
0x58: {  	s1 =	ssub.s32 @!p0 $0x0, s1;
	[sflag:s0] =	ssyncset.done @!p0 $0x0  }
0x59: {  	[sflag:s0] =	ssyncadd.s32 @!p0 s1  }
0x5a: {  	[bflag:$0x3] =	sbarrier.arrive $0xFFFF  }
0x5b: {  	_ =	shalt  }

// kernel: kernel.14.cloned.1.call-start
scs
__scs_entry_jumppad:
0x0: {  	(pc) =	sbr.rel $0x88, $3  }
0x1: {  	(tag) =	ssettag $0x0;
	lr =	simm.s32 $0x1  }
0x2: {  	[smem:$0x3F9B] =	sst lr;
	_ =	strace $0xD0000000  }
0x3: {  	_ = 	snop  }
0x4: {  	_ = 	snop  }
0x5: {  	_ = 	snop  }
0x6: {  	_ = 	snop  }
0x7: {  	_ = 	snop  }
__scs_overlays_trampoline_lowered:
0x8: {  	[smem:$0x3FAA] =	sst s0  }
0x9: {  	[smem:$0x3FAB] =	sst s1  }
0xa: {  	[smem:$0x3FAC] =	sst s2  }
0xb: {  	[smem:$0x3FAD] =	sst s3  }
0xc: {  	[smem:$0x3FAE] =	sst s4  }
0xd: {  	[smem:$0x3FAF] =	sst s5  }
0xe: {  	[smem:$0x3FB0] =	sst s6  }
0xf: {  	[smem:$0x3FB1] =	sst s7  }
0x10: {  	[smem:$0x3FB2] =	sst s8  }
0x11: {  	[smem:$0x3FB3] =	sst s9;
	s0 =	simm.s32 @!p0 $0x0  }
0x12: {  	s1 =	sld [smem:$0x3F99];
	s0 =	simm.s32 @p0 $0x1  }
0x13: {  	[smem:$0x3FB4] =	sst s0;
	s0 =	simm.s32 @!p1 $0x0  }
0x14: {  	s2 =	sld [smem:$0x3F98];
	s0 =	simm.s32 @p1 $0x1  }
0x15: {  	[smem:$0x3FB5] =	sst s0;
	s0 =	simm.s32 @!p2 $0x0  }
0x16: {  	s3 =	sld [smem:$0x3FDB];
	s0 =	simm.s32 @p2 $0x1  }
0x17: {  	s4 =	simm.s32 $0x1BF5;
	[smem:$0x3FB7] =	sst s0  }
0x18: {  	s0 =	sld [smem:$0x3F9A];
	_ =	swait.ge [sflag:s4], $0x0  }
0x19: {  	s7 =	sld [smem:$0x3F9B]  }
0x1a: {  	s8 =	sadd.s32 $0xFFFFE003, lr  }
0x1b: {  	s9 =	sadd.s32 $0xFFFFFEF7, lr;
	s5 =	simm.s32 $0xFFFFFFFF;
	p2 =	slt.u32 s8, $0xFFFFF086  }
0x1c: {  	p1 =	slt.u32 s9, $0xF7A;
	s5 =	simm.s32 @!p2 $0x0  }
0x1d: {  	s5 =	simm.s32 @p1 $0x1;
	p0 =	seq.s32 s7, s2  }
0x1e: {  	s7 =	smul.u32 @!p0 $0xF7A, s2;
	p2 =	seq.s32 @!p0 s5, $0x0  }
0x1f: {  	s9 =	smul.u32 $0xF7A, s1;
	s8 =	simm.s32 @!p0 $0x1BF5;
	p2 =	por !p2, p0  }
0x20: {  	[sflag:s8] =	ssyncset.s32 @!p0 $0xFFFFF086;
	s6 =	sadd.s32 @!p0 s3, s7;
	s7 =	simm.s32 @!p0 $0x108  }
0x21: {  	s3 =	sadd.s32 s3, s9;
	s6 =	sadd.s32 @!p0 $0x88, s6;
	s7 =	simm.s32 @p2 $0x1082  }
0x22: {  	[simem:s7], [sflag:s8] =	dma.local @!p0 [hbm:s6], $0xF7A  }
0x23: {  	s9 =	sor.u32 $0xD0000000, s2;
	s6 =	simm.s32 $0x108;
	_ =	swait.ge @!p0 [sflag:s8], $0x0  }
0x24: {  	s3 =	sadd.s32 $0x88, s3;
	s6 =	simm.s32 @!p1 $0x1082;
	[sflag:s4] =	ssyncset.s32 $0xFFFFF086  }
0x25: {  	[simem:s6], [sflag:s4] =	dma.local [hbm:s3], $0xF7A  }
0x26: {  	[smem:$0x3F9B] =	sst s1;
	(tag) =	ssettag s2;
	_ =	strace s9  }
0x27: {  	s1 =	sld [smem:$0x3FAB]  }
0x28: {  	s2 =	sld [smem:$0x3FAC]  }
0x29: {  	s4 =	sld [smem:$0x3FAE]  }
0x2a: {  	p0 =	seq.s32 s5, $0x0;
	s5 =	sld [smem:$0x3FAF]  }
0x2b: {  	s6 =	sld [smem:$0x3FB0]  }
0x2c: {  	s7 =	sld [smem:$0x3FB1]  }
0x2d: {  	s3 =	simm.s32 $0x108;
	s8 =	sld [smem:$0x3FB2]  }
0x2e: {  	s3 =	simm.s32 @!p0 $0x1082;
	s9 =	sld [smem:$0x3FB3]  }
0x2f: {  	lr =	sadd.s32 s0, s3;
	s0 =	sld [smem:$0x3FAA]  }
0x30: {  	s3 =	sld [smem:$0x3FAD]  }
0x31: {  	[smem:$0x3FB6] =	sst s10  }
0x32: {  	s10 =	sld [smem:$0x3FB4];
	_ =	sdelay $0x3  }
0x33: {  	p0 =	seq.s32 s10, $0x1;
	s10 =	sld [smem:$0x3FB6];
	_ =	sdelay $0x3  }
0x34: {  	[smem:$0x3FB6] =	sst s10  }
0x35: {  	s10 =	sld [smem:$0x3FB5];
	_ =	sdelay $0x3  }
0x36: {  	p1 =	seq.s32 s10, $0x1;
	s10 =	sld [smem:$0x3FB6];
	_ =	sdelay $0x3  }
0x37: {  	[smem:$0x3FB6] =	sst s10  }
0x38: {  	s10 =	sld [smem:$0x3FB7]  }
0x39: {  	_ = 	snop;
	(pc) =	sbr.ind lr, $3  }
0x3a: {  	_ = 	snop  }
0x3b: {  	_ = 	snop  }
0x3c: {  	p2 =	seq.s32 s10, $0x1;
	s10 =	sld [smem:$0x3FB6]  }
0x3d: {  	_ =	shalt  }
0x3e: {  	_ =	shalt  }
0x3f: {  	_ =	shalt  }
0x40: {  	_ =	shalt  }
0x41: {  	_ =	shalt  }
0x42: {  	_ =	shalt  }
0x43: {  	_ =	shalt  }
0x44: {  	_ =	shalt  }
0x45: {  	_ =	shalt  }
0x46: {  	_ =	shalt  }
0x47: {  	_ =	shalt  }
0x48: {  	_ =	shalt  }
0x49: {  	_ =	shalt  }
0x4a: {  	_ =	shalt  }
0x4b: {  	_ =	shalt  }
0x4c: {  	_ =	shalt  }
0x4d: {  	_ =	shalt  }
0x4e: {  	_ =	shalt  }
0x4f: {  	_ =	shalt  }
0x50: {  	_ =	shalt  }
0x51: {  	_ =	shalt  }
0x52: {  	_ =	shalt  }
0x53: {  	_ =	shalt  }
0x54: {  	_ =	shalt  }
0x55: {  	_ =	shalt  }
0x56: {  	_ =	shalt  }
0x57: {  	_ =	shalt  }
0x58: {  	_ =	shalt  }
0x59: {  	_ =	shalt  }
0x5a: {  	_ =	shalt  }
0x5b: {  	_ =	shalt  }
0x5c: {  	_ =	shalt  }
0x5d: {  	_ =	shalt  }
0x5e: {  	_ =	shalt  }
0x5f: {  	_ =	shalt  }
0x60: {  	_ =	shalt  }
0x61: {  	_ =	shalt  }
0x62: {  	_ =	shalt  }
0x63: {  	_ =	shalt  }
0x64: {  	_ =	shalt  }
0x65: {  	_ =	shalt  }
0x66: {  	_ =	shalt  }
0x67: {  	_ =	shalt  }
0x68: {  	_ =	shalt  }
0x69: {  	_ =	shalt  }
0x6a: {  	_ =	shalt  }
0x6b: {  	_ =	shalt  }
0x6c: {  	_ =	shalt  }
0x6d: {  	_ =	shalt  }
0x6e: {  	_ =	shalt  }
0x6f: {  	_ =	shalt  }
0x70: {  	_ =	shalt  }
0x71: {  	_ =	shalt  }
0x72: {  	_ =	shalt  }
0x73: {  	_ =	shalt  }
0x74: {  	_ =	shalt  }
0x75: {  	_ =	shalt  }
0x76: {  	_ =	shalt  }
0x77: {  	_ =	shalt  }
0x78: {  	_ =	shalt  }
0x79: {  	_ =	shalt  }
0x7a: {  	_ =	shalt  }
0x7b: {  	_ =	shalt  }
0x7c: {  	_ =	shalt  }
0x7d: {  	_ =	shalt  }
0x7e: {  	_ =	shalt  }
0x7f: {  	_ =	shalt  }
0x80: {  	_ =	shalt  }
0x81: {  	_ =	shalt  }
0x82: {  	_ =	shalt  }
0x83: {  	_ =	shalt  }
0x84: {  	_ =	shalt  }
0x85: {  	_ =	shalt  }
0x86: {  	_ =	shalt  }
0x87: {  	_ =	shalt  }
.Lfunc_end0:
.L_simem_size_0:
called_computation.2_lowered:
.L_overlay_start_0:
0x88: {  	s2 =	sld [smem:$0x3FD9]  }
0x89: {  	s3 =	sld [smem:$0x3FFE];
	_ =	sdelay $0x1  }
0x8a: {  	s1 =	srdreg.scid  }
0x8b: {  	s0 =	sand.u32 $0x1, s1  }
0x8c: {  	s17 =	sshll.u32 s0, $0xA;
	s2 =	sadd.s32 s3, s2  }
0x8d: {  	s2 =	sadd.s32 s2, s17  }
0x8e: {  	[smem:$0x3FC2] =	sst s2  }
0x8f: {  	_ = 	snop  }
0x90: {  	s2 =	sld [smem:$0x3FD0];
	(tm) =	ssettm $0x1  }
0x91: {  	s18 =	sld [smem:$0x3FFB];
	_ =	sdelay $0x3  }
0x92: {  	_ =	strace s18  }
0x93: {  	s3 =	sld [smem:$0x3FFC];
	_ =	sdelay $0x3  }
0x94: {  	_ =	strace s3  }
0x95: {  	s3 =	sld [smem:$0x3FFD];
	_ =	sdelay $0x3  }
0x96: {  	_ =	strace s3  }
0x97: {  	_ =	strace $0x8FFFFFFF  }
0x98: {  	s19 =	sld [smem:$0x3FDB];
	_ =	sdelay $0x1  }
0x99: {  	s4 =	simm.s32 $_scs_section_size  }
0x9a: {  	s5 =	simm.s32 $_size__tile_overlayer_lowered;
	s6 =	simm.s32 $_tile_overlayer_lowered  }
0x9b: {  	s22 =	simm.s32 $0x1BFF;
	s21 =	sshll.u32 s6, $0x1;
	s3 =	sadd.s32 s4, s19  }
0x9c: {  	s7 =	simm.s32 $0x0;
	s20 =	sshll.u32 s5, $0x1;
	s5 =	sadd.s32 s21, s3  }
0x9d: {  	[timem:s7], [sflag:s22] =	dma.local [hbm:s5], s20  }
0x9e: {  	_ =	swait.ge [sflag:s22], s20  }
0x9f: {  	s4 =	ssub.s32 $0x0, s20;
	[sflag:s22] =	ssyncset.done $0x0  }
0xa0: {  	[sflag:s22] =	ssyncadd.s32 s4;
	_ =	sdelay $0x1  }
0xa1: {  	s23 =	simm.s32 $0x1B8B  }
0xa2: {  	_ =	swait.ge [sflag:s23], $0x1  }
0xa3: {  	[sflag:s23] =	ssyncset.done $0x0  }
0xa4: {  	s25 =	simm.s32 $0x1B8E;
	s24 =	sld [smem:$0x3FFE];
	[sflag:s23] =	ssyncadd.s32 $0xFFFFFFFF  }
0xa5: {  	s26 =	simm.s32 $execute0_lowered;
	[smem:$0x3FD2] =	sst s25  }
0xa6: {  	s5 =	sshll.u32 s26, $0x1;
	_ =	strace $0x8000004C;
	[dreg:$0x1] =	wrdreg $0xFFFFFFFF  }
0xa7: {  	s28 =	simm.s32 $_size_execute0_lowered;
	s3 =	sadd.s32 s3, s5;
	[dreg:$0x0] =	wrdreg $0x0  }
0xa8: {  	s5 =	sshll.u32 s28, $0x1;
	[dreg:$0x2] =	wrdreg s3  }
0xa9: {  	[dreg:$0x3] =	wrdreg s5  }
0xaa: {  	[dreg:$0x4] =	wrdreg $0xC0  }
0xab: {  	_ =	task [dreg:s7], $0x5FFFF  }
0xac: {  	[dreg:$0x1] =	wrdreg $0xFFFFFFFF  }
0xad: {  	[dreg:$0x0] =	wrdreg $0x60  }
0xae: {  	[dreg:$0x2] =	wrdreg s2  }
0xaf: {  	[dreg:$0x3] =	wrdreg s24  }
0xb0: {  	[dreg:$0x4] =	wrdreg $0x94000  }
0xb1: {  	[dreg:$0x5] =	wrdreg $0x9  }
0xb2: {  	_ =	task.clear_ibuf [dreg:s7], $0x6FFFF;
	_ =	strace $0x9000004C  }
0xb3: {  	s29 =	simm.s32 $0x9;
	_ =	strace $0x8000004E  }
0xb4: {  	_ =	swait.ge [sflag:s29], $0x1  }
0xb5: {  	[sflag:s29] =	ssyncadd.s32 $0xFFFFFFFF  }
0xb6: {  	_ =	strace $0x9000004E  }
0xb7: {  	_ =	sfence  }
0xb8: {  	s30 =	sld [smem:$0x0];
	_ =	sdelay $0x2  }
0xb9: {  	s31 =	sshll.u32 s1, $0xD;
	s1 =	sshrl.u32 s1, $0x2  }
0xba: {  	s3 =	sand.u32 $0x4000, s31;
	s1 =	sadd.s32 s1, s30  }
0xbb: {  	s0 =	sor.u32 s3, s0;
	s1 =	sshll.u32 s1, $0x11  }
0xbc: {  	s0 =	sor.u32 s1, s0  }
0xbd: {  	s0 =	sadd.s32 $0x8F2B, s0  }
0xbe: {  	[sflag:s0] =	ssyncadd.remote.s32 $0x1  }
0xbf: {  	_ =	sfence.sel $0xFFFF  }
0xc0: {  	[dreg:$0x0] =	wrdreg $0xFFFFFFFF;
	(pc) =	sbr.abs _section_cstart, $3  }
0xc1: {  	[dreg:$0x1] =	wrdreg $0xFFFFFFFF  }
0xc2: {  	_ =	task.clear_ibuf [dreg:s7], $0x2FFFF;
	_ =	strace $0x9FFFFFFF  }
0xc3: {  	(tm) =	ssettm $0x7FFFFFFF  }
tec
execute0_lowered:
.L_overlay_start_1:
0x0: {  	(tag) =	ssettag $0x1  }
0x1: {  	s1 =	rddreg [dreg:$0x0]  }
0x2: {  	s6 =	rddreg [dreg:$0x1]  }
0x3: {  	s2 =	rddreg [dreg:$0x2]  }
0x4: {  	s0 =	rddreg [dreg:$0x3];
	s4 =	simm.s32 $0x0;
	s3 =	srdreg.scid  }
0x5: {  	s13 =	simm.s32 $0x4000;
	s14 =	simm.s32 $0x28;
	s15 =	simm.s32 $0x8000  }
0x6: {  	s16 =	simm.s32 $0x1;
	[smem:$0x7FF] =	sst s4;
	s7 =	sand.u32 $0x1, s3  }
0x7: {  	s17 =	simm.s32 $0x0;
	s3 =	stileid.u32;
	s5 =	smul.u32 $0x140000, s7  }
0x8: {  	s8 =	sshll.u32 s7, $0xF;
	s9 =	sshll.u32 s3, $0xB;
	s10 =	smul.u32 $0x14000, s3  }
0x9: {  	_ =	strace $0x8000004D;
	s29 =	smul.u32 $0x50000, s3;
	s7 =	ssub.s32 $0x2, s7  }
0xa: {  	s31 =	sshll.u32 s3, $0x6;
	s8 =	sor.u32 s9, s8;
	s30 =	sshrl.u32 s7, $0x1  }
0xb: {  	s8 =	sadd.s32 s8, s6;
	s28 =	sadd.s32 s10, s5;
	s5 =	sadd.s32 $0x50000, s6  }
0xc: {  	s10 =	sshrl.u32 s29, $0x2;
	s11 =	ssub.s32 s7, s30;
	s9 =	sshrl.u32 s28, $0x3  }
0xd: {  	s12 =	sadd.s32 s10, s2;
	s7 =	sadd.s32 $0xA2800, s8;
	s8 =	sadd.s32 $0xB2800, s8  }
0xe: {  	s10 =	smax.u32 s11, $0x1;
	s9 =	sadd.s32 s9, s6;
	s6 =	sor.u32 $0x1C02, s31  }
0xf: {  	s11 =	sshrl.u32 s12, $0x3;
	s12 =	simm.s32 $0x2;
	s9 =	sadd.s32 $0x52800, s9  }
.LBB2_1:
0x10: {  	[spmem:s11], [sflag:s6] =	dma.local [hbm:s5], $0x2800  }
0x11: {  	_ =	swait.ge [sflag:s12], $0x2800  }
0x12: {  	[sflag:s12] =	ssyncset.done $0x0  }
0x13: {  	[sflag:s12] =	ssyncadd.s32 $0xFFFFD800  }
0x14: {  	[tilespmem:s4], [sflag:$0x2] =	stream.linear.gather [hbm4b:s7+s4], $0x3E80, $0x38;
	[tilespmem:$0x1D400] =	vst v63  }
0x15: {  	_ =	swait.ge [sflag:s12], $0x3E80  }
0x16: {  	[sflag:s12] =	ssyncset.done $0x0  }
0x17: {  	[sflag:s12] =	ssyncadd.s32 $0xFFFFC180  }
0x18: {  	[tilespmem:s13], [sflag:$0x2] =	stream.linear.gather [hbm4b:s8+s4], $0x3E80, $0x38;
	[tilespmem:$0x1D400] =	vst v63  }
0x19: {  	_ =	swait.ge [sflag:s12], $0x3E80  }
0x1a: {  	[sflag:s12] =	ssyncset.done $0x0  }
0x1b: {  	[sflag:s12] =	ssyncadd.s32 $0xFFFFC180  }
0x1c: {  	s18 =	simm.s32 $0x0;
	[bflag:$0x0] =	sbarrier.arrive $0xFFFF  }
0x1d: {  	[tilespmem:s15], [sflag:$0x1] =	stream.indirect.gather [hbm4b:s1+s14], $0x80, s18, s14, $0xb8;
	[tilespmem:$0x1D400] =	vst v63  }
0x1e: {  	_ =	swait.ge [sflag:s16], $0x1400  }
0x1f: {  	[sflag:s16] =	ssyncset.done $0x0  }
0x20: {  	s31 =	simm.s32 $0x4000;
	[sflag:s16] =	ssyncadd.s32 $0xFFFFEC00  }
0x21: {  	[spmem:s2] =	stream.indirect.scatter.add.f32 [tilespmem:s15], [sflag:$0x2], $0x80, s31, s14, $0xb8;
	[tilespmem:$0x1D400] =	vst v63  }
0x22: {  	_ =	swait.ge [sflag:s12], $0x1400  }
0x23: {  	s19 =	simm.s32 $0x400;
	s18 =	simm.s32 $0x200;
	[sflag:s12] =	ssyncset.done $0x0  }
.LBB2_2:
0x24: {  	s20 =	sshra.s32 s18, $0x2  }
0x25: {  	[sflag:s12] =	ssyncadd.s32 $0xFFFFEC00;
	s18 =	smov.u32 s19;
	s21 =	sadd.s32 $0x200, s19  }
0x26: {  	[tilespmem:s15], [sflag:$0x1] =	stream.indirect.gather [hbm4b:s1+s14], $0x80, s20, s14, $0xb8;
	[tilespmem:$0x1D400] =	vst v63  }
0x27: {  	p0 =	sne.s32 s19, $0xF800;
	_ =	swait.ge [sflag:s16], $0x1400  }
.Ltmp0:
0x28: {  	[sflag:s16] =	ssyncset.done $0x0;
	(pc) =	sbr.rel @p0 .LBB2_2-.Ltmp0, $4  }
0x29: {  	s19 =	sadd.s32 $0x4000, s20;
	[sflag:s16] =	ssyncadd.s32 $0xFFFFEC00  }
0x2a: {  	[spmem:s2] =	stream.indirect.scatter.add.f32 [tilespmem:s15], [sflag:$0x2], $0x80, s19, s14, $0xb8;
	[tilespmem:$0x1D400] =	vst v63  }
0x2b: {  	_ =	swait.ge [sflag:s12], $0x1400  }
0x2c: {  	s19 =	smov.u32 s21;
	[sflag:s12] =	ssyncset.done $0x0  }
0x2d: {  	s18 =	sshra.s32 s18, $0x2;
	[sflag:s12] =	ssyncadd.s32 $0xFFFFEC00  }
0x2e: {  	[tilespmem:s15], [sflag:$0x1] =	stream.indirect.gather [hbm4b:s1+s14], $0x80, s18, s14, $0xb8;
	[tilespmem:$0x1D400] =	vst v63  }
0x2f: {  	_ =	swait.ge [sflag:s16], $0x1400  }
0x30: {  	[sflag:s16] =	ssyncset.done $0x0  }
0x31: {  	s18 =	sadd.s32 $0x4000, s18;
	[sflag:s16] =	ssyncadd.s32 $0xFFFFEC00  }
0x32: {  	[spmem:s2] =	stream.indirect.scatter.add.f32 [tilespmem:s15], [sflag:$0x2], $0x80, s18, s14, $0xb8;
	[tilespmem:$0x1D400] =	vst v63  }
0x33: {  	_ =	swait.ge [sflag:s12], $0x1400  }
0x34: {  	s17 =	sadd.s32 $0x1, s17;
	[sflag:s12] =	ssyncset.done $0x0  }
0x35: {  	p0 =	sne.s32 s17, s10;
	[sflag:s12] =	ssyncadd.s32 $0xFFFFEC00  }
.Ltmp1:
0x36: {  	[bflag:$0x0] =	sbarrier.arrive $0xFFFF;
	(pc) =	sbr.rel @p0 .LBB2_1-.Ltmp1, $4  }
0x37: {  	[hbm:s9], [sflag:s6] =	dma.local [spmem:s11], $0x2800  }
0x38: {  	_ =	swait.ge [sflag:s12], $0x2800  }
0x39: {  	[sflag:s12] =	ssyncset.done $0x0  }
0x3a: {  	[sflag:s12] =	ssyncadd.s32 $0xFFFFD800  }
0x3b: {  	_ =	sfence.sel $0x180000  }
0x3c: {  	[bflag:$0x0] =	sbarrier.arrive $0xFFFF  }
0x3d: {  	p0 =	sne.s32 s3, $0x0;
	_ =	strace $0x9000004D  }
0x3e: {  	s0 =	sadd.s32 @!p0 $0x100000, s0;
	[bflag:$0x2] =	sbarrier.arrive $0xFFFF  }
0x3f: {  	[sflag:s0] =	ssyncadd.tile.s32 @!p0 $0x1;
	_ =	shalt  }
.Lfunc_end2:
_tile_overlayer_lowered:
.L_overlay_start_2:
0x40: {  	(tag) =	ssettag $0x2  }
0x41: {  	s0 =	rddreg [dreg:$0x0];
	s2 =	stileid.u32  }
0x42: {  	s1 =	rddreg [dreg:$0x1];
	p0 =	sne.s32 s2, $0x0  }
0x43: {  	s3 =	rddreg [dreg:$0x2];
	[bflag:$0x3] =	sbarrier.arrive $0xFFFF;
	s2 =	simm.s32 @!p0 $0x1C02  }
0x44: {  	[timem:s3], [sflag:s2] =	dma.local @!p0 [hbm:s0], s1  }
0x45: {  	s0 =	simm.s32 @!p0 $0x2  }
0x46: {  	_ =	swait.ge @!p0 [sflag:s0], s1  }
0x47: {  	s1 =	ssub.s32 @!p0 $0x0, s1;
	[sflag:s0] =	ssyncset.done @!p0 $0x0  }
0x48: {  	[sflag:s0] =	ssyncadd.s32 @!p0 s1  }
0x49: {  	[bflag:$0x3] =	sbarrier.arrive $0xFFFF  }
0x4a: {  	_ =	shalt  }

// kernel: kernel.8.cloned.1.call-start
scs
__scs_entry_jumppad:
0x0: {  	(pc) =	sbr.rel $0x88, $3  }
0x1: {  	(tag) =	ssettag $0x0;
	lr =	simm.s32 $0x1  }
0x2: {  	[smem:$0x3F9B] =	sst lr;
	_ =	strace $0xD0000000  }
0x3: {  	_ = 	snop  }
0x4: {  	_ = 	snop  }
0x5: {  	_ = 	snop  }
0x6: {  	_ = 	snop  }
0x7: {  	_ = 	snop  }
__scs_overlays_trampoline_lowered:
0x8: {  	[smem:$0x3FAA] =	sst s0  }
0x9: {  	[smem:$0x3FAB] =	sst s1  }
0xa: {  	[smem:$0x3FAC] =	sst s2  }
0xb: {  	[smem:$0x3FAD] =	sst s3  }
0xc: {  	[smem:$0x3FAE] =	sst s4  }
0xd: {  	[smem:$0x3FAF] =	sst s5  }
0xe: {  	[smem:$0x3FB0] =	sst s6  }
0xf: {  	[smem:$0x3FB1] =	sst s7  }
0x10: {  	[smem:$0x3FB2] =	sst s8  }
0x11: {  	[smem:$0x3FB3] =	sst s9;
	s0 =	simm.s32 @!p0 $0x0  }
0x12: {  	s1 =	sld [smem:$0x3F99];
	s0 =	simm.s32 @p0 $0x1  }
0x13: {  	[smem:$0x3FB4] =	sst s0;
	s0 =	simm.s32 @!p1 $0x0  }
0x14: {  	s2 =	sld [smem:$0x3F98];
	s0 =	simm.s32 @p1 $0x1  }
0x15: {  	[smem:$0x3FB5] =	sst s0;
	s0 =	simm.s32 @!p2 $0x0  }
0x16: {  	s3 =	sld [smem:$0x3FDB];
	s0 =	simm.s32 @p2 $0x1  }
0x17: {  	s4 =	simm.s32 $0x1BF5;
	[smem:$0x3FB7] =	sst s0  }
0x18: {  	s0 =	sld [smem:$0x3F9A];
	_ =	swait.ge [sflag:s4], $0x0  }
0x19: {  	s7 =	sld [smem:$0x3F9B]  }
0x1a: {  	s8 =	sadd.s32 $0xFFFFE003, lr  }
0x1b: {  	s9 =	sadd.s32 $0xFFFFFEF7, lr;
	s5 =	simm.s32 $0xFFFFFFFF;
	p2 =	slt.u32 s8, $0xFFFFF086  }
0x1c: {  	p1 =	slt.u32 s9, $0xF7A;
	s5 =	simm.s32 @!p2 $0x0  }
0x1d: {  	s5 =	simm.s32 @p1 $0x1;
	p0 =	seq.s32 s7, s2  }
0x1e: {  	s7 =	smul.u32 @!p0 $0xF7A, s2;
	p2 =	seq.s32 @!p0 s5, $0x0  }
0x1f: {  	s9 =	smul.u32 $0xF7A, s1;
	s8 =	simm.s32 @!p0 $0x1BF5;
	p2 =	por !p2, p0  }
0x20: {  	[sflag:s8] =	ssyncset.s32 @!p0 $0xFFFFF086;
	s6 =	sadd.s32 @!p0 s3, s7;
	s7 =	simm.s32 @!p0 $0x108  }
0x21: {  	s3 =	sadd.s32 s3, s9;
	s6 =	sadd.s32 @!p0 $0x88, s6;
	s7 =	simm.s32 @p2 $0x1082  }
0x22: {  	[simem:s7], [sflag:s8] =	dma.local @!p0 [hbm:s6], $0xF7A  }
0x23: {  	s9 =	sor.u32 $0xD0000000, s2;
	s6 =	simm.s32 $0x108;
	_ =	swait.ge @!p0 [sflag:s8], $0x0  }
0x24: {  	s3 =	sadd.s32 $0x88, s3;
	s6 =	simm.s32 @!p1 $0x1082;
	[sflag:s4] =	ssyncset.s32 $0xFFFFF086  }
0x25: {  	[simem:s6], [sflag:s4] =	dma.local [hbm:s3], $0xF7A  }
0x26: {  	[smem:$0x3F9B] =	sst s1;
	(tag) =	ssettag s2;
	_ =	strace s9  }
0x27: {  	s1 =	sld [smem:$0x3FAB]  }
0x28: {  	s2 =	sld [smem:$0x3FAC]  }
0x29: {  	s4 =	sld [smem:$0x3FAE]  }
0x2a: {  	p0 =	seq.s32 s5, $0x0;
	s5 =	sld [smem:$0x3FAF]  }
0x2b: {  	s6 =	sld [smem:$0x3FB0]  }
0x2c: {  	s7 =	sld [smem:$0x3FB1]  }
0x2d: {  	s3 =	simm.s32 $0x108;
	s8 =	sld [smem:$0x3FB2]  }
0x2e: {  	s3 =	simm.s32 @!p0 $0x1082;
	s9 =	sld [smem:$0x3FB3]  }
0x2f: {  	lr =	sadd.s32 s0, s3;
	s0 =	sld [smem:$0x3FAA]  }
0x30: {  	s3 =	sld [smem:$0x3FAD]  }
0x31: {  	[smem:$0x3FB6] =	sst s10  }
0x32: {  	s10 =	sld [smem:$0x3FB4];
	_ =	sdelay $0x3  }
0x33: {  	p0 =	seq.s32 s10, $0x1;
	s10 =	sld [smem:$0x3FB6];
	_ =	sdelay $0x3  }
0x34: {  	[smem:$0x3FB6] =	sst s10  }
0x35: {  	s10 =	sld [smem:$0x3FB5];
	_ =	sdelay $0x3  }
0x36: {  	p1 =	seq.s32 s10, $0x1;
	s10 =	sld [smem:$0x3FB6];
	_ =	sdelay $0x3  }
0x37: {  	[smem:$0x3FB6] =	sst s10  }
0x38: {  	s10 =	sld [smem:$0x3FB7]  }
0x39: {  	_ = 	snop;
	(pc) =	sbr.ind lr, $3  }
0x3a: {  	_ = 	snop  }
0x3b: {  	_ = 	snop  }
0x3c: {  	p2 =	seq.s32 s10, $0x1;
	s10 =	sld [smem:$0x3FB6]  }
0x3d: {  	_ =	shalt  }
0x3e: {  	_ =	shalt  }
0x3f: {  	_ =	shalt  }
0x40: {  	_ =	shalt  }
0x41: {  	_ =	shalt  }
0x42: {  	_ =	shalt  }
0x43: {  	_ =	shalt  }
0x44: {  	_ =	shalt  }
0x45: {  	_ =	shalt  }
0x46: {  	_ =	shalt  }
0x47: {  	_ =	shalt  }
0x48: {  	_ =	shalt  }
0x49: {  	_ =	shalt  }
0x4a: {  	_ =	shalt  }
0x4b: {  	_ =	shalt  }
0x4c: {  	_ =	shalt  }
0x4d: {  	_ =	shalt  }
0x4e: {  	_ =	shalt  }
0x4f: {  	_ =	shalt  }
0x50: {  	_ =	shalt  }
0x51: {  	_ =	shalt  }
0x52: {  	_ =	shalt  }
0x53: {  	_ =	shalt  }
0x54: {  	_ =	shalt  }
0x55: {  	_ =	shalt  }
0x56: {  	_ =	shalt  }
0x57: {  	_ =	shalt  }
0x58: {  	_ =	shalt  }
0x59: {  	_ =	shalt  }
0x5a: {  	_ =	shalt  }
0x5b: {  	_ =	shalt  }
0x5c: {  	_ =	shalt  }
0x5d: {  	_ =	shalt  }
0x5e: {  	_ =	shalt  }
0x5f: {  	_ =	shalt  }
0x60: {  	_ =	shalt  }
0x61: {  	_ =	shalt  }
0x62: {  	_ =	shalt  }
0x63: {  	_ =	shalt  }
0x64: {  	_ =	shalt  }
0x65: {  	_ =	shalt  }
0x66: {  	_ =	shalt  }
0x67: {  	_ =	shalt  }
0x68: {  	_ =	shalt  }
0x69: {  	_ =	shalt  }
0x6a: {  	_ =	shalt  }
0x6b: {  	_ =	shalt  }
0x6c: {  	_ =	shalt  }
0x6d: {  	_ =	shalt  }
0x6e: {  	_ =	shalt  }
0x6f: {  	_ =	shalt  }
0x70: {  	_ =	shalt  }
0x71: {  	_ =	shalt  }
0x72: {  	_ =	shalt  }
0x73: {  	_ =	shalt  }
0x74: {  	_ =	shalt  }
0x75: {  	_ =	shalt  }
0x76: {  	_ =	shalt  }
0x77: {  	_ =	shalt  }
0x78: {  	_ =	shalt  }
0x79: {  	_ =	shalt  }
0x7a: {  	_ =	shalt  }
0x7b: {  	_ =	shalt  }
0x7c: {  	_ =	shalt  }
0x7d: {  	_ =	shalt  }
0x7e: {  	_ =	shalt  }
0x7f: {  	_ =	shalt  }
0x80: {  	_ =	shalt  }
0x81: {  	_ =	shalt  }
0x82: {  	_ =	shalt  }
0x83: {  	_ =	shalt  }
0x84: {  	_ =	shalt  }
0x85: {  	_ =	shalt  }
0x86: {  	_ =	shalt  }
0x87: {  	_ =	shalt  }
.Lfunc_end0:
.L_simem_size_0:
called_computation_lowered:
.L_overlay_start_0:
0x88: {  	s2 =	sld [smem:$0x3FD9]  }
0x89: {  	s3 =	sld [smem:$0x3FFE];
	_ =	sdelay $0x1  }
0x8a: {  	s1 =	srdreg.scid  }
0x8b: {  	s0 =	sand.u32 $0x1, s1  }
0x8c: {  	s16 =	sshll.u32 s0, $0xA;
	s2 =	sadd.s32 s3, s2  }
0x8d: {  	s2 =	sadd.s32 s2, s16  }
0x8e: {  	[smem:$0x3FC2] =	sst s2  }
0x8f: {  	_ = 	snop  }
0x90: {  	(tm) =	ssettm $0x1  }
0x91: {  	s17 =	sld [smem:$0x3FFB];
	_ =	sdelay $0x3  }
0x92: {  	_ =	strace s17  }
0x93: {  	s2 =	sld [smem:$0x3FFC];
	_ =	sdelay $0x3  }
0x94: {  	_ =	strace s2  }
0x95: {  	s2 =	sld [smem:$0x3FFD];
	_ =	sdelay $0x3  }
0x96: {  	_ =	strace s2  }
0x97: {  	_ =	strace $0x8FFFFFFF  }
0x98: {  	s18 =	sld [smem:$0x3FDB];
	_ =	sdelay $0x1  }
0x99: {  	s19 =	simm.s32 $_scs_section_size  }
0x9a: {  	s4 =	simm.s32 $_size__tile_overlayer_lowered;
	s5 =	simm.s32 $_tile_overlayer_lowered  }
0x9b: {  	s22 =	simm.s32 $0x1BFF;
	s21 =	sshll.u32 s5, $0x1;
	s2 =	sadd.s32 s19, s18  }
0x9c: {  	s6 =	simm.s32 $0x0;
	s20 =	sshll.u32 s4, $0x1;
	s4 =	sadd.s32 s21, s2  }
0x9d: {  	[timem:s6], [sflag:s22] =	dma.local [hbm:s4], s20  }
0x9e: {  	_ =	swait.ge [sflag:s22], s20  }
0x9f: {  	s3 =	ssub.s32 $0x0, s20;
	[sflag:s22] =	ssyncset.done $0x0  }
0xa0: {  	[sflag:s22] =	ssyncadd.s32 s3;
	_ =	sdelay $0x1  }
0xa1: {  	s23 =	simm.s32 $0x1B8B  }
0xa2: {  	_ =	swait.ge [sflag:s23], $0x1  }
0xa3: {  	[sflag:s23] =	ssyncset.done $0x0  }
0xa4: {  	s25 =	simm.s32 $0x1B8E;
	s24 =	sld [smem:$0x3FFE];
	[sflag:s23] =	ssyncadd.s32 $0xFFFFFFFF  }
0xa5: {  	s26 =	simm.s32 $execute0_lowered;
	[smem:$0x3FD2] =	sst s25  }
0xa6: {  	s4 =	sshll.u32 s26, $0x1;
	_ =	strace $0x80000046;
	[dreg:$0x1] =	wrdreg $0xFFFFFFFF  }
0xa7: {  	s28 =	simm.s32 $_size_execute0_lowered;
	s2 =	sadd.s32 s2, s4;
	[dreg:$0x0] =	wrdreg $0x0  }
0xa8: {  	s4 =	sshll.u32 s28, $0x1;
	[dreg:$0x2] =	wrdreg s2  }
0xa9: {  	[dreg:$0x3] =	wrdreg s4  }
0xaa: {  	[dreg:$0x4] =	wrdreg $0xC0  }
0xab: {  	_ =	task [dreg:s6], $0x5FFFF  }
0xac: {  	[dreg:$0x1] =	wrdreg $0xFFFFFFFF  }
0xad: {  	[dreg:$0x0] =	wrdreg $0x60  }
0xae: {  	[dreg:$0x2] =	wrdreg s24  }
0xaf: {  	[dreg:$0x3] =	wrdreg $0x184000  }
0xb0: {  	[dreg:$0x4] =	wrdreg $0x9  }
0xb1: {  	_ =	task.clear_ibuf [dreg:s6], $0x5FFFF;
	_ =	strace $0x90000046  }
0xb2: {  	s29 =	simm.s32 $0x9;
	_ =	strace $0x80000048  }
0xb3: {  	_ =	swait.ge [sflag:s29], $0x1  }
0xb4: {  	[sflag:s29] =	ssyncadd.s32 $0xFFFFFFFF  }
0xb5: {  	_ =	strace $0x90000048  }
0xb6: {  	_ =	sfence  }
0xb7: {  	s30 =	sld [smem:$0x0];
	_ =	sdelay $0x2  }
0xb8: {  	s31 =	sshll.u32 s1, $0xD;
	s1 =	sshrl.u32 s1, $0x2  }
0xb9: {  	s3 =	sand.u32 $0x4000, s31;
	s1 =	sadd.s32 s1, s30  }
0xba: {  	s0 =	sor.u32 s3, s0;
	s1 =	sshll.u32 s1, $0x11  }
0xbb: {  	s0 =	sor.u32 s1, s0  }
0xbc: {  	s0 =	sadd.s32 $0x8F2B, s0  }
0xbd: {  	[sflag:s0] =	ssyncadd.remote.s32 $0x1  }
0xbe: {  	_ =	sfence.sel $0xFFFF  }
0xbf: {  	[dreg:$0x0] =	wrdreg $0xFFFFFFFF;
	(pc) =	sbr.abs _section_cstart, $3  }
0xc0: {  	[dreg:$0x1] =	wrdreg $0xFFFFFFFF  }
0xc1: {  	_ =	task.clear_ibuf [dreg:s6], $0x2FFFF;
	_ =	strace $0x9FFFFFFF  }
0xc2: {  	(tm) =	ssettm $0x7FFFFFFF  }
0xc3: {  	_ =	shalt  }
tec
execute0_lowered:
.L_overlay_start_1:
0x0: {  	(tag) =	ssettag $0x1  }
0x1: {  	s3 =	rddreg [dreg:$0x0]  }
0x2: {  	s0 =	srdreg.scid;
	s5 =	rddreg [dreg:$0x1]  }
0x3: {  	s1 =	stileid.u32;
	s2 =	simm.s32 $0x0;
	s10 =	simm.s32 $0x17C00  }
0x4: {  	s11 =	simm.s32 $0x18000;
	s4 =	sand.u32 $0x1, s0;
	s0 =	rddreg [dreg:$0x2]  }
0x5: {  	s12 =	simm.s32 $0x0;
	s7 =	smul.u32 $0x13C00, s1;
	[smem:$0x7FF] =	sst s2  }
0x6: {  	s29 =	sshll.u32 s1, $0x7;
	s31 =	sshll.u32 s1, $0xE;
	s6 =	smul.u32 $0x13C000, s4  }
0x7: {  	s9 =	sshll.u32 s1, $0xA;
	_ =	strace $0x80000047;
	s8 =	ssub.s32 $0x2, s4  }
0x8: {  	s4 =	sshll.u32 s4, $0xB;
	s30 =	sshrl.u32 s8, $0x1;
	s6 =	sadd.s32 s7, s6  }
0x9: {  	s7 =	sadd.s32 s29, s3;
	s8 =	ssub.s32 s8, s30;
	s6 =	sshrl.u32 s6, $0x3  }
0xa: {  	s7 =	sadd.s32 s4, s7;
	s4 =	sadd.s32 s31, s5;
	s6 =	sadd.s32 s6, s3  }
0xb: {  	s5 =	sadd.s32 s9, s5;
	s9 =	simm.s32 $0x13C00;
	s3 =	sadd.s32 $0x1E00, s6  }
0xc: {  	v0 =	vimm.f32 $0.0e+00;
	v1 =	vimm.f32 $1.000000000e+00;
	s6 =	sadd.s32 $0x50E00, s7;
	s7 =	smax.u32 s8, $0x1;
	s8 =	simm.s32 $0x1  }
.LBB2_1:
0xd: {  	s13 =	simm.s32 $0x0;
	s14 =	simm.s32 $0x200  }
.LBB2_2:
0xe: {  	p0 =	sne.s32 s14, $0xFE00;
	[tilespmem:s13+$0x13C70] =	vst v0  }
0xf: {  	[tilespmem:s13+$0x13C00] =	vst v0  }
0x10: {  	[tilespmem:s13+$0x13C10] =	vst v0  }
.Ltmp0:
0x11: {  	[tilespmem:s13+$0x13C20] =	vst v0;
	(pc) =	sbr.rel @p0 .LBB2_2-.Ltmp0, $4  }
0x12: {  	[tilespmem:s13+$0x13C30] =	vst v0  }
0x13: {  	[tilespmem:s13+$0x13C40] =	vst v0  }
0x14: {  	[tilespmem:s13+$0x13C50] =	vst v0  }
0x15: {  	[tilespmem:s13+$0x13C60] =	vst v0;
	s13 =	sshra.s32 s14, $0x2;
	s14 =	sadd.s32 $0x200, s14  }
0x16: {  	[tilespmem:s13+$0x13C70] =	vst v0  }
0x17: {  	[tilespmem:s13+$0x13C00] =	vst v0  }
0x18: {  	[tilespmem:s13+$0x13C10] =	vst v0  }
0x19: {  	[tilespmem:s13+$0x13C20] =	vst v0  }
0x1a: {  	[tilespmem:s13+$0x13C30] =	vst v0  }
0x1b: {  	[tilespmem:s13+$0x13C40] =	vst v0  }
0x1c: {  	[tilespmem:s13+$0x13C50] =	vst v0  }
0x1d: {  	[tilespmem:s13+$0x13C60] =	vst v0;
	s31 =	simm.s32 $0x0  }
0x1e: {  	[tilespmem:s31], [sflag:$0x1] =	stream.linear.gather [hbm4b:s3+s31], $0x13880, $0x38;
	[tilespmem:$0x1C400] =	vst v63  }
0x1f: {  	_ =	swait.ge [sflag:s8], $0x13880  }
0x20: {  	[sflag:s8] =	ssyncset.done $0x0  }
0x21: {  	s14 =	simm.s32 $0x0;
	s13 =	simm.s32 $0x200;
	[sflag:s8] =	ssyncadd.s32 $0xFFFEC780  }
.LBB2_4:
0x22: {  	p0 =	sne.s32 s13, $0x4E000;
	v2 =	vld [tilespmem:s14+$0x0];
	_ =	sdelay $0x3  }
.Ltmp1:
0x23: {  	(pc) =	sbr.rel @p0 .LBB2_4-.Ltmp1, $2  }
0x24: {  	_ =	sdelay $0x2  }
0x25: {  	s14 =	sshra.s32 s13, $0x2;
	s13 =	sadd.s32 $0x200, s13;
	[tilespmem:v2+s9+$0x0] =	vst.idx.add.f32.msk $0xffff, v1  }
0x26: {  	v2 =	vld [tilespmem:s14+$0x0];
	_ =	sdelay $0x7  }
0x27: {  	[tilespmem:v2+s9+$0x0] =	vst.idx.add.f32.msk $0xffff, v1  }
0x28: {  	[spmem:s4] =	stream.linear.scatter [tilespmem:s9], [sflag:$0x1], $0x4000, $0x38;
	[tilespmem:$0x1C400] =	vst v63  }
0x29: {  	_ =	swait.ge [sflag:s8], $0x4000  }
0x2a: {  	[sflag:s8] =	ssyncset.done $0x0  }
0x2b: {  	[sflag:s8] =	ssyncadd.s32 $0xFFFFC000  }
0x2c: {  	[bflag:$0x0] =	sbarrier.arrive $0xFFFF  }
0x2d: {  	[tilespmem:$0x18000] =	vst v0  }
0x2e: {  	[tilespmem:$0x18010] =	vst v0  }
0x2f: {  	[tilespmem:$0x18020] =	vst v0  }
0x30: {  	[tilespmem:$0x18030] =	vst v0  }
0x31: {  	[tilespmem:$0x18040] =	vst v0  }
0x32: {  	[tilespmem:$0x18050] =	vst v0  }
0x33: {  	[tilespmem:$0x18060] =	vst v0  }
0x34: {  	[tilespmem:$0x18070] =	vst v0  }
0x35: {  	[tilespmem:$0x18080] =	vst v0  }
0x36: {  	[tilespmem:$0x18090] =	vst v0  }
0x37: {  	[tilespmem:$0x180A0] =	vst v0  }
0x38: {  	[tilespmem:$0x180B0] =	vst v0  }
0x39: {  	[tilespmem:$0x180C0] =	vst v0  }
0x3a: {  	[tilespmem:$0x180D0] =	vst v0  }
0x3b: {  	[tilespmem:$0x180E0] =	vst v0  }
0x3c: {  	[tilespmem:$0x180F0] =	vst v0  }
0x3d: {  	[tilespmem:$0x18100] =	vst v0  }
0x3e: {  	[tilespmem:$0x18110] =	vst v0  }
0x3f: {  	[tilespmem:$0x18120] =	vst v0  }
0x40: {  	[tilespmem:$0x18130] =	vst v0  }
0x41: {  	[tilespmem:$0x18140] =	vst v0  }
0x42: {  	[tilespmem:$0x18150] =	vst v0  }
0x43: {  	[tilespmem:$0x18160] =	vst v0  }
0x44: {  	[tilespmem:$0x18170] =	vst v0  }
0x45: {  	[tilespmem:$0x18180] =	vst v0  }
0x46: {  	[tilespmem:$0x18190] =	vst v0  }
0x47: {  	[tilespmem:$0x181A0] =	vst v0  }
0x48: {  	[tilespmem:$0x181B0] =	vst v0  }
0x49: {  	[tilespmem:$0x181C0] =	vst v0  }
0x4a: {  	[tilespmem:$0x181D0] =	vst v0  }
0x4b: {  	[tilespmem:$0x181E0] =	vst v0  }
0x4c: {  	[tilespmem:$0x181F0] =	vst v0  }
0x4d: {  	[tilespmem:$0x18200] =	vst v0  }
0x4e: {  	[tilespmem:$0x18210] =	vst v0  }
0x4f: {  	[tilespmem:$0x18220] =	vst v0  }
0x50: {  	[tilespmem:$0x18230] =	vst v0  }
0x51: {  	[tilespmem:$0x18240] =	vst v0  }
0x52: {  	[tilespmem:$0x18250] =	vst v0  }
0x53: {  	[tilespmem:$0x18260] =	vst v0  }
0x54: {  	[tilespmem:$0x18270] =	vst v0  }
0x55: {  	[tilespmem:$0x18280] =	vst v0  }
0x56: {  	[tilespmem:$0x18290] =	vst v0  }
0x57: {  	[tilespmem:$0x182A0] =	vst v0  }
0x58: {  	[tilespmem:$0x182B0] =	vst v0  }
0x59: {  	[tilespmem:$0x182C0] =	vst v0  }
0x5a: {  	[tilespmem:$0x182D0] =	vst v0  }
0x5b: {  	[tilespmem:$0x182E0] =	vst v0  }
0x5c: {  	[tilespmem:$0x182F0] =	vst v0  }
0x5d: {  	[tilespmem:$0x18300] =	vst v0  }
0x5e: {  	[tilespmem:$0x18310] =	vst v0  }
0x5f: {  	[tilespmem:$0x18320] =	vst v0  }
0x60: {  	[tilespmem:$0x18330] =	vst v0  }
0x61: {  	[tilespmem:$0x18340] =	vst v0  }
0x62: {  	[tilespmem:$0x18350] =	vst v0  }
0x63: {  	[tilespmem:$0x18360] =	vst v0  }
0x64: {  	[tilespmem:$0x18370] =	vst v0  }
0x65: {  	[tilespmem:$0x18380] =	vst v0  }
0x66: {  	[tilespmem:$0x18390] =	vst v0  }
0x67: {  	[tilespmem:$0x183A0] =	vst v0  }
0x68: {  	[tilespmem:$0x183B0] =	vst v0  }
0x69: {  	[tilespmem:$0x183C0] =	vst v0  }
0x6a: {  	[tilespmem:$0x183D0] =	vst v0  }
0x6b: {  	[tilespmem:$0x183E0] =	vst v0  }
0x6c: {  	s13 =	sadd.s32 $0x0, s5;
	[tilespmem:$0x183F0] =	vst v0  }
0x6d: {  	[tilespmem:s10], [sflag:$0x1] =	stream.linear.gather [spmem:s13], $0x400, $0x38;
	[tilespmem:$0x1C400] =	vst v63  }
0x6e: {  	_ =	swait.ge [sflag:s8], $0x400  }
0x6f: {  	[sflag:s8] =	ssyncset.done $0x0  }
0x70: {  	[sflag:s8] =	ssyncadd.s32 $0xFFFFFC00  }
0x71: {  	v2 =	vld [tilespmem:$0x17EB0]  }
0x72: {  	v4 =	vld [tilespmem:$0x18010]  }
0x73: {  	v5 =	vld [tilespmem:$0x17C10]  }
0x74: {  	v6 =	vld [tilespmem:$0x18020]  }
0x75: {  	v7 =	vld [tilespmem:$0x17C20]  }
0x76: {  	v8 =	vld [tilespmem:$0x18030]  }
0x77: {  	v9 =	vld [tilespmem:$0x17C30]  }
0x78: {  	v10 =	vld [tilespmem:$0x18040]  }
0x79: {  	v11 =	vld [tilespmem:$0x17C40]  }
0x7a: {  	v12 =	vld [tilespmem:$0x18050]  }
0x7b: {  	v13 =	vld [tilespmem:$0x17C50]  }
0x7c: {  	v14 =	vld [tilespmem:$0x18060]  }
0x7d: {  	v15 =	vld [tilespmem:$0x17C60]  }
0x7e: {  	v16 =	vld [tilespmem:$0x18070]  }
0x7f: {  	v17 =	vld [tilespmem:$0x17C70]  }
0x80: {  	v18 =	vld [tilespmem:$0x18080]  }
0x81: {  	v19 =	vld [tilespmem:$0x17C80]  }
0x82: {  	v20 =	vld [tilespmem:$0x18090]  }
0x83: {  	v21 =	vld [tilespmem:$0x17C90]  }
0x84: {  	v22 =	vld [tilespmem:$0x180A0]  }
0x85: {  	v23 =	vld [tilespmem:$0x17CA0]  }
0x86: {  	v24 =	vld [tilespmem:$0x180B0]  }
0x87: {  	v25 =	vld [tilespmem:$0x17CB0]  }
0x88: {  	v26 =	vld [tilespmem:$0x180C0]  }
0x89: {  	v27 =	vld [tilespmem:$0x17CC0]  }
0x8a: {  	v28 =	vld [tilespmem:$0x180D0]  }
0x8b: {  	v29 =	vld [tilespmem:$0x17CD0]  }
0x8c: {  	v30 =	vld [tilespmem:$0x180E0]  }
0x8d: {  	v31 =	vld [tilespmem:$0x17CE0]  }
0x8e: {  	v32 =	vld [tilespmem:$0x180F0]  }
0x8f: {  	v33 =	vld [tilespmem:$0x17CF0]  }
0x90: {  	v34 =	vld [tilespmem:$0x18100]  }
0x91: {  	v35 =	vld [tilespmem:$0x17D00]  }
0x92: {  	v36 =	vld [tilespmem:$0x18110]  }
0x93: {  	v37 =	vld [tilespmem:$0x17D10]  }
0x94: {  	v38 =	vld [tilespmem:$0x18120]  }
0x95: {  	v39 =	vld [tilespmem:$0x17D20]  }
0x96: {  	v40 =	vld [tilespmem:$0x18130]  }
0x97: {  	v41 =	vld [tilespmem:$0x17D30]  }
0x98: {  	v42 =	vld [tilespmem:$0x18140]  }
0x99: {  	v43 =	vld [tilespmem:$0x17D40]  }
0x9a: {  	v44 =	vld [tilespmem:$0x18150]  }
0x9b: {  	v45 =	vld [tilespmem:$0x17D50]  }
0x9c: {  	v46 =	vld [tilespmem:$0x18160]  }
0x9d: {  	v47 =	vld [tilespmem:$0x17D60]  }
0x9e: {  	v48 =	vld [tilespmem:$0x18170]  }
0x9f: {  	v49 =	vld [tilespmem:$0x17D70]  }
0xa0: {  	v50 =	vld [tilespmem:$0x18180]  }
0xa1: {  	v51 =	vld [tilespmem:$0x17D80]  }
0xa2: {  	v52 =	vld [tilespmem:$0x18190]  }
0xa3: {  	v53 =	vld [tilespmem:$0x17D90]  }
0xa4: {  	v54 =	vld [tilespmem:$0x181A0]  }
0xa5: {  	v55 =	vld [tilespmem:$0x17DA0]  }
0xa6: {  	v56 =	vld [tilespmem:$0x181B0]  }
0xa7: {  	v57 =	vld [tilespmem:$0x17DB0]  }
0xa8: {  	v58 =	vld [tilespmem:$0x181C0]  }
0xa9: {  	v59 =	vld [tilespmem:$0x17DC0]  }
0xaa: {  	v60 =	vld [tilespmem:$0x181D0]  }
0xab: {  	v3 =	vld [tilespmem:$0x18200]  }
0xac: {  	v61 =	vld [tilespmem:$0x17DD0]  }
0xad: {  	v62 =	vld [tilespmem:$0x181E0]  }
0xae: {  	v63 =	vld [tilespmem:$0x17DE0]  }
0xaf: {  	[tilespmem:$0x1FFE0] =	vst v2;
	v2 =	vld [tilespmem:$0x17C00]  }
0xb0: {  	[tilespmem:$0x1FFA0] =	vst v3;
	v3 =	vld [tilespmem:$0x17E00]  }
0xb1: {  	v4 =	vadd.f32 v5, v4;
	v5 =	vld [tilespmem:$0x18220]  }
0xb2: {  	v6 =	vadd.f32 v7, v6;
	v7 =	vld [tilespmem:$0x17E20]  }
0xb3: {  	v13 =	vadd.f32 v13, v12;
	v12 =	vld [tilespmem:$0x18250]  }
0xb4: {  	v17 =	vadd.f32 v17, v16;
	v16 =	vld [tilespmem:$0x18270]  }
0xb5: {  	v19 =	vadd.f32 v19, v18;
	v18 =	vld [tilespmem:$0x18280]  }
0xb6: {  	v21 =	vadd.f32 v21, v20;
	v20 =	vld [tilespmem:$0x18290]  }
0xb7: {  	v23 =	vadd.f32 v23, v22;
	v22 =	vld [tilespmem:$0x182A0]  }
0xb8: {  	v25 =	vadd.f32 v25, v24;
	v24 =	vld [tilespmem:$0x182B0]  }
0xb9: {  	v27 =	vadd.f32 v27, v26;
	v26 =	vld [tilespmem:$0x182C0];
	[tilespmem:$0x18010] =	vst v4  }
0xba: {  	v29 =	vadd.f32 v29, v28;
	v28 =	vld [tilespmem:$0x182D0];
	[tilespmem:$0x18020] =	vst v6  }
0xbb: {  	v31 =	vadd.f32 v31, v30;
	v33 =	vadd.f32 v33, v32;
	v30 =	vld [tilespmem:$0x182E0];
	[tilespmem:$0x18050] =	vst v13  }
0xbc: {  	v35 =	vadd.f32 v35, v34;
	v38 =	vadd.f32 v39, v38;
	v32 =	vld [tilespmem:$0x182F0];
	[tilespmem:$0x18070] =	vst v17  }
0xbd: {  	v39 =	vadd.f32 v41, v40;
	v40 =	vadd.f32 v43, v42;
	v34 =	vld [tilespmem:$0x18300];
	[tilespmem:$0x18080] =	vst v19  }
0xbe: {  	v41 =	vadd.f32 v45, v44;
	v45 =	vadd.f32 v53, v52;
	v53 =	vld [tilespmem:$0x17F10];
	[tilespmem:$0x18090] =	vst v21  }
0xbf: {  	v42 =	vadd.f32 v47, v46;
	v46 =	vadd.f32 v55, v54;
	v55 =	vld [tilespmem:$0x18320];
	[tilespmem:$0x180A0] =	vst v23  }
0xc0: {  	v47 =	vadd.f32 v57, v56;
	v57 =	vld [tilespmem:$0x17F20];
	[tilespmem:$0x180B0] =	vst v25  }
0xc1: {  	[tilespmem:$0x1FFB0] =	vst v3;
	v3 =	vld [tilespmem:$0x18210]  }
0xc2: {  	v43 =	vadd.f32 v49, v48;
	v48 =	vadd.f32 v59, v58;
	v58 =	vld [tilespmem:$0x18330];
	[tilespmem:$0x180C0] =	vst v27  }
0xc3: {  	v49 =	vadd.f32 v61, v60;
	v60 =	vld [tilespmem:$0x17F30];
	[tilespmem:$0x180D0] =	vst v29  }
0xc4: {  	v61 =	vld [tilespmem:$0x18340];
	[tilespmem:$0x180E0] =	vst v31  }
0xc5: {  	[tilespmem:$0x1FFF0] =	vst v2;
	v2 =	vld [tilespmem:$0x181F0]  }
0xc6: {  	v37 =	vadd.f32 v37, v36;
	[tilespmem:$0x1FFC0] =	vst v3;
	v3 =	vld [tilespmem:$0x17E10]  }
0xc7: {  	v44 =	vadd.f32 v51, v50;
	v50 =	vadd.f32 v63, v62;
	v63 =	vld [tilespmem:$0x17F40];
	[tilespmem:$0x180F0] =	vst v33  }
0xc8: {  	v51 =	vld [tilespmem:$0x1FFA0];
	[tilespmem:$0x18100] =	vst v35  }
0xc9: {  	v4 =	vadd.f32 v9, v8;
	v8 =	vld [tilespmem:$0x18230];
	[tilespmem:$0x18110] =	vst v37  }
0xca: {  	[tilespmem:$0x1FF90] =	vst v2;
	v2 =	vld [tilespmem:$0x17DF0]  }
0xcb: {  	[tilespmem:$0x1FFD0] =	vst v3;
	v3 =	vld [tilespmem:$0x1FF90]  }
0xcc: {  	v9 =	vld [tilespmem:$0x17E30];
	[tilespmem:$0x18120] =	vst v38  }
0xcd: {  	v6 =	vadd.f32 v11, v10;
	v10 =	vld [tilespmem:$0x18240];
	[tilespmem:$0x18130] =	vst v39  }
0xce: {  	v11 =	vld [tilespmem:$0x17E40];
	[tilespmem:$0x18140] =	vst v40  }
0xcf: {  	v13 =	vld [tilespmem:$0x17E50];
	[tilespmem:$0x18150] =	vst v41  }
0xd0: {  	v17 =	vld [tilespmem:$0x17E70];
	[tilespmem:$0x18160] =	vst v42;
	v2 =	vadd.f32 v2, v3  }
0xd1: {  	[tilespmem:$0x18170] =	vst v43;
	v54 =	vld [tilespmem:$0x1FFD0]  }
0xd2: {  	[tilespmem:$0x181F0] =	vst v2;
	v2 =	vld [tilespmem:$0x1FFC0]  }
0xd3: {  	v19 =	vld [tilespmem:$0x17E80];
	[tilespmem:$0x18180] =	vst v44  }
0xd4: {  	v21 =	vld [tilespmem:$0x17E90];
	[tilespmem:$0x18190] =	vst v45  }
0xd5: {  	v23 =	vld [tilespmem:$0x17EA0];
	[tilespmem:$0x181A0] =	vst v46  }
0xd6: {  	v25 =	vld [tilespmem:$0x18000];
	[tilespmem:$0x181B0] =	vst v47  }
0xd7: {  	v27 =	vld [tilespmem:$0x17EC0];
	[tilespmem:$0x181C0] =	vst v48;
	v2 =	vadd.f32 v54, v2  }
0xd8: {  	v29 =	vld [tilespmem:$0x17ED0];
	[tilespmem:$0x181D0] =	vst v49  }
0xd9: {  	v31 =	vld [tilespmem:$0x17EE0];
	[tilespmem:$0x18210] =	vst v2;
	v2 =	vadd.f32 v9, v8  }
0xda: {  	v33 =	vld [tilespmem:$0x17EF0];
	[tilespmem:$0x181E0] =	vst v50  }
0xdb: {  	v35 =	vld [tilespmem:$0x17F00];
	[tilespmem:$0x18230] =	vst v2;
	v2 =	vadd.f32 v13, v12  }
0xdc: {  	v37 =	vld [tilespmem:$0x18350];
	[tilespmem:$0x18030] =	vst v4  }
0xdd: {  	v39 =	vld [tilespmem:$0x17F50];
	[tilespmem:$0x18250] =	vst v2;
	v2 =	vadd.f32 v17, v16  }
0xde: {  	v40 =	vld [tilespmem:$0x18360];
	[tilespmem:$0x18040] =	vst v6;
	v6 =	vadd.f32 v15, v14  }
0xdf: {  	v42 =	vld [tilespmem:$0x17F60];
	[tilespmem:$0x18270] =	vst v2;
	v2 =	vadd.f32 v21, v20  }
0xe0: {  	v14 =	vld [tilespmem:$0x18260];
	v56 =	vadd.f32 v7, v5;
	[tilespmem:$0x18060] =	vst v6  }
0xe1: {  	v59 =	vadd.f32 v11, v10;
	[tilespmem:$0x18290] =	vst v2;
	v2 =	vld [tilespmem:$0x1FFE0]  }
0xe2: {  	v15 =	vld [tilespmem:$0x17E60];
	[tilespmem:$0x18220] =	vst v56;
	v38 =	vadd.f32 v19, v18  }
0xe3: {  	v43 =	vld [tilespmem:$0x18370];
	v41 =	vadd.f32 v23, v22;
	[tilespmem:$0x18240] =	vst v59  }
0xe4: {  	v52 =	vld [tilespmem:$0x1FFB0];
	v47 =	vadd.f32 v29, v28;
	[tilespmem:$0x18280] =	vst v38  }
0xe5: {  	v45 =	vld [tilespmem:$0x17F70];
	v50 =	vadd.f32 v33, v32;
	[tilespmem:$0x182A0] =	vst v41  }
0xe6: {  	[tilespmem:$0x182D0] =	vst v47;
	v3 =	vld [tilespmem:$0x18310];
	v2 =	vadd.f32 v2, v24  }
0xe7: {  	v46 =	vld [tilespmem:$0x18380];
	v62 =	vadd.f32 v15, v14;
	[tilespmem:$0x182F0] =	vst v50  }
0xe8: {  	v48 =	vld [tilespmem:$0x17F80];
	[tilespmem:$0x182B0] =	vst v2;
	v2 =	vadd.f32 v27, v26  }
0xe9: {  	v49 =	vld [tilespmem:$0x18390];
	v4 =	vadd.f32 v52, v51;
	[tilespmem:$0x18260] =	vst v62  }
0xea: {  	v44 =	vld [tilespmem:$0x1FFF0];
	[tilespmem:$0x182C0] =	vst v2;
	v2 =	vadd.f32 v31, v30  }
0xeb: {  	v56 =	vld [tilespmem:$0x183C0];
	[tilespmem:$0x18200] =	vst v4;
	v3 =	vadd.f32 v53, v3  }
0xec: {  	v59 =	vld [tilespmem:$0x17FD0];
	[tilespmem:$0x182E0] =	vst v2;
	v2 =	vadd.f32 v35, v34  }
0xed: {  	v51 =	vld [tilespmem:$0x17F90];
	[tilespmem:$0x18310] =	vst v3;
	v3 =	vadd.f32 v60, v58  }
0xee: {  	v52 =	vld [tilespmem:$0x183A0];
	[tilespmem:$0x18300] =	vst v2;
	v2 =	vadd.f32 v57, v55  }
0xef: {  	v53 =	vld [tilespmem:$0x17FA0];
	[tilespmem:$0x18330] =	vst v3;
	v3 =	vadd.f32 v39, v37  }
0xf0: {  	v54 =	vld [tilespmem:$0x183B0];
	[tilespmem:$0x18320] =	vst v2;
	v2 =	vadd.f32 v63, v61  }
0xf1: {  	v58 =	vld [tilespmem:$0x183D0];
	[tilespmem:$0x18350] =	vst v3;
	v3 =	vadd.f32 v45, v43  }
0xf2: {  	v55 =	vld [tilespmem:$0x17FB0];
	[tilespmem:$0x18340] =	vst v2;
	v2 =	vadd.f32 v42, v40  }
0xf3: {  	v16 =	vadd.f32 v44, v25;
	[tilespmem:$0x18370] =	vst v3;
	v57 =	vld [tilespmem:$0x17FC0]  }
0xf4: {  	v60 =	vld [tilespmem:$0x183E0];
	[tilespmem:$0x18360] =	vst v2;
	v2 =	vadd.f32 v48, v46  }
0xf5: {  	v3 =	vadd.f32 v51, v49;
	[tilespmem:$0x18000] =	vst v16;
	v61 =	vld [tilespmem:$0x17FE0]  }
0xf6: {  	v62 =	vld [tilespmem:$0x183F0];
	[tilespmem:$0x18380] =	vst v2;
	v2 =	vadd.f32 v53, v52  }
0xf7: {  	[tilespmem:$0x18390] =	vst v3;
	v63 =	vld [tilespmem:$0x17FF0];
	v3 =	vadd.f32 v55, v54  }
0xf8: {  	[tilespmem:$0x183A0] =	vst v2;
	v2 =	vadd.f32 v57, v56  }
0xf9: {  	[tilespmem:$0x183B0] =	vst v3;
	v3 =	vadd.f32 v59, v58  }
0xfa: {  	[tilespmem:$0x183C0] =	vst v2;
	v2 =	vadd.f32 v61, v60  }
0xfb: {  	[tilespmem:$0x183D0] =	vst v3  }
0xfc: {  	s13 =	simm.s32 $0x10000;
	[tilespmem:$0x183E0] =	vst v2;
	v2 =	vadd.f32 v63, v62  }
.LBB2_6:
0xfd: {  	_ = 	snop  }
0xfe: {  	s14 =	sshra.s32 s13, $0x2;
	p0 =	sne.s32 s13, $0xF0000;
	s13 =	sadd.s32 $0x10000, s13;
	[tilespmem:$0x183F0] =	vst v2  }
0xff: {  	s14 =	sadd.s32 s14, s5  }
0x100: {  	[tilespmem:s10], [sflag:$0x1] =	stream.linear.gather [spmem:s14], $0x400, $0x38;
	[tilespmem:$0x1C400] =	vst v63  }
0x101: {  	_ =	swait.ge [sflag:s8], $0x400  }
0x102: {  	[sflag:s8] =	ssyncset.done $0x0  }
0x103: {  	[sflag:s8] =	ssyncadd.s32 $0xFFFFFC00  }
0x104: {  	v3 =	vld [tilespmem:$0x17EB0]  }
0x105: {  	v2 =	vld [tilespmem:$0x17C00]  }
0x106: {  	v4 =	vld [tilespmem:$0x18010]  }
0x107: {  	v5 =	vld [tilespmem:$0x17C10]  }
0x108: {  	v6 =	vld [tilespmem:$0x18020]  }
0x109: {  	v7 =	vld [tilespmem:$0x17C20]  }
0x10a: {  	v8 =	vld [tilespmem:$0x18030]  }
0x10b: {  	v9 =	vld [tilespmem:$0x17C30]  }
0x10c: {  	v4 =	vadd.f32 v5, v4;
	v5 =	vld [tilespmem:$0x18040]  }
0x10d: {  	v10 =	vld [tilespmem:$0x17C40]  }
0x10e: {  	[tilespmem:$0x18010] =	vst v4;
	v4 =	vadd.f32 v7, v6;
	v6 =	vld [tilespmem:$0x18050]  }
0x10f: {  	v7 =	vld [tilespmem:$0x17C50]  }
0x110: {  	[tilespmem:$0x18020] =	vst v4;
	v4 =	vadd.f32 v9, v8;
	v8 =	vld [tilespmem:$0x18060]  }
0x111: {  	v9 =	vld [tilespmem:$0x17C60]  }
0x112: {  	[tilespmem:$0x18030] =	vst v4;
	v4 =	vadd.f32 v10, v5;
	v5 =	vld [tilespmem:$0x18070]  }
0x113: {  	v10 =	vld [tilespmem:$0x17C70]  }
0x114: {  	[tilespmem:$0x18040] =	vst v4;
	v4 =	vadd.f32 v7, v6;
	v6 =	vld [tilespmem:$0x18080]  }
0x115: {  	v7 =	vld [tilespmem:$0x17C80]  }
0x116: {  	[tilespmem:$0x18050] =	vst v4;
	v4 =	vadd.f32 v9, v8;
	v8 =	vld [tilespmem:$0x18090]  }
0x117: {  	v9 =	vld [tilespmem:$0x17C90]  }
0x118: {  	[tilespmem:$0x18060] =	vst v4;
	v4 =	vadd.f32 v10, v5;
	v5 =	vld [tilespmem:$0x180A0]  }
0x119: {  	v10 =	vld [tilespmem:$0x17CA0]  }
0x11a: {  	[tilespmem:$0x18070] =	vst v4;
	v4 =	vadd.f32 v7, v6;
	v6 =	vld [tilespmem:$0x180B0]  }
0x11b: {  	v7 =	vld [tilespmem:$0x17CB0]  }
0x11c: {  	[tilespmem:$0x18080] =	vst v4;
	v4 =	vadd.f32 v9, v8;
	v8 =	vld [tilespmem:$0x180C0]  }
0x11d: {  	v9 =	vld [tilespmem:$0x17CC0]  }
0x11e: {  	[tilespmem:$0x18090] =	vst v4;
	v4 =	vadd.f32 v10, v5;
	v5 =	vld [tilespmem:$0x180D0]  }
0x11f: {  	v10 =	vld [tilespmem:$0x17CD0]  }
0x120: {  	[tilespmem:$0x180A0] =	vst v4;
	v4 =	vadd.f32 v7, v6;
	v6 =	vld [tilespmem:$0x180E0]  }
0x121: {  	v7 =	vld [tilespmem:$0x17CE0]  }
0x122: {  	[tilespmem:$0x180B0] =	vst v4;
	v4 =	vadd.f32 v9, v8;
	v8 =	vld [tilespmem:$0x180F0]  }
0x123: {  	v9 =	vld [tilespmem:$0x17CF0]  }
0x124: {  	[tilespmem:$0x180C0] =	vst v4;
	v4 =	vadd.f32 v10, v5;
	v5 =	vld [tilespmem:$0x18100]  }
0x125: {  	v10 =	vld [tilespmem:$0x17D00]  }
0x126: {  	[tilespmem:$0x180D0] =	vst v4;
	v4 =	vadd.f32 v7, v6;
	v6 =	vld [tilespmem:$0x18110]  }
0x127: {  	v7 =	vld [tilespmem:$0x17D10]  }
0x128: {  	[tilespmem:$0x180E0] =	vst v4;
	v4 =	vadd.f32 v9, v8;
	v8 =	vld [tilespmem:$0x18120]  }
0x129: {  	v9 =	vld [tilespmem:$0x17D20]  }
0x12a: {  	[tilespmem:$0x180F0] =	vst v4;
	v4 =	vadd.f32 v10, v5;
	v5 =	vld [tilespmem:$0x18130]  }
0x12b: {  	v10 =	vld [tilespmem:$0x17D30]  }
0x12c: {  	[tilespmem:$0x18100] =	vst v4;
	v4 =	vadd.f32 v7, v6;
	v6 =	vld [tilespmem:$0x18140]  }
0x12d: {  	v7 =	vld [tilespmem:$0x17D40]  }
0x12e: {  	[tilespmem:$0x18110] =	vst v4;
	v4 =	vadd.f32 v9, v8;
	v8 =	vld [tilespmem:$0x18150]  }
0x12f: {  	v9 =	vld [tilespmem:$0x17D50]  }
0x130: {  	[tilespmem:$0x18120] =	vst v4;
	v4 =	vadd.f32 v10, v5;
	v5 =	vld [tilespmem:$0x18160]  }
0x131: {  	v10 =	vld [tilespmem:$0x17D60]  }
0x132: {  	[tilespmem:$0x18130] =	vst v4;
	v4 =	vadd.f32 v7, v6;
	v6 =	vld [tilespmem:$0x18170]  }
0x133: {  	v7 =	vld [tilespmem:$0x17D70]  }
0x134: {  	[tilespmem:$0x18140] =	vst v4;
	v4 =	vadd.f32 v9, v8;
	v8 =	vld [tilespmem:$0x18180]  }
0x135: {  	v9 =	vld [tilespmem:$0x17D80]  }
0x136: {  	[tilespmem:$0x18150] =	vst v4;
	v4 =	vadd.f32 v10, v5;
	v5 =	vld [tilespmem:$0x18190]  }
0x137: {  	v10 =	vld [tilespmem:$0x17D90]  }
0x138: {  	[tilespmem:$0x18160] =	vst v4;
	v4 =	vadd.f32 v7, v6;
	v6 =	vld [tilespmem:$0x181A0]  }
0x139: {  	v7 =	vld [tilespmem:$0x17DA0]  }
0x13a: {  	[tilespmem:$0x18170] =	vst v4;
	v4 =	vadd.f32 v9, v8;
	v8 =	vld [tilespmem:$0x181B0]  }
0x13b: {  	v9 =	vld [tilespmem:$0x17DB0]  }
0x13c: {  	[tilespmem:$0x18180] =	vst v4;
	v4 =	vadd.f32 v10, v5;
	v5 =	vld [tilespmem:$0x181C0]  }
0x13d: {  	v10 =	vld [tilespmem:$0x17DC0]  }
0x13e: {  	[tilespmem:$0x18190] =	vst v4;
	v4 =	vadd.f32 v7, v6;
	v6 =	vld [tilespmem:$0x181D0]  }
0x13f: {  	v7 =	vld [tilespmem:$0x17DD0]  }
0x140: {  	[tilespmem:$0x181A0] =	vst v4;
	v4 =	vadd.f32 v9, v8;
	v8 =	vld [tilespmem:$0x181E0]  }
0x141: {  	v9 =	vld [tilespmem:$0x17DE0]  }
0x142: {  	[tilespmem:$0x181B0] =	vst v4;
	v4 =	vadd.f32 v10, v5;
	v5 =	vld [tilespmem:$0x181F0]  }
0x143: {  	v10 =	vld [tilespmem:$0x17DF0]  }
0x144: {  	[tilespmem:$0x181C0] =	vst v4;
	v4 =	vadd.f32 v7, v6;
	v6 =	vld [tilespmem:$0x18200]  }
0x145: {  	v7 =	vld [tilespmem:$0x17E00]  }
0x146: {  	[tilespmem:$0x181D0] =	vst v4;
	v4 =	vadd.f32 v9, v8;
	v8 =	vld [tilespmem:$0x18210]  }
0x147: {  	v9 =	vld [tilespmem:$0x17E10]  }
0x148: {  	[tilespmem:$0x181E0] =	vst v4;
	v4 =	vadd.f32 v10, v5;
	v5 =	vld [tilespmem:$0x18220]  }
0x149: {  	v10 =	vld [tilespmem:$0x17E20]  }
0x14a: {  	[tilespmem:$0x181F0] =	vst v4;
	v4 =	vadd.f32 v7, v6;
	v6 =	vld [tilespmem:$0x18230]  }
0x14b: {  	v7 =	vld [tilespmem:$0x17E30]  }
0x14c: {  	[tilespmem:$0x18200] =	vst v4;
	v4 =	vadd.f32 v9, v8;
	v8 =	vld [tilespmem:$0x18240]  }
0x14d: {  	v9 =	vld [tilespmem:$0x17E40]  }
0x14e: {  	[tilespmem:$0x18210] =	vst v4;
	v4 =	vadd.f32 v10, v5;
	v5 =	vld [tilespmem:$0x18250]  }
0x14f: {  	v10 =	vld [tilespmem:$0x17E50]  }
0x150: {  	[tilespmem:$0x18220] =	vst v4;
	v4 =	vadd.f32 v7, v6;
	v6 =	vld [tilespmem:$0x18260]  }
0x151: {  	v7 =	vld [tilespmem:$0x17E60]  }
0x152: {  	[tilespmem:$0x18230] =	vst v4;
	v4 =	vadd.f32 v9, v8;
	v8 =	vld [tilespmem:$0x18270]  }
0x153: {  	v9 =	vld [tilespmem:$0x17E70]  }
0x154: {  	[tilespmem:$0x18240] =	vst v4;
	v4 =	vadd.f32 v10, v5;
	v5 =	vld [tilespmem:$0x18280]  }
0x155: {  	v10 =	vld [tilespmem:$0x17E80]  }
0x156: {  	[tilespmem:$0x18250] =	vst v4;
	v4 =	vadd.f32 v7, v6;
	v6 =	vld [tilespmem:$0x18290]  }
0x157: {  	v7 =	vld [tilespmem:$0x17E90]  }
0x158: {  	[tilespmem:$0x18260] =	vst v4;
	v4 =	vadd.f32 v9, v8;
	v8 =	vld [tilespmem:$0x182A0]  }
0x159: {  	v9 =	vld [tilespmem:$0x17EA0]  }
0x15a: {  	[tilespmem:$0x18270] =	vst v4;
	v4 =	vadd.f32 v10, v5;
	v5 =	vld [tilespmem:$0x182B0]  }
0x15b: {  	v10 =	vld [tilespmem:$0x18000]  }
0x15c: {  	[tilespmem:$0x18280] =	vst v4;
	v4 =	vadd.f32 v7, v6;
	v6 =	vld [tilespmem:$0x182C0]  }
0x15d: {  	v7 =	vld [tilespmem:$0x17EC0]  }
0x15e: {  	[tilespmem:$0x18290] =	vst v4;
	v4 =	vadd.f32 v9, v8;
	v8 =	vld [tilespmem:$0x182D0]  }
0x15f: {  	v3 =	vadd.f32 v3, v5;
	v5 =	vld [tilespmem:$0x17ED0]  }
0x160: {  	v2 =	vadd.f32 v2, v10;
	[tilespmem:$0x182A0] =	vst v4;
	v4 =	vld [tilespmem:$0x182E0]  }
0x161: {  	[tilespmem:$0x182B0] =	vst v3;
	v3 =	vld [tilespmem:$0x17EE0]  }
0x162: {  	[tilespmem:$0x18000] =	vst v2;
	v2 =	vadd.f32 v7, v6;
	v6 =	vld [tilespmem:$0x182F0]  }
0x163: {  	v7 =	vld [tilespmem:$0x17EF0]  }
0x164: {  	[tilespmem:$0x182C0] =	vst v2;
	v2 =	vadd.f32 v5, v8;
	v5 =	vld [tilespmem:$0x18300]  }
0x165: {  	v8 =	vld [tilespmem:$0x17F00]  }
0x166: {  	[tilespmem:$0x182D0] =	vst v2;
	v2 =	vadd.f32 v3, v4;
	v3 =	vld [tilespmem:$0x18310]  }
0x167: {  	v4 =	vld [tilespmem:$0x17F10]  }
0x168: {  	[tilespmem:$0x182E0] =	vst v2;
	v2 =	vadd.f32 v7, v6;
	v6 =	vld [tilespmem:$0x18320]  }
0x169: {  	v7 =	vld [tilespmem:$0x17F20]  }
0x16a: {  	[tilespmem:$0x182F0] =	vst v2;
	v2 =	vadd.f32 v8, v5;
	v5 =	vld [tilespmem:$0x18330]  }
0x16b: {  	v8 =	vld [tilespmem:$0x17F30]  }
0x16c: {  	[tilespmem:$0x18300] =	vst v2;
	v2 =	vadd.f32 v4, v3;
	v3 =	vld [tilespmem:$0x18340]  }
0x16d: {  	v4 =	vld [tilespmem:$0x17F40]  }
0x16e: {  	[tilespmem:$0x18310] =	vst v2;
	v2 =	vadd.f32 v7, v6;
	v6 =	vld [tilespmem:$0x18350]  }
0x16f: {  	v7 =	vld [tilespmem:$0x17F50]  }
0x170: {  	[tilespmem:$0x18320] =	vst v2;
	v2 =	vadd.f32 v8, v5;
	v5 =	vld [tilespmem:$0x18360]  }
0x171: {  	v8 =	vld [tilespmem:$0x17F60]  }
0x172: {  	[tilespmem:$0x18330] =	vst v2;
	v2 =	vadd.f32 v4, v3;
	v3 =	vld [tilespmem:$0x18370]  }
0x173: {  	v4 =	vld [tilespmem:$0x17F70]  }
0x174: {  	[tilespmem:$0x18340] =	vst v2;
	v2 =	vadd.f32 v7, v6;
	v6 =	vld [tilespmem:$0x18380]  }
0x175: {  	v7 =	vld [tilespmem:$0x17F80]  }
0x176: {  	[tilespmem:$0x18350] =	vst v2;
	v2 =	vadd.f32 v8, v5;
	v5 =	vld [tilespmem:$0x18390]  }
0x177: {  	v8 =	vld [tilespmem:$0x17F90]  }
0x178: {  	[tilespmem:$0x18360] =	vst v2;
	v2 =	vadd.f32 v4, v3;
	v3 =	vld [tilespmem:$0x183A0]  }
0x179: {  	v4 =	vld [tilespmem:$0x17FA0]  }
0x17a: {  	[tilespmem:$0x18370] =	vst v2;
	v2 =	vadd.f32 v7, v6;
	v6 =	vld [tilespmem:$0x183B0]  }
0x17b: {  	v7 =	vld [tilespmem:$0x17FB0]  }
0x17c: {  	[tilespmem:$0x18380] =	vst v2;
	v2 =	vadd.f32 v8, v5;
	v5 =	vld [tilespmem:$0x183C0]  }
0x17d: {  	v8 =	vld [tilespmem:$0x17FC0]  }
0x17e: {  	[tilespmem:$0x18390] =	vst v2;
	v2 =	vadd.f32 v4, v3;
	v3 =	vld [tilespmem:$0x183D0]  }
0x17f: {  	v4 =	vld [tilespmem:$0x17FD0]  }
0x180: {  	[tilespmem:$0x183A0] =	vst v2;
	v2 =	vadd.f32 v7, v6;
	v6 =	vld [tilespmem:$0x183E0]  }
0x181: {  	v7 =	vld [tilespmem:$0x17FE0]  }
0x182: {  	[tilespmem:$0x183B0] =	vst v2;
	v2 =	vadd.f32 v8, v5;
	v5 =	vld [tilespmem:$0x183F0]  }
0x183: {  	v8 =	vld [tilespmem:$0x17FF0]  }
.Ltmp2:
0x184: {  	[tilespmem:$0x183C0] =	vst v2;
	v2 =	vadd.f32 v4, v3;
	(pc) =	sbr.rel @p0 .LBB2_6-.Ltmp2, $3  }
0x185: {  	_ = 	snop  }
0x186: {  	[tilespmem:$0x183D0] =	vst v2;
	v2 =	vadd.f32 v7, v6;
	_ =	sdelay $0x1  }
0x187: {  	[tilespmem:$0x183E0] =	vst v2;
	v2 =	vadd.f32 v8, v5  }
0x188: {  	s12 =	sadd.s32 $0x1, s12  }
0x189: {  	p0 =	sne.s32 s12, s7  }
.Ltmp3:
0x18a: {  	[tilespmem:$0x183F0] =	vst v2;
	(pc) =	sbr.rel @p0 .LBB2_1-.Ltmp3, $4  }
0x18b: {  	[hbm4b:s6+s2] =	stream.linear.scatter [tilespmem:s11], [sflag:$0x1], $0x400, $0x38;
	[tilespmem:$0x1C400] =	vst v63  }
0x18c: {  	_ =	swait.ge [sflag:s8], $0x400  }
0x18d: {  	[sflag:s8] =	ssyncset.done $0x0  }
0x18e: {  	[sflag:s8] =	ssyncadd.s32 $0xFFFFFC00  }
0x18f: {  	_ =	sfence.sel $0x180000  }
0x190: {  	[bflag:$0x0] =	sbarrier.arrive $0xFFFF  }
0x191: {  	p0 =	sne.s32 s1, $0x0;
	_ =	strace $0x90000047  }
0x192: {  	s0 =	sadd.s32 @!p0 $0x100000, s0;
	[bflag:$0x2] =	sbarrier.arrive $0xFFFF  }
0x193: {  	[sflag:s0] =	ssyncadd.tile.s32 @!p0 $0x1;
	_ =	shalt  }
.Lfunc_end2:
_tile_overlayer_lowered:
.L_overlay_start_2:
0x194: {  	(tag) =	ssettag $0x2  }
0x195: {  	s0 =	rddreg [dreg:$0x0];
	s2 =	stileid.u32  }
0x196: {  	s1 =	rddreg [dreg:$0x1];
	p0 =	sne.s32 s2, $0x0  }
0x197: {  	s3 =	rddreg [dreg:$0x2];
	[bflag:$0x3] =	sbarrier.arrive $0xFFFF;
	s2 =	simm.s32 @!p0 $0x1C01  }
0x198: {  	[timem:s3], [sflag:s2] =	dma.local @!p0 [hbm:s0], s1  }
0x199: {  	s0 =	simm.s32 @!p0 $0x1  }
0x19a: {  	_ =	swait.ge @!p0 [sflag:s0], s1  }
0x19b: {  	s1 =	ssub.s32 @!p0 $0x0, s1;
	[sflag:s0] =	ssyncset.done @!p0 $0x0  }
0x19c: {  	[sflag:s0] =	ssyncadd.s32 @!p0 s1  }
0x19d: {  	[bflag:$0x3] =	sbarrier.arrive $0xFFFF  }
0x19e: {  	_ =	shalt  }

</sc_bundles>
